<compile_context>
chip_gen: v7x
topology: tpu7x:2x2x1
jax: 0.10.2.dev20260603
libtpu: 0.0.44.dev20260713+nightly
codegen_flags: <defaults>
</compile_context>

<pallas_src>
import functools

import jax
import jax.numpy as jnp
from jax import lax
from jax.experimental import pallas as pl
from jax.experimental.pallas import tpu as pltpu
from jax.experimental.pallas import tpu_sc as plsc

N_NODES = 10000
N_EDGES = 320000
IN_DIM = 128
HID = 128
OUT = 2
K_ORDERS = 3

NC, NS = 2, 16
NW = NC * NS
CHUNK = 128
CPT = 80
ISET = 8
E_PAD = NW * CPT * CHUNK
ROWS_PER_TILE = 640
NROWS_PAD = NS * ROWS_PER_TILE
DUMMY_ROW = N_NODES


def _sc_segment_sum(xp, col2d, row2d):
    mesh = plsc.VectorSubcoreMesh(core_axis_name="c", subcore_axis_name="s")
    PACK = IN_DIM // 2

    @functools.partial(
        pl.kernel,
        mesh=mesh,
        compiler_params=pltpu.CompilerParams(use_tc_tiling_on_sc=False,
                                             needs_layout_passes=False),
        out_type=(jax.ShapeDtypeStruct((NC, NROWS_PAD, IN_DIM), jnp.float32),
                  jax.ShapeDtypeStruct((NC * NROWS_PAD,), jnp.float32)),
        scratch_types=[
            pltpu.VMEM((ISET, CHUNK), jnp.int32),
            pltpu.VMEM((ISET, CHUNK), jnp.int32),
            pltpu.VMEM((ISET, CHUNK), jnp.int32),
            pltpu.VMEM((ISET, CHUNK), jnp.int32),
            pltpu.VMEM((CHUNK, PACK), jnp.int32),
            pltpu.VMEM((CHUNK, PACK), jnp.int32),
            pltpu.VMEM((CHUNK, IN_DIM), jnp.float32),
            pltpu.VMEM((CHUNK,), jnp.float32),
            pltpu.VMEM_SHARED((NROWS_PAD, IN_DIM), jnp.float32),
            pltpu.VMEM_SHARED((NROWS_PAD,), jnp.float32),
            pltpu.SemaphoreType.DMA,
            pltpu.SemaphoreType.DMA,
            pltpu.SemaphoreType.DMA,
            pltpu.SemaphoreType.DMA,
            pltpu.SemaphoreType.DMA,
            pltpu.SemaphoreType.DMA,
        ],
    )
    def sc_kernel(x_hbm, col_hbm, row_hbm, out_hbm, deg_hbm, colA, rowA,
                  colB, rowB, bufa, bufb, fbuf, onesv, acc_sh, deg_sh,
                  sga, sgb, sia, sib, sd, ss):
        cid = lax.axis_index("c")
        sid = lax.axis_index("s")
        wid = cid * NS + sid
        base = sid * ROWS_PER_TILE
        cbase = wid * CPT

        def zero_body(t, carry):
            i = t // (IN_DIM // 16)
            j = t % (IN_DIM // 16)
            fbuf[i, pl.ds(j * 16, 16)] = jnp.zeros((16,), jnp.float32)
            return carry
        lax.fori_loop(0, CHUNK * (IN_DIM // 16), zero_body, 0)
        for r in range(ROWS_PER_TILE // CHUNK):
            pltpu.sync_copy(fbuf, acc_sh.at[pl.ds(base + r * CHUNK, CHUNK)])

        def zerod_body(t, carry):
            onesv[pl.ds(t * 16, 16)] = jnp.zeros((16,), jnp.float32)
            return carry
        lax.fori_loop(0, CHUNK // 16, zerod_body, 0)
        for r in range(ROWS_PER_TILE // CHUNK):
            pltpu.sync_copy(onesv, deg_sh.at[pl.ds(base + r * CHUNK, CHUNK)])

        def ones_body(t, carry):
            onesv[pl.ds(t * 16, 16)] = jnp.ones((16,), jnp.float32)
            return carry
        lax.fori_loop(0, CHUNK // 16, ones_body, 0)
        plsc.subcore_barrier()

        bufs = (bufa, bufb)
        sems = (sga, sgb)
        NBODY = CPT // (2 * ISET)
        HMASK = jnp.int32(-65536)

        def unpack(pbuf):
            def row_body(rq, carry):
                for q in range(4):
                    r = rq * 4 + q
                    for g in range(PACK // 16):
                        w = pbuf[r, pl.ds(g * 16, 16)]
                        fbuf[r, pl.ds(g * 16, 16)] = plsc.bitcast(
                            w << 16, jnp.float32)
                        fbuf[r, pl.ds(PACK + g * 16, 16)] = plsc.bitcast(
                            w & HMASK, jnp.float32)
                return carry
            lax.fori_loop(0, CHUNK // 4, row_body, 0)

        def scat(iset, off):
            pltpu.async_copy(fbuf, acc_sh.at[iset.at[off]], ss, add=True)

        def swait():
            pltpu.make_async_copy(fbuf, acc_sh.at[rowA.at[0]], ss).wait()

        def deg_add(rowset, o):
            pltpu.async_copy(onesv, deg_sh.at[rowset.at[o]], sd, add=True)

        def deg_drain(n):
            for _ in range(n):
                pltpu.make_async_copy(
                    onesv, deg_sh.at[rowA.at[0]], sd).wait()

        def load_idx(cset, rset, start, sem):
            pltpu.async_copy(col_hbm.at[pl.ds(start, ISET)], cset, sem)
            pltpu.async_copy(row_hbm.at[pl.ds(start, ISET)], rset, sem)

        def wait_idx(cset, rset, sem):
            pltpu.make_async_copy(col_hbm.at[pl.ds(0, ISET)], cset, sem).wait()
            pltpu.make_async_copy(row_hbm.at[pl.ds(0, ISET)], rset, sem).wait()

        def gather(buf, cset, o, sem):
            pltpu.async_copy(x_hbm.at[cset.at[o]], buf, sem)

        def gwait(buf, sem):
            pltpu.make_async_copy(x_hbm.at[colA.at[0]], buf, sem).wait()

        pltpu.sync_copy(col_hbm.at[pl.ds(cbase, ISET)], colA)
        pltpu.sync_copy(row_hbm.at[pl.ds(cbase, ISET)], rowA)
        gather(bufa, colA, 0, sga)
        gather(bufb, colA, 1, sgb)
        scat(rowA, 0)

        def body(t, carry):
            C = cbase + 2 * ISET * t
            for o in range(2 * ISET):
                buf = bufs[o % 2]
                sem = sems[o % 2]
                iset, off = (rowA, o) if o < ISET else (rowB, o - ISET)
                gwait(buf, sem)
                swait()
                if o == 0:
                    load_idx(colB, rowB, C + ISET, sib)
                if o == ISET - 2:
                    wait_idx(colB, rowB, sib)
                if o == ISET:
                    deg_drain(ISET)
                    @pl.when(t < NBODY - 1)
                    def _():
                        load_idx(colA, rowA, C + 2 * ISET, sia)
                pass
                nxt = o + 2
                if nxt < ISET:
                    gather(buf, colA, nxt, sem)
                elif nxt < 2 * ISET:
                    gather(buf, colB, nxt - ISET, sem)
                else:
                    @pl.when(t < NBODY - 1)
                    def _():
                        if nxt == 2 * ISET:
                            wait_idx(colA, rowA, sia)
                        gather(buf, colA, nxt - 2 * ISET, sem)
                scat(iset, off)
                deg_add(iset, off)
            deg_drain(ISET)
            return carry
        lax.fori_loop(0, NBODY, body, 0)
        swait()

        plsc.subcore_barrier()
        for r in range(ROWS_PER_TILE // CHUNK):
            off = base + r * CHUNK
            pltpu.sync_copy(acc_sh.at[pl.ds(off, CHUNK)],
                            out_hbm.at[cid, pl.ds(off, CHUNK)])
        pltpu.sync_copy(deg_sh.at[pl.ds(base, ROWS_PER_TILE)],
                        deg_hbm.at[pl.ds(cid * NROWS_PAD + base,
                                         ROWS_PER_TILE)])

    return sc_kernel(xp, col2d, row2d)


def _tc_dense(p0, p1, degT, enc_W, enc_b, attn_w, attn_b, W1, b1, W2, b2):
    RB = 1000
    grid = N_NODES // RB

    def body(p0_r, p1_r, deg_r, eW_r, eb_r, aw_r, ab_r, W1_r, b1_r, W2_r,
             b2_r, out_r):
        agg = p0_r[...] + p1_r[...]
        deg = jnp.sum(deg_r[...], axis=1, keepdims=True)
        aw = aw_r[...]
        ab = ab_r[0, 0]
        hs, ss = [], []
        for k in range(K_ORDERS):
            h = jnp.maximum(
                jnp.dot(agg, eW_r[k], preferred_element_type=jnp.float32)
                + deg * eb_r[k][None, :], 0.0)
            s = jnp.tanh(jnp.dot(h, aw, preferred_element_type=jnp.float32)
                         + ab)
            hs.append(h)
            ss.append(s)
        m = jnp.maximum(jnp.maximum(ss[0], ss[1]), ss[2])
        es = [jnp.exp(s - m) for s in ss]
        z = es[0] + es[1] + es[2]
        final = (es[0] * hs[0] + es[1] * hs[1] + es[2] * hs[2]) / z
        hid = jnp.maximum(
            jnp.dot(final, W1_r[...], preferred_element_type=jnp.float32)
            + b1_r[...], 0.0)
        out_r[...] = (jnp.dot(hid, W2_r[...], preferred_element_type=jnp.float32)
                      + b2_r[...])

    full = lambda shape: pl.BlockSpec(shape, lambda i: (0,) * len(shape))
    return pl.pallas_call(
        body,
        grid=(grid,),
        in_specs=[
            pl.BlockSpec((RB, IN_DIM), lambda i: (i, 0)),
            pl.BlockSpec((RB, IN_DIM), lambda i: (i, 0)),
            pl.BlockSpec((RB, NC), lambda i: (i, 0)),
            full((K_ORDERS, IN_DIM, HID)),
            full((K_ORDERS, HID)),
            full((HID, 1)),
            full((1, 1)),
            full((HID, HID)),
            full((1, HID)),
            full((HID, OUT)),
            full((1, OUT)),
        ],
        out_specs=pl.BlockSpec((RB, OUT), lambda i: (i, 0)),
        out_shape=jax.ShapeDtypeStruct((N_NODES, OUT), jnp.float32),
    )(p0, p1, degT, enc_W, enc_b, attn_w, attn_b, W1, b1, W2, b2)


def kernel(x, edge_index, enc_W, enc_b, attn_w, attn_b, clf_W1, clf_b1,
           clf_W2, clf_b2):
    row = edge_index[0]
    col = edge_index[1]
    pad = E_PAD - N_EDGES
    row_p = jnp.concatenate(
        [row, jnp.full((pad,), DUMMY_ROW, jnp.int32)]).reshape(-1, CHUNK)
    col_p = jnp.concatenate(
        [col, jnp.zeros((pad,), jnp.int32)]).reshape(-1, CHUNK)

    xb = x.astype(jnp.bfloat16)
    xp = jax.lax.bitcast_convert_type(
        jnp.stack([xb[:, :IN_DIM // 2], xb[:, IN_DIM // 2:]], axis=-1),
        jnp.int32)
    parts, deg = _sc_segment_sum(xp, col_p, row_p)
    degT = deg.reshape(NC, NROWS_PAD)[:, :N_NODES].T

    return _tc_dense(parts[0, :N_NODES], parts[1, :N_NODES], degT,
                     enc_W, enc_b, attn_w, attn_b.reshape(1, 1), clf_W1,
                     clf_b1.reshape(1, HID), clf_W2, clf_b2.reshape(1, OUT))

# --- scband reference (transcript-rebuilt; emitter-appended) ---
"""Pipeline reference for scband-hogrl-79577154060660 (READ-ONLY COPY).

The authoritative reference and input builder live on the scoring server;
editing this copy changes nothing except your own understanding.
"""

import jax, jax.numpy as jnp
import numpy as np

N_NODES = 10000
N_EDGES = 320000
IN_DIM = 128
HID = 128
OUT = 2
K_ORDERS = 3

def setup_inputs(seed: int = 0) -> dict:
    key = jax.random.key(seed)
    ks = jax.random.split(key, 12)
    x = jax.random.normal(ks[0], (N_NODES, IN_DIM), dtype=jnp.float32)
    edge_index = jax.random.randint(ks[1], (2, N_EDGES), 0, N_NODES, dtype=jnp.int64 if jax.config.jax_enable_x64 else jnp.int32).astype(jnp.int32)
    # Parameters (stored as [in, out]; same math as torch Linear with transposed weight)
    enc_W = jax.random.normal(ks[2], (K_ORDERS, IN_DIM, HID), dtype=jnp.float32) * (1.0 / np.sqrt(IN_DIM))
    enc_b = jax.random.normal(ks[3], (K_ORDERS, HID), dtype=jnp.float32) * 0.01
    attn_w = jax.random.normal(ks[4], (HID, 1), dtype=jnp.float32) * (1.0 / np.sqrt(HID))
    attn_b = jax.random.normal(ks[5], (1,), dtype=jnp.float32) * 0.01
    clf_W1 = jax.random.normal(ks[6], (HID, HID), dtype=jnp.float32) * (1.0 / np.sqrt(HID))
    clf_b1 = jax.random.normal(ks[7], (HID,), dtype=jnp.float32) * 0.01
    clf_W2 = jax.random.normal(ks[8], (HID, OUT), dtype=jnp.float32) * (1.0 / np.sqrt(HID))
    clf_b2 = jax.random.normal(ks[9], (OUT,), dtype=jnp.float32) * 0.01
    return {"x": x, "edge_index": edge_index, "enc_W": enc_W, "enc_b": enc_b,
            "attn_w": attn_w, "attn_b": attn_b, "clf_W1": clf_W1, "clf_b1": clf_b1,
            "clf_W2": clf_W2, "clf_b2": clf_b2}

def reference(x, edge_index, enc_W, enc_b, attn_w, attn_b, clf_W1, clf_b1, clf_W2, clf_b2):
    # HOGRL forward (eval mode: dropout is identity)
    n = x.shape[0]
    row = edge_index[0]
    col = edge_index[1]
    embeddings = []
    for k in range(K_ORDERS):
        h = x @ enc_W[k] + enc_b[k]
        # adj @ h where adj is COO (row, col) with values 1 -> scatter-add of h[col] into row
        h = jax.ops.segment_sum(jnp.take(h, col, axis=0), row, num_segments=n)
        h = jax.nn.relu(h)
        embeddings.append(h)
    stack_emb = jnp.stack(embeddings, axis=1)  # [N, K, HID]
    attn_scores = jnp.tanh(stack_emb @ attn_w + attn_b)  # [N, K, 1]
    attn_weights = jax.nn.softmax(attn_scores, axis=1)
    final_emb = jnp.sum(stack_emb * attn_weights, axis=1)  # [N, HID]
    hidden = jax.nn.relu(final_emb @ clf_W1 + clf_b1)
    return hidden @ clf_W2 + clf_b2

if __name__ == "__main__":
    import jax
    _d = setup_inputs()
    print(jax.jit(kernel)(*tuple(_d.values())))

</pallas_src>

<mosaic_0001>
#map = affine_map<(d0, d1) -> (0, 0)>
#map1 = affine_map<(d0, d1) -> (0, 0, 0)>
#map2 = affine_map<(d0, d1) -> (0)>
module attributes {stable_mosaic.version = 14 : i64} {
  func.func @sc_kernel(%arg0: i32, %arg1: i32, %arg2: memref<10000x64xi32, #tpu.memory_space<hbm>>, %arg3: memref<2560x128xi32, #tpu.memory_space<hbm>>, %arg4: memref<2560x128xi32, #tpu.memory_space<hbm>>, %arg5: memref<2x10240x128xf32, #tpu.memory_space<hbm>>, %arg6: memref<20480xf32, #tpu.memory_space<hbm>>, %arg7: memref<8x128xi32, #tpu.memory_space<vmem>>, %arg8: memref<8x128xi32, #tpu.memory_space<vmem>>, %arg9: memref<8x128xi32, #tpu.memory_space<vmem>>, %arg10: memref<8x128xi32, #tpu.memory_space<vmem>>, %arg11: memref<128x64xi32, #tpu.memory_space<vmem>>, %arg12: memref<128x64xi32, #tpu.memory_space<vmem>>, %arg13: memref<128x128xf32, #tpu.memory_space<vmem>>, %arg14: memref<128xf32, #tpu.memory_space<vmem>>, %arg15: memref<10240x128xf32, #tpu.memory_space<vmem_shared>>, %arg16: memref<10240xf32, #tpu.memory_space<vmem_shared>>, %arg17: memref<!tpu.dma_semaphore, #tpu.memory_space<semaphore_mem>>, %arg18: memref<!tpu.dma_semaphore, #tpu.memory_space<semaphore_mem>>, %arg19: memref<!tpu.dma_semaphore, #tpu.memory_space<semaphore_mem>>, %arg20: memref<!tpu.dma_semaphore, #tpu.memory_space<semaphore_mem>>, %arg21: memref<!tpu.dma_semaphore, #tpu.memory_space<semaphore_mem>>, %arg22: memref<!tpu.dma_semaphore, #tpu.memory_space<semaphore_mem>>) attributes {dimension_semantics = [#tpu.dimension_semantics<core_parallel>, #tpu.dimension_semantics<subcore_parallel>], iteration_bounds = array<i64: 2, 16>, scalar_prefetch = 0 : i64, scratch_operands = 16 : i64, tpu.core_type = #tpu.core_type<sc_vector_subcore>, window_params = [{transform_indices = #map}, {transform_indices = #map}, {transform_indices = #map}, {transform_indices = #map1}, {transform_indices = #map2}]} {
    %mul3A = arith.constant 16 : i32
    %mul3A_0 = arith.muli %arg0, %mul3A : i32
    %add3A = arith.addi %mul3A_0, %arg1 : i32
    %mul3A_1 = arith.constant 640 : i32
    %mul3A_2 = arith.muli %arg1, %mul3A_1 : i32
    %mul3A_3 = arith.constant 80 : i32
    %mul3A_4 = arith.muli %add3A, %mul3A_3 : i32
    %scan3A = arith.constant 0 : i32
    %scan3A_5 = arith.constant 0 : i32
    %scan3A_6 = arith.constant 1024 : i32
    %scan3A_7 = arith.addi %scan3A_5, %scan3A_6 : i32
    %scan3A_8 = arith.constant 1 : i32
    scf.for %scan3A_88 = %scan3A_5 to %scan3A_7 step %scan3A_8  : i32 {
      %jit3A = arith.constant 8 : i32
      %div3A = arith.divsi %scan3A_88, %jit3A : i32
      %sign3A = arith.constant 0 : i32
      %sign3A_89 = arith.cmpi sgt, %scan3A_88, %sign3A : i32
      %sign3A_90 = arith.extui %sign3A_89 : i1 to i32
      %sign3A_91 = arith.constant 0 : i32
      %sign3A_92 = arith.cmpi slt, %scan3A_88, %sign3A_91 : i32
      %sign3A_93 = arith.extui %sign3A_92 : i1 to i32
      %sign3A_94 = arith.subi %sign3A_90, %sign3A_93 : i32
      %sign3A_95 = arith.constant 0 : i32
      %sign3A_96 = arith.cmpi sgt, %jit3A, %sign3A_95 : i32
      %sign3A_97 = arith.extui %sign3A_96 : i1 to i32
      %sign3A_98 = arith.constant 0 : i32
      %sign3A_99 = arith.cmpi slt, %jit3A, %sign3A_98 : i32
      %sign3A_100 = arith.extui %sign3A_99 : i1 to i32
      %sign3A_101 = arith.subi %sign3A_97, %sign3A_100 : i32
      %ne3A = arith.cmpi ne, %sign3A_94, %sign3A_101 : i32
      %rem3A = arith.remsi %scan3A_88, %jit3A : i32
      %ne3A_102 = arith.constant 0 : i32
      %ne3A_103 = arith.cmpi ne, %rem3A, %ne3A_102 : i32
      %and3A = arith.andi %ne3A, %ne3A_103 : i1
      %sub3A = arith.constant 1 : i32
      %sub3A_104 = arith.subi %div3A, %sub3A : i32
      %select_n3A = arith.select %and3A, %sub3A_104, %div3A : i32
      %jit3A_105 = arith.constant 8 : i32
      %eq3A = arith.constant 0 : i32
      %eq3A_106 = arith.cmpi eq, %jit3A_105, %eq3A : i32
      %jit3A_107 = arith.constant 1 : i32
      %select_n3A_108 = arith.select %eq3A_106, %jit3A_107, %jit3A_105 : i32
      %rem3A_109 = arith.remsi %scan3A_88, %select_n3A_108 : i32
      %ne3A_110 = arith.constant 0 : i32
      %ne3A_111 = arith.cmpi ne, %rem3A_109, %ne3A_110 : i32
      %lt3A = arith.constant 0 : i32
      %lt3A_112 = arith.cmpi slt, %rem3A_109, %lt3A : i32
      %lt3A_113 = arith.constant 0 : i32
      %lt3A_114 = arith.cmpi slt, %select_n3A_108, %lt3A_113 : i32
      %ne3A_115 = arith.xori %lt3A_112, %lt3A_114 : i1
      %and3A_116 = arith.andi %ne3A_115, %ne3A_111 : i1
      %add3A_117 = arith.addi %rem3A_109, %select_n3A_108 : i32
      %select_n3A_118 = arith.select %and3A_116, %add3A_117, %rem3A_109 : i32
      %broadcast_in_dim3A = arith.constant 0.000000e+00 : f32
      %broadcast_in_dim3A_119 = vector.broadcast %broadcast_in_dim3A : f32 to vector<16xf32>
      %mul3A_120 = arith.constant 16 : i32
      %mul3A_121 = arith.muli %select_n3A_118, %mul3A_120 : i32
      %swap3A = arith.index_cast %select_n3A : i32 to index
      %swap3A_122 = arith.index_cast %mul3A_121 : i32 to index
      %swap3A_123 = tpu.vector_load %arg13[%swap3A, %swap3A_122] {strides = array<i32>} : memref<128x128xf32, #tpu.memory_space<vmem>>, vector<16xf32>,
      tpu.vector_store %arg13[%swap3A, %swap3A_122], %broadcast_in_dim3A_119 {strides = array<i32>} : memref<128x128xf32, #tpu.memory_space<vmem>>, vector<16xf32>,
    }
    %scan3A_9 = arith.constant 1024 : i32
    %add3A_10 = arith.constant 0 : i32
    %add3A_11 = arith.addi %mul3A_2, %add3A_10 : i32
    "tpu.region"() ({
      %run_scoped3A = tpu.sem_alloc : memref<!tpu.dma_semaphore, #tpu.memory_space<semaphore_mem>>
      %dma_start3A_88 = arith.constant 0 : i32
      %dma_start3A_89 = tpu.memref_slice %arg15[%add3A_11, %dma_start3A_88] : memref<10240x128xf32, #tpu.memory_space<vmem_shared>> -> memref<128x128xf32, #tpu.memory_space<vmem_shared>>
      %dma_start3A_90 = arith.constant 0 : i32
      %dma_start3A_91 = tpu.memref_slice %arg15[%add3A_11, %dma_start3A_90] : memref<10240x128xf32, #tpu.memory_space<vmem_shared>> -> memref<128x128xf32, #tpu.memory_space<vmem_shared>>
      tpu.enqueue_dma source(%arg13 : memref<128x128xf32, #tpu.memory_space<vmem>>) target(%dma_start3A_91 : memref<128x128xf32, #tpu.memory_space<vmem_shared>>) target_semaphore(%run_scoped3A : memref<!tpu.dma_semaphore, #tpu.memory_space<semaphore_mem>>)
      %dma_wait3A_92 = arith.constant 0 : i32
      %dma_wait3A_93 = tpu.memref_slice %arg15[%add3A_11, %dma_wait3A_92] : memref<10240x128xf32, #tpu.memory_space<vmem_shared>> -> memref<128x128xf32, #tpu.memory_space<vmem_shared>>
      %dma_wait3A_94 = arith.constant 0 : i32
      %dma_wait3A_95 = tpu.memref_slice %arg15[%add3A_11, %dma_wait3A_94] : memref<10240x128xf32, #tpu.memory_space<vmem_shared>> -> memref<128x128xf32, #tpu.memory_space<vmem_shared>>
      tpu.wait_dma2 semaphore(%run_scoped3A : memref<!tpu.dma_semaphore, #tpu.memory_space<semaphore_mem>>) src(%arg13 : memref<128x128xf32, #tpu.memory_space<vmem>>) dst(%dma_wait3A_95 : memref<128x128xf32, #tpu.memory_space<vmem_shared>>)
      tpu.yield
    }) : () -> ()
    %add3A_12 = arith.constant 128 : i32
    %add3A_13 = arith.addi %mul3A_2, %add3A_12 : i32
    "tpu.region"() ({
      %run_scoped3A = tpu.sem_alloc : memref<!tpu.dma_semaphore, #tpu.memory_space<semaphore_mem>>
      %dma_start3A_88 = arith.constant 0 : i32
      %dma_start3A_89 = tpu.memref_slice %arg15[%add3A_13, %dma_start3A_88] : memref<10240x128xf32, #tpu.memory_space<vmem_shared>> -> memref<128x128xf32, #tpu.memory_space<vmem_shared>>
      %dma_start3A_90 = arith.constant 0 : i32
      %dma_start3A_91 = tpu.memref_slice %arg15[%add3A_13, %dma_start3A_90] : memref<10240x128xf32, #tpu.memory_space<vmem_shared>> -> memref<128x128xf32, #tpu.memory_space<vmem_shared>>
      tpu.enqueue_dma source(%arg13 : memref<128x128xf32, #tpu.memory_space<vmem>>) target(%dma_start3A_91 : memref<128x128xf32, #tpu.memory_space<vmem_shared>>) target_semaphore(%run_scoped3A : memref<!tpu.dma_semaphore, #tpu.memory_space<semaphore_mem>>)
      %dma_wait3A_92 = arith.constant 0 : i32
      %dma_wait3A_93 = tpu.memref_slice %arg15[%add3A_13, %dma_wait3A_92] : memref<10240x128xf32, #tpu.memory_space<vmem_shared>> -> memref<128x128xf32, #tpu.memory_space<vmem_shared>>
      %dma_wait3A_94 = arith.constant 0 : i32
      %dma_wait3A_95 = tpu.memref_slice %arg15[%add3A_13, %dma_wait3A_94] : memref<10240x128xf32, #tpu.memory_space<vmem_shared>> -> memref<128x128xf32, #tpu.memory_space<vmem_shared>>
      tpu.wait_dma2 semaphore(%run_scoped3A : memref<!tpu.dma_semaphore, #tpu.memory_space<semaphore_mem>>) src(%arg13 : memref<128x128xf32, #tpu.memory_space<vmem>>) dst(%dma_wait3A_95 : memref<128x128xf32, #tpu.memory_space<vmem_shared>>)
      tpu.yield
    }) : () -> ()
    %add3A_14 = arith.constant 256 : i32
    %add3A_15 = arith.addi %mul3A_2, %add3A_14 : i32
    "tpu.region"() ({
      %run_scoped3A = tpu.sem_alloc : memref<!tpu.dma_semaphore, #tpu.memory_space<semaphore_mem>>
      %dma_start3A_88 = arith.constant 0 : i32
      %dma_start3A_89 = tpu.memref_slice %arg15[%add3A_15, %dma_start3A_88] : memref<10240x128xf32, #tpu.memory_space<vmem_shared>> -> memref<128x128xf32, #tpu.memory_space<vmem_shared>>
      %dma_start3A_90 = arith.constant 0 : i32
      %dma_start3A_91 = tpu.memref_slice %arg15[%add3A_15, %dma_start3A_90] : memref<10240x128xf32, #tpu.memory_space<vmem_shared>> -> memref<128x128xf32, #tpu.memory_space<vmem_shared>>
      tpu.enqueue_dma source(%arg13 : memref<128x128xf32, #tpu.memory_space<vmem>>) target(%dma_start3A_91 : memref<128x128xf32, #tpu.memory_space<vmem_shared>>) target_semaphore(%run_scoped3A : memref<!tpu.dma_semaphore, #tpu.memory_space<semaphore_mem>>)
      %dma_wait3A_92 = arith.constant 0 : i32
      %dma_wait3A_93 = tpu.memref_slice %arg15[%add3A_15, %dma_wait3A_92] : memref<10240x128xf32, #tpu.memory_space<vmem_shared>> -> memref<128x128xf32, #tpu.memory_space<vmem_shared>>
      %dma_wait3A_94 = arith.constant 0 : i32
      %dma_wait3A_95 = tpu.memref_slice %arg15[%add3A_15, %dma_wait3A_94] : memref<10240x128xf32, #tpu.memory_space<vmem_shared>> -> memref<128x128xf32, #tpu.memory_space<vmem_shared>>
      tpu.wait_dma2 semaphore(%run_scoped3A : memref<!tpu.dma_semaphore, #tpu.memory_space<semaphore_mem>>) src(%arg13 : memref<128x128xf32, #tpu.memory_space<vmem>>) dst(%dma_wait3A_95 : memref<128x128xf32, #tpu.memory_space<vmem_shared>>)
      tpu.yield
    }) : () -> ()
    %add3A_16 = arith.constant 384 : i32
    %add3A_17 = arith.addi %mul3A_2, %add3A_16 : i32
    "tpu.region"() ({
      %run_scoped3A = tpu.sem_alloc : memref<!tpu.dma_semaphore, #tpu.memory_space<semaphore_mem>>
      %dma_start3A_88 = arith.constant 0 : i32
      %dma_start3A_89 = tpu.memref_slice %arg15[%add3A_17, %dma_start3A_88] : memref<10240x128xf32, #tpu.memory_space<vmem_shared>> -> memref<128x128xf32, #tpu.memory_space<vmem_shared>>
      %dma_start3A_90 = arith.constant 0 : i32
      %dma_start3A_91 = tpu.memref_slice %arg15[%add3A_17, %dma_start3A_90] : memref<10240x128xf32, #tpu.memory_space<vmem_shared>> -> memref<128x128xf32, #tpu.memory_space<vmem_shared>>
      tpu.enqueue_dma source(%arg13 : memref<128x128xf32, #tpu.memory_space<vmem>>) target(%dma_start3A_91 : memref<128x128xf32, #tpu.memory_space<vmem_shared>>) target_semaphore(%run_scoped3A : memref<!tpu.dma_semaphore, #tpu.memory_space<semaphore_mem>>)
      %dma_wait3A_92 = arith.constant 0 : i32
      %dma_wait3A_93 = tpu.memref_slice %arg15[%add3A_17, %dma_wait3A_92] : memref<10240x128xf32, #tpu.memory_space<vmem_shared>> -> memref<128x128xf32, #tpu.memory_space<vmem_shared>>
      %dma_wait3A_94 = arith.constant 0 : i32
      %dma_wait3A_95 = tpu.memref_slice %arg15[%add3A_17, %dma_wait3A_94] : memref<10240x128xf32, #tpu.memory_space<vmem_shared>> -> memref<128x128xf32, #tpu.memory_space<vmem_shared>>
      tpu.wait_dma2 semaphore(%run_scoped3A : memref<!tpu.dma_semaphore, #tpu.memory_space<semaphore_mem>>) src(%arg13 : memref<128x128xf32, #tpu.memory_space<vmem>>) dst(%dma_wait3A_95 : memref<128x128xf32, #tpu.memory_space<vmem_shared>>)
      tpu.yield
    }) : () -> ()
    %add3A_18 = arith.constant 512 : i32
    %add3A_19 = arith.addi %mul3A_2, %add3A_18 : i32
    "tpu.region"() ({
      %run_scoped3A = tpu.sem_alloc : memref<!tpu.dma_semaphore, #tpu.memory_space<semaphore_mem>>
      %dma_start3A_88 = arith.constant 0 : i32
      %dma_start3A_89 = tpu.memref_slice %arg15[%add3A_19, %dma_start3A_88] : memref<10240x128xf32, #tpu.memory_space<vmem_shared>> -> memref<128x128xf32, #tpu.memory_space<vmem_shared>>
      %dma_start3A_90 = arith.constant 0 : i32
      %dma_start3A_91 = tpu.memref_slice %arg15[%add3A_19, %dma_start3A_90] : memref<10240x128xf32, #tpu.memory_space<vmem_shared>> -> memref<128x128xf32, #tpu.memory_space<vmem_shared>>
      tpu.enqueue_dma source(%arg13 : memref<128x128xf32, #tpu.memory_space<vmem>>) target(%dma_start3A_91 : memref<128x128xf32, #tpu.memory_space<vmem_shared>>) target_semaphore(%run_scoped3A : memref<!tpu.dma_semaphore, #tpu.memory_space<semaphore_mem>>)
      %dma_wait3A_92 = arith.constant 0 : i32
      %dma_wait3A_93 = tpu.memref_slice %arg15[%add3A_19, %dma_wait3A_92] : memref<10240x128xf32, #tpu.memory_space<vmem_shared>> -> memref<128x128xf32, #tpu.memory_space<vmem_shared>>
      %dma_wait3A_94 = arith.constant 0 : i32
      %dma_wait3A_95 = tpu.memref_slice %arg15[%add3A_19, %dma_wait3A_94] : memref<10240x128xf32, #tpu.memory_space<vmem_shared>> -> memref<128x128xf32, #tpu.memory_space<vmem_shared>>
      tpu.wait_dma2 semaphore(%run_scoped3A : memref<!tpu.dma_semaphore, #tpu.memory_space<semaphore_mem>>) src(%arg13 : memref<128x128xf32, #tpu.memory_space<vmem>>) dst(%dma_wait3A_95 : memref<128x128xf32, #tpu.memory_space<vmem_shared>>)
      tpu.yield
    }) : () -> ()
    %scan3A_20 = arith.constant 0 : i32
    %scan3A_21 = arith.constant 0 : i32
    %scan3A_22 = arith.constant 8 : i32
    %scan3A_23 = arith.addi %scan3A_21, %scan3A_22 : i32
    %scan3A_24 = arith.constant 1 : i32
    scf.for %scan3A_88 = %scan3A_21 to %scan3A_23 step %scan3A_24  : i32 {
      %broadcast_in_dim3A = arith.constant 0.000000e+00 : f32
      %broadcast_in_dim3A_89 = vector.broadcast %broadcast_in_dim3A : f32 to vector<16xf32>
      %mul3A_90 = arith.constant 16 : i32
      %mul3A_91 = arith.muli %scan3A_88, %mul3A_90 : i32
      %swap3A = arith.index_cast %mul3A_91 : i32 to index
      %swap3A_92 = tpu.vector_load %arg14[%swap3A] {strides = array<i32>} : memref<128xf32, #tpu.memory_space<vmem>>, vector<16xf32>,
      tpu.vector_store %arg14[%swap3A], %broadcast_in_dim3A_89 {strides = array<i32>} : memref<128xf32, #tpu.memory_space<vmem>>, vector<16xf32>,
    }
    %scan3A_25 = arith.constant 8 : i32
    %add3A_26 = arith.constant 0 : i32
    %add3A_27 = arith.addi %mul3A_2, %add3A_26 : i32
    "tpu.region"() ({
      %run_scoped3A = tpu.sem_alloc : memref<!tpu.dma_semaphore, #tpu.memory_space<semaphore_mem>>
      %dma_start3A_88 = tpu.memref_slice %arg16[%add3A_27] : memref<10240xf32, #tpu.memory_space<vmem_shared>> -> memref<128xf32, #tpu.memory_space<vmem_shared>>
      %dma_start3A_89 = tpu.memref_slice %arg16[%add3A_27] : memref<10240xf32, #tpu.memory_space<vmem_shared>> -> memref<128xf32, #tpu.memory_space<vmem_shared>>
      tpu.enqueue_dma source(%arg14 : memref<128xf32, #tpu.memory_space<vmem>>) target(%dma_start3A_89 : memref<128xf32, #tpu.memory_space<vmem_shared>>) target_semaphore(%run_scoped3A : memref<!tpu.dma_semaphore, #tpu.memory_space<semaphore_mem>>)
      %dma_wait3A_90 = tpu.memref_slice %arg16[%add3A_27] : memref<10240xf32, #tpu.memory_space<vmem_shared>> -> memref<128xf32, #tpu.memory_space<vmem_shared>>
      %dma_wait3A_91 = tpu.memref_slice %arg16[%add3A_27] : memref<10240xf32, #tpu.memory_space<vmem_shared>> -> memref<128xf32, #tpu.memory_space<vmem_shared>>
      tpu.wait_dma2 semaphore(%run_scoped3A : memref<!tpu.dma_semaphore, #tpu.memory_space<semaphore_mem>>) src(%arg14 : memref<128xf32, #tpu.memory_space<vmem>>) dst(%dma_wait3A_91 : memref<128xf32, #tpu.memory_space<vmem_shared>>)
      tpu.yield
    }) : () -> ()
    %add3A_28 = arith.constant 128 : i32
    %add3A_29 = arith.addi %mul3A_2, %add3A_28 : i32
    "tpu.region"() ({
      %run_scoped3A = tpu.sem_alloc : memref<!tpu.dma_semaphore, #tpu.memory_space<semaphore_mem>>
      %dma_start3A_88 = tpu.memref_slice %arg16[%add3A_29] : memref<10240xf32, #tpu.memory_space<vmem_shared>> -> memref<128xf32, #tpu.memory_space<vmem_shared>>
      %dma_start3A_89 = tpu.memref_slice %arg16[%add3A_29] : memref<10240xf32, #tpu.memory_space<vmem_shared>> -> memref<128xf32, #tpu.memory_space<vmem_shared>>
      tpu.enqueue_dma source(%arg14 : memref<128xf32, #tpu.memory_space<vmem>>) target(%dma_start3A_89 : memref<128xf32, #tpu.memory_space<vmem_shared>>) target_semaphore(%run_scoped3A : memref<!tpu.dma_semaphore, #tpu.memory_space<semaphore_mem>>)
      %dma_wait3A_90 = tpu.memref_slice %arg16[%add3A_29] : memref<10240xf32, #tpu.memory_space<vmem_shared>> -> memref<128xf32, #tpu.memory_space<vmem_shared>>
      %dma_wait3A_91 = tpu.memref_slice %arg16[%add3A_29] : memref<10240xf32, #tpu.memory_space<vmem_shared>> -> memref<128xf32, #tpu.memory_space<vmem_shared>>
      tpu.wait_dma2 semaphore(%run_scoped3A : memref<!tpu.dma_semaphore, #tpu.memory_space<semaphore_mem>>) src(%arg14 : memref<128xf32, #tpu.memory_space<vmem>>) dst(%dma_wait3A_91 : memref<128xf32, #tpu.memory_space<vmem_shared>>)
      tpu.yield
    }) : () -> ()
    %add3A_30 = arith.constant 256 : i32
    %add3A_31 = arith.addi %mul3A_2, %add3A_30 : i32
    "tpu.region"() ({
      %run_scoped3A = tpu.sem_alloc : memref<!tpu.dma_semaphore, #tpu.memory_space<semaphore_mem>>
      %dma_start3A_88 = tpu.memref_slice %arg16[%add3A_31] : memref<10240xf32, #tpu.memory_space<vmem_shared>> -> memref<128xf32, #tpu.memory_space<vmem_shared>>
      %dma_start3A_89 = tpu.memref_slice %arg16[%add3A_31] : memref<10240xf32, #tpu.memory_space<vmem_shared>> -> memref<128xf32, #tpu.memory_space<vmem_shared>>
      tpu.enqueue_dma source(%arg14 : memref<128xf32, #tpu.memory_space<vmem>>) target(%dma_start3A_89 : memref<128xf32, #tpu.memory_space<vmem_shared>>) target_semaphore(%run_scoped3A : memref<!tpu.dma_semaphore, #tpu.memory_space<semaphore_mem>>)
      %dma_wait3A_90 = tpu.memref_slice %arg16[%add3A_31] : memref<10240xf32, #tpu.memory_space<vmem_shared>> -> memref<128xf32, #tpu.memory_space<vmem_shared>>
      %dma_wait3A_91 = tpu.memref_slice %arg16[%add3A_31] : memref<10240xf32, #tpu.memory_space<vmem_shared>> -> memref<128xf32, #tpu.memory_space<vmem_shared>>
      tpu.wait_dma2 semaphore(%run_scoped3A : memref<!tpu.dma_semaphore, #tpu.memory_space<semaphore_mem>>) src(%arg14 : memref<128xf32, #tpu.memory_space<vmem>>) dst(%dma_wait3A_91 : memref<128xf32, #tpu.memory_space<vmem_shared>>)
      tpu.yield
    }) : () -> ()
    %add3A_32 = arith.constant 384 : i32
    %add3A_33 = arith.addi %mul3A_2, %add3A_32 : i32
    "tpu.region"() ({
      %run_scoped3A = tpu.sem_alloc : memref<!tpu.dma_semaphore, #tpu.memory_space<semaphore_mem>>
      %dma_start3A_88 = tpu.memref_slice %arg16[%add3A_33] : memref<10240xf32, #tpu.memory_space<vmem_shared>> -> memref<128xf32, #tpu.memory_space<vmem_shared>>
      %dma_start3A_89 = tpu.memref_slice %arg16[%add3A_33] : memref<10240xf32, #tpu.memory_space<vmem_shared>> -> memref<128xf32, #tpu.memory_space<vmem_shared>>
      tpu.enqueue_dma source(%arg14 : memref<128xf32, #tpu.memory_space<vmem>>) target(%dma_start3A_89 : memref<128xf32, #tpu.memory_space<vmem_shared>>) target_semaphore(%run_scoped3A : memref<!tpu.dma_semaphore, #tpu.memory_space<semaphore_mem>>)
      %dma_wait3A_90 = tpu.memref_slice %arg16[%add3A_33] : memref<10240xf32, #tpu.memory_space<vmem_shared>> -> memref<128xf32, #tpu.memory_space<vmem_shared>>
      %dma_wait3A_91 = tpu.memref_slice %arg16[%add3A_33] : memref<10240xf32, #tpu.memory_space<vmem_shared>> -> memref<128xf32, #tpu.memory_space<vmem_shared>>
      tpu.wait_dma2 semaphore(%run_scoped3A : memref<!tpu.dma_semaphore, #tpu.memory_space<semaphore_mem>>) src(%arg14 : memref<128xf32, #tpu.memory_space<vmem>>) dst(%dma_wait3A_91 : memref<128xf32, #tpu.memory_space<vmem_shared>>)
      tpu.yield
    }) : () -> ()
    %add3A_34 = arith.constant 512 : i32
    %add3A_35 = arith.addi %mul3A_2, %add3A_34 : i32
    "tpu.region"() ({
      %run_scoped3A = tpu.sem_alloc : memref<!tpu.dma_semaphore, #tpu.memory_space<semaphore_mem>>
      %dma_start3A_88 = tpu.memref_slice %arg16[%add3A_35] : memref<10240xf32, #tpu.memory_space<vmem_shared>> -> memref<128xf32, #tpu.memory_space<vmem_shared>>
      %dma_start3A_89 = tpu.memref_slice %arg16[%add3A_35] : memref<10240xf32, #tpu.memory_space<vmem_shared>> -> memref<128xf32, #tpu.memory_space<vmem_shared>>
      tpu.enqueue_dma source(%arg14 : memref<128xf32, #tpu.memory_space<vmem>>) target(%dma_start3A_89 : memref<128xf32, #tpu.memory_space<vmem_shared>>) target_semaphore(%run_scoped3A : memref<!tpu.dma_semaphore, #tpu.memory_space<semaphore_mem>>)
      %dma_wait3A_90 = tpu.memref_slice %arg16[%add3A_35] : memref<10240xf32, #tpu.memory_space<vmem_shared>> -> memref<128xf32, #tpu.memory_space<vmem_shared>>
      %dma_wait3A_91 = tpu.memref_slice %arg16[%add3A_35] : memref<10240xf32, #tpu.memory_space<vmem_shared>> -> memref<128xf32, #tpu.memory_space<vmem_shared>>
      tpu.wait_dma2 semaphore(%run_scoped3A : memref<!tpu.dma_semaphore, #tpu.memory_space<semaphore_mem>>) src(%arg14 : memref<128xf32, #tpu.memory_space<vmem>>) dst(%dma_wait3A_91 : memref<128xf32, #tpu.memory_space<vmem_shared>>)
      tpu.yield
    }) : () -> ()
    %scan3A_36 = arith.constant 0 : i32
    %scan3A_37 = arith.constant 0 : i32
    %scan3A_38 = arith.constant 8 : i32
    %scan3A_39 = arith.addi %scan3A_37, %scan3A_38 : i32
    %scan3A_40 = arith.constant 1 : i32
    scf.for %scan3A_88 = %scan3A_37 to %scan3A_39 step %scan3A_40  : i32 {
      %broadcast_in_dim3A = arith.constant 1.000000e+00 : f32
      %broadcast_in_dim3A_89 = vector.broadcast %broadcast_in_dim3A : f32 to vector<16xf32>
      %mul3A_90 = arith.constant 16 : i32
      %mul3A_91 = arith.muli %scan3A_88, %mul3A_90 : i32
      %swap3A = arith.index_cast %mul3A_91 : i32 to index
      %swap3A_92 = tpu.vector_load %arg14[%swap3A] {strides = array<i32>} : memref<128xf32, #tpu.memory_space<vmem>>, vector<16xf32>,
      tpu.vector_store %arg14[%swap3A], %broadcast_in_dim3A_89 {strides = array<i32>} : memref<128xf32, #tpu.memory_space<vmem>>, vector<16xf32>,
    }
    %scan3A_41 = arith.constant 8 : i32
    %barrier3A = arith.constant 0 : index
    tpu.barrier barrier_id(%barrier3A)
    "tpu.region"() ({
      %run_scoped3A = tpu.sem_alloc : memref<!tpu.dma_semaphore, #tpu.memory_space<semaphore_mem>>
      %dma_start3A_88 = arith.constant 0 : i32
      %dma_start3A_89 = tpu.memref_slice %arg3[%mul3A_4, %dma_start3A_88] : memref<2560x128xi32, #tpu.memory_space<hbm>> -> memref<8x128xi32, #tpu.memory_space<hbm>>
      %dma_start3A_90 = arith.constant 0 : i32
      %dma_start3A_91 = tpu.memref_slice %arg3[%mul3A_4, %dma_start3A_90] : memref<2560x128xi32, #tpu.memory_space<hbm>> -> memref<8x128xi32, #tpu.memory_space<hbm>>
      tpu.enqueue_dma source(%dma_start3A_91 : memref<8x128xi32, #tpu.memory_space<hbm>>) target(%arg7 : memref<8x128xi32, #tpu.memory_space<vmem>>) target_semaphore(%run_scoped3A : memref<!tpu.dma_semaphore, #tpu.memory_space<semaphore_mem>>)
      %dma_wait3A_92 = arith.constant 0 : i32
      %dma_wait3A_93 = tpu.memref_slice %arg3[%mul3A_4, %dma_wait3A_92] : memref<2560x128xi32, #tpu.memory_space<hbm>> -> memref<8x128xi32, #tpu.memory_space<hbm>>
      %dma_wait3A_94 = arith.constant 0 : i32
      %dma_wait3A_95 = tpu.memref_slice %arg3[%mul3A_4, %dma_wait3A_94] : memref<2560x128xi32, #tpu.memory_space<hbm>> -> memref<8x128xi32, #tpu.memory_space<hbm>>
      tpu.wait_dma2 semaphore(%run_scoped3A : memref<!tpu.dma_semaphore, #tpu.memory_space<semaphore_mem>>) src(%dma_wait3A_95 : memref<8x128xi32, #tpu.memory_space<hbm>>) dst(%arg7 : memref<8x128xi32, #tpu.memory_space<vmem>>)
      tpu.yield
    }) : () -> ()
    "tpu.region"() ({
      %run_scoped3A = tpu.sem_alloc : memref<!tpu.dma_semaphore, #tpu.memory_space<semaphore_mem>>
      %dma_start3A_88 = arith.constant 0 : i32
      %dma_start3A_89 = tpu.memref_slice %arg4[%mul3A_4, %dma_start3A_88] : memref<2560x128xi32, #tpu.memory_space<hbm>> -> memref<8x128xi32, #tpu.memory_space<hbm>>
      %dma_start3A_90 = arith.constant 0 : i32
      %dma_start3A_91 = tpu.memref_slice %arg4[%mul3A_4, %dma_start3A_90] : memref<2560x128xi32, #tpu.memory_space<hbm>> -> memref<8x128xi32, #tpu.memory_space<hbm>>
      tpu.enqueue_dma source(%dma_start3A_91 : memref<8x128xi32, #tpu.memory_space<hbm>>) target(%arg8 : memref<8x128xi32, #tpu.memory_space<vmem>>) target_semaphore(%run_scoped3A : memref<!tpu.dma_semaphore, #tpu.memory_space<semaphore_mem>>)
      %dma_wait3A_92 = arith.constant 0 : i32
      %dma_wait3A_93 = tpu.memref_slice %arg4[%mul3A_4, %dma_wait3A_92] : memref<2560x128xi32, #tpu.memory_space<hbm>> -> memref<8x128xi32, #tpu.memory_space<hbm>>
      %dma_wait3A_94 = arith.constant 0 : i32
      %dma_wait3A_95 = tpu.memref_slice %arg4[%mul3A_4, %dma_wait3A_94] : memref<2560x128xi32, #tpu.memory_space<hbm>> -> memref<8x128xi32, #tpu.memory_space<hbm>>
      tpu.wait_dma2 semaphore(%run_scoped3A : memref<!tpu.dma_semaphore, #tpu.memory_space<semaphore_mem>>) src(%dma_wait3A_95 : memref<8x128xi32, #tpu.memory_space<hbm>>) dst(%arg8 : memref<8x128xi32, #tpu.memory_space<vmem>>)
      tpu.yield
    }) : () -> ()
    %dma_start3A = arith.constant 0 : i32
    %dma_start3A_42 = arith.constant 0 : i32
    %dma_start3A_43 = tpu.memref_slice %arg7[%dma_start3A, %dma_start3A_42] : memref<8x128xi32, #tpu.memory_space<vmem>> -> memref<1x128xi32, #tpu.memory_space<vmem>>
    %dma_start3A_44 = tpu.memref_squeeze %dma_start3A_43 : memref<1x128xi32, #tpu.memory_space<vmem>> -> memref<128xi32, #tpu.memory_space<vmem>>
    %dma_start3A_45 = arith.constant 0 : i32
    %dma_start3A_46 = arith.constant 0 : i32
    %dma_start3A_47 = tpu.memref_slice %arg2[%dma_start3A_45, %dma_start3A_46] : memref<10000x64xi32, #tpu.memory_space<hbm>> -> memref<10000x64xi32, #tpu.memory_space<hbm>>
    tpu.enqueue_indirect_dma source(%dma_start3A_47 : memref<10000x64xi32, #tpu.memory_space<hbm>>) target(%arg11 : memref<128x64xi32, #tpu.memory_space<vmem>>) offsets(%dma_start3A_44 : memref<128xi32, #tpu.memory_space<vmem>>) semaphore(%arg17 : memref<!tpu.dma_semaphore, #tpu.memory_space<semaphore_mem>>)
    %dma_start3A_48 = arith.constant 1 : i32
    %dma_start3A_49 = arith.constant 0 : i32
    %dma_start3A_50 = tpu.memref_slice %arg7[%dma_start3A_48, %dma_start3A_49] : memref<8x128xi32, #tpu.memory_space<vmem>> -> memref<1x128xi32, #tpu.memory_space<vmem>>
    %dma_start3A_51 = tpu.memref_squeeze %dma_start3A_50 : memref<1x128xi32, #tpu.memory_space<vmem>> -> memref<128xi32, #tpu.memory_space<vmem>>
    %dma_start3A_52 = arith.constant 0 : i32
    %dma_start3A_53 = arith.constant 0 : i32
    %dma_start3A_54 = tpu.memref_slice %arg2[%dma_start3A_52, %dma_start3A_53] : memref<10000x64xi32, #tpu.memory_space<hbm>> -> memref<10000x64xi32, #tpu.memory_space<hbm>>
    tpu.enqueue_indirect_dma source(%dma_start3A_54 : memref<10000x64xi32, #tpu.memory_space<hbm>>) target(%arg12 : memref<128x64xi32, #tpu.memory_space<vmem>>) offsets(%dma_start3A_51 : memref<128xi32, #tpu.memory_space<vmem>>) semaphore(%arg18 : memref<!tpu.dma_semaphore, #tpu.memory_space<semaphore_mem>>)
    %dma_start3A_55 = arith.constant 0 : i32
    %dma_start3A_56 = arith.constant 0 : i32
    %dma_start3A_57 = tpu.memref_slice %arg8[%dma_start3A_55, %dma_start3A_56] : memref<8x128xi32, #tpu.memory_space<vmem>> -> memref<1x128xi32, #tpu.memory_space<vmem>>
    %dma_start3A_58 = tpu.memref_squeeze %dma_start3A_57 : memref<1x128xi32, #tpu.memory_space<vmem>> -> memref<128xi32, #tpu.memory_space<vmem>>
    %dma_start3A_59 = arith.constant 0 : i32
    %dma_start3A_60 = arith.constant 0 : i32
    %dma_start3A_61 = tpu.memref_slice %arg15[%dma_start3A_59, %dma_start3A_60] : memref<10240x128xf32, #tpu.memory_space<vmem_shared>> -> memref<10240x128xf32, #tpu.memory_space<vmem_shared>>
    tpu.enqueue_indirect_dma source(%arg13 : memref<128x128xf32, #tpu.memory_space<vmem>>) target(%dma_start3A_61 : memref<10240x128xf32, #tpu.memory_space<vmem_shared>>) offsets(%dma_start3A_58 : memref<128xi32, #tpu.memory_space<vmem>>) semaphore(%arg22 : memref<!tpu.dma_semaphore, #tpu.memory_space<semaphore_mem>>) {add = true}
    %scan3A_62 = arith.constant 0 : i32
    %scan3A_63 = arith.constant 0 : i32
    %scan3A_64 = arith.constant 5 : i32
    %scan3A_65 = arith.addi %scan3A_63, %scan3A_64 : i32
    %scan3A_66 = arith.constant 1 : i32
    scf.for %scan3A_88 = %scan3A_63 to %scan3A_65 step %scan3A_66  : i32 {
      %mul3A_89 = arith.constant 16 : i32
      %mul3A_90 = arith.muli %mul3A_89, %scan3A_88 : i32
      %add3A_91 = arith.addi %mul3A_4, %mul3A_90 : i32
      %dma_wait3A_92 = arith.constant 0 : i32
      %dma_wait3A_93 = arith.constant 0 : i32
      %dma_wait3A_94 = tpu.memref_slice %arg7[%dma_wait3A_92, %dma_wait3A_93] : memref<8x128xi32, #tpu.memory_space<vmem>> -> memref<1x128xi32, #tpu.memory_space<vmem>>
      %dma_wait3A_95 = tpu.memref_squeeze %dma_wait3A_94 : memref<1x128xi32, #tpu.memory_space<vmem>> -> memref<128xi32, #tpu.memory_space<vmem>>
      %dma_wait3A_96 = arith.constant 0 : i32
      %dma_wait3A_97 = arith.constant 0 : i32
      %dma_wait3A_98 = tpu.memref_slice %arg2[%dma_wait3A_96, %dma_wait3A_97] : memref<10000x64xi32, #tpu.memory_space<hbm>> -> memref<10000x64xi32, #tpu.memory_space<hbm>>
      tpu.wait_indirect_dma semaphore(%arg17 : memref<!tpu.dma_semaphore, #tpu.memory_space<semaphore_mem>>) src(%dma_wait3A_98 : memref<10000x64xi32, #tpu.memory_space<hbm>>) dst(%arg11 : memref<128x64xi32, #tpu.memory_space<vmem>>)
      %dma_wait3A_99 = arith.constant 0 : i32
      %dma_wait3A_100 = arith.constant 0 : i32
      %dma_wait3A_101 = tpu.memref_slice %arg8[%dma_wait3A_99, %dma_wait3A_100] : memref<8x128xi32, #tpu.memory_space<vmem>> -> memref<1x128xi32, #tpu.memory_space<vmem>>
      %dma_wait3A_102 = tpu.memref_squeeze %dma_wait3A_101 : memref<1x128xi32, #tpu.memory_space<vmem>> -> memref<128xi32, #tpu.memory_space<vmem>>
      %dma_wait3A_103 = arith.constant 0 : i32
      %dma_wait3A_104 = arith.constant 0 : i32
      %dma_wait3A_105 = tpu.memref_slice %arg15[%dma_wait3A_103, %dma_wait3A_104] : memref<10240x128xf32, #tpu.memory_space<vmem_shared>> -> memref<10240x128xf32, #tpu.memory_space<vmem_shared>>
      tpu.wait_indirect_dma semaphore(%arg22 : memref<!tpu.dma_semaphore, #tpu.memory_space<semaphore_mem>>) src(%arg13 : memref<128x128xf32, #tpu.memory_space<vmem>>) dst(%dma_wait3A_105 : memref<10240x128xf32, #tpu.memory_space<vmem_shared>>)
      %add3A_106 = arith.constant 8 : i32
      %add3A_107 = arith.addi %add3A_91, %add3A_106 : i32
      %dma_start3A_108 = arith.constant 0 : i32
      %dma_start3A_109 = tpu.memref_slice %arg3[%add3A_107, %dma_start3A_108] : memref<2560x128xi32, #tpu.memory_space<hbm>> -> memref<8x128xi32, #tpu.memory_space<hbm>>
      %dma_start3A_110 = arith.constant 0 : i32
      %dma_start3A_111 = tpu.memref_slice %arg3[%add3A_107, %dma_start3A_110] : memref<2560x128xi32, #tpu.memory_space<hbm>> -> memref<8x128xi32, #tpu.memory_space<hbm>>
      tpu.enqueue_dma source(%dma_start3A_111 : memref<8x128xi32, #tpu.memory_space<hbm>>) target(%arg9 : memref<8x128xi32, #tpu.memory_space<vmem>>) target_semaphore(%arg20 : memref<!tpu.dma_semaphore, #tpu.memory_space<semaphore_mem>>)
      %dma_start3A_112 = arith.constant 0 : i32
      %dma_start3A_113 = tpu.memref_slice %arg4[%add3A_107, %dma_start3A_112] : memref<2560x128xi32, #tpu.memory_space<hbm>> -> memref<8x128xi32, #tpu.memory_space<hbm>>
      %dma_start3A_114 = arith.constant 0 : i32
      %dma_start3A_115 = tpu.memref_slice %arg4[%add3A_107, %dma_start3A_114] : memref<2560x128xi32, #tpu.memory_space<hbm>> -> memref<8x128xi32, #tpu.memory_space<hbm>>
      tpu.enqueue_dma source(%dma_start3A_115 : memref<8x128xi32, #tpu.memory_space<hbm>>) target(%arg10 : memref<8x128xi32, #tpu.memory_space<vmem>>) target_semaphore(%arg20 : memref<!tpu.dma_semaphore, #tpu.memory_space<semaphore_mem>>)
      %dma_start3A_116 = arith.constant 2 : i32
      %dma_start3A_117 = arith.constant 0 : i32
      %dma_start3A_118 = tpu.memref_slice %arg7[%dma_start3A_116, %dma_start3A_117] : memref<8x128xi32, #tpu.memory_space<vmem>> -> memref<1x128xi32, #tpu.memory_space<vmem>>
      %dma_start3A_119 = tpu.memref_squeeze %dma_start3A_118 : memref<1x128xi32, #tpu.memory_space<vmem>> -> memref<128xi32, #tpu.memory_space<vmem>>
      %dma_start3A_120 = arith.constant 0 : i32
      %dma_start3A_121 = arith.constant 0 : i32
      %dma_start3A_122 = tpu.memref_slice %arg2[%dma_start3A_120, %dma_start3A_121] : memref<10000x64xi32, #tpu.memory_space<hbm>> -> memref<10000x64xi32, #tpu.memory_space<hbm>>
      tpu.enqueue_indirect_dma source(%dma_start3A_122 : memref<10000x64xi32, #tpu.memory_space<hbm>>) target(%arg11 : memref<128x64xi32, #tpu.memory_space<vmem>>) offsets(%dma_start3A_119 : memref<128xi32, #tpu.memory_space<vmem>>) semaphore(%arg17 : memref<!tpu.dma_semaphore, #tpu.memory_space<semaphore_mem>>)
      %dma_start3A_123 = arith.constant 0 : i32
      %dma_start3A_124 = arith.constant 0 : i32
      %dma_start3A_125 = tpu.memref_slice %arg8[%dma_start3A_123, %dma_start3A_124] : memref<8x128xi32, #tpu.memory_space<vmem>> -> memref<1x128xi32, #tpu.memory_space<vmem>>
      %dma_start3A_126 = tpu.memref_squeeze %dma_start3A_125 : memref<1x128xi32, #tpu.memory_space<vmem>> -> memref<128xi32, #tpu.memory_space<vmem>>
      %dma_start3A_127 = arith.constant 0 : i32
      %dma_start3A_128 = arith.constant 0 : i32
      %dma_start3A_129 = tpu.memref_slice %arg15[%dma_start3A_127, %dma_start3A_128] : memref<10240x128xf32, #tpu.memory_space<vmem_shared>> -> memref<10240x128xf32, #tpu.memory_space<vmem_shared>>
      tpu.enqueue_indirect_dma source(%arg13 : memref<128x128xf32, #tpu.memory_space<vmem>>) target(%dma_start3A_129 : memref<10240x128xf32, #tpu.memory_space<vmem_shared>>) offsets(%dma_start3A_126 : memref<128xi32, #tpu.memory_space<vmem>>) semaphore(%arg22 : memref<!tpu.dma_semaphore, #tpu.memory_space<semaphore_mem>>) {add = true}
      %dma_start3A_130 = arith.constant 0 : i32
      %dma_start3A_131 = arith.constant 0 : i32
      %dma_start3A_132 = tpu.memref_slice %arg8[%dma_start3A_130, %dma_start3A_131] : memref<8x128xi32, #tpu.memory_space<vmem>> -> memref<1x128xi32, #tpu.memory_space<vmem>>
      %dma_start3A_133 = tpu.memref_squeeze %dma_start3A_132 : memref<1x128xi32, #tpu.memory_space<vmem>> -> memref<128xi32, #tpu.memory_space<vmem>>
      %dma_start3A_134 = arith.constant 0 : i32
      %dma_start3A_135 = tpu.memref_slice %arg16[%dma_start3A_134] : memref<10240xf32, #tpu.memory_space<vmem_shared>> -> memref<10240xf32, #tpu.memory_space<vmem_shared>>
      tpu.enqueue_indirect_dma source(%arg14 : memref<128xf32, #tpu.memory_space<vmem>>) target(%dma_start3A_135 : memref<10240xf32, #tpu.memory_space<vmem_shared>>) offsets(%dma_start3A_133 : memref<128xi32, #tpu.memory_space<vmem>>) semaphore(%arg21 : memref<!tpu.dma_semaphore, #tpu.memory_space<semaphore_mem>>) {add = true}
      %dma_wait3A_136 = arith.constant 0 : i32
      %dma_wait3A_137 = arith.constant 0 : i32
      %dma_wait3A_138 = tpu.memref_slice %arg7[%dma_wait3A_136, %dma_wait3A_137] : memref<8x128xi32, #tpu.memory_space<vmem>> -> memref<1x128xi32, #tpu.memory_space<vmem>>
      %dma_wait3A_139 = tpu.memref_squeeze %dma_wait3A_138 : memref<1x128xi32, #tpu.memory_space<vmem>> -> memref<128xi32, #tpu.memory_space<vmem>>
      %dma_wait3A_140 = arith.constant 0 : i32
      %dma_wait3A_141 = arith.constant 0 : i32
      %dma_wait3A_142 = tpu.memref_slice %arg2[%dma_wait3A_140, %dma_wait3A_141] : memref<10000x64xi32, #tpu.memory_space<hbm>> -> memref<10000x64xi32, #tpu.memory_space<hbm>>
      tpu.wait_indirect_dma semaphore(%arg18 : memref<!tpu.dma_semaphore, #tpu.memory_space<semaphore_mem>>) src(%dma_wait3A_142 : memref<10000x64xi32, #tpu.memory_space<hbm>>) dst(%arg12 : memref<128x64xi32, #tpu.memory_space<vmem>>)
      %dma_wait3A_143 = arith.constant 0 : i32
      %dma_wait3A_144 = arith.constant 0 : i32
      %dma_wait3A_145 = tpu.memref_slice %arg8[%dma_wait3A_143, %dma_wait3A_144] : memref<8x128xi32, #tpu.memory_space<vmem>> -> memref<1x128xi32, #tpu.memory_space<vmem>>
      %dma_wait3A_146 = tpu.memref_squeeze %dma_wait3A_145 : memref<1x128xi32, #tpu.memory_space<vmem>> -> memref<128xi32, #tpu.memory_space<vmem>>
      %dma_wait3A_147 = arith.constant 0 : i32
      %dma_wait3A_148 = arith.constant 0 : i32
      %dma_wait3A_149 = tpu.memref_slice %arg15[%dma_wait3A_147, %dma_wait3A_148] : memref<10240x128xf32, #tpu.memory_space<vmem_shared>> -> memref<10240x128xf32, #tpu.memory_space<vmem_shared>>
      tpu.wait_indirect_dma semaphore(%arg22 : memref<!tpu.dma_semaphore, #tpu.memory_space<semaphore_mem>>) src(%arg13 : memref<128x128xf32, #tpu.memory_space<vmem>>) dst(%dma_wait3A_149 : memref<10240x128xf32, #tpu.memory_space<vmem_shared>>)
      %dma_start3A_150 = arith.constant 3 : i32
      %dma_start3A_151 = arith.constant 0 : i32
      %dma_start3A_152 = tpu.memref_slice %arg7[%dma_start3A_150, %dma_start3A_151] : memref<8x128xi32, #tpu.memory_space<vmem>> -> memref<1x128xi32, #tpu.memory_space<vmem>>
      %dma_start3A_153 = tpu.memref_squeeze %dma_start3A_152 : memref<1x128xi32, #tpu.memory_space<vmem>> -> memref<128xi32, #tpu.memory_space<vmem>>
      %dma_start3A_154 = arith.constant 0 : i32
      %dma_start3A_155 = arith.constant 0 : i32
      %dma_start3A_156 = tpu.memref_slice %arg2[%dma_start3A_154, %dma_start3A_155] : memref<10000x64xi32, #tpu.memory_space<hbm>> -> memref<10000x64xi32, #tpu.memory_space<hbm>>
      tpu.enqueue_indirect_dma source(%dma_start3A_156 : memref<10000x64xi32, #tpu.memory_space<hbm>>) target(%arg12 : memref<128x64xi32, #tpu.memory_space<vmem>>) offsets(%dma_start3A_153 : memref<128xi32, #tpu.memory_space<vmem>>) semaphore(%arg18 : memref<!tpu.dma_semaphore, #tpu.memory_space<semaphore_mem>>)
      %dma_start3A_157 = arith.constant 1 : i32
      %dma_start3A_158 = arith.constant 0 : i32
      %dma_start3A_159 = tpu.memref_slice %arg8[%dma_start3A_157, %dma_start3A_158] : memref<8x128xi32, #tpu.memory_space<vmem>> -> memref<1x128xi32, #tpu.memory_space<vmem>>
      %dma_start3A_160 = tpu.memref_squeeze %dma_start3A_159 : memref<1x128xi32, #tpu.memory_space<vmem>> -> memref<128xi32, #tpu.memory_space<vmem>>
      %dma_start3A_161 = arith.constant 0 : i32
      %dma_start3A_162 = arith.constant 0 : i32
      %dma_start3A_163 = tpu.memref_slice %arg15[%dma_start3A_161, %dma_start3A_162] : memref<10240x128xf32, #tpu.memory_space<vmem_shared>> -> memref<10240x128xf32, #tpu.memory_space<vmem_shared>>
      tpu.enqueue_indirect_dma source(%arg13 : memref<128x128xf32, #tpu.memory_space<vmem>>) target(%dma_start3A_163 : memref<10240x128xf32, #tpu.memory_space<vmem_shared>>) offsets(%dma_start3A_160 : memref<128xi32, #tpu.memory_space<vmem>>) semaphore(%arg22 : memref<!tpu.dma_semaphore, #tpu.memory_space<semaphore_mem>>) {add = true}
      %dma_start3A_164 = arith.constant 1 : i32
      %dma_start3A_165 = arith.constant 0 : i32
      %dma_start3A_166 = tpu.memref_slice %arg8[%dma_start3A_164, %dma_start3A_165] : memref<8x128xi32, #tpu.memory_space<vmem>> -> memref<1x128xi32, #tpu.memory_space<vmem>>
      %dma_start3A_167 = tpu.memref_squeeze %dma_start3A_166 : memref<1x128xi32, #tpu.memory_space<vmem>> -> memref<128xi32, #tpu.memory_space<vmem>>
      %dma_start3A_168 = arith.constant 0 : i32
      %dma_start3A_169 = tpu.memref_slice %arg16[%dma_start3A_168] : memref<10240xf32, #tpu.memory_space<vmem_shared>> -> memref<10240xf32, #tpu.memory_space<vmem_shared>>
      tpu.enqueue_indirect_dma source(%arg14 : memref<128xf32, #tpu.memory_space<vmem>>) target(%dma_start3A_169 : memref<10240xf32, #tpu.memory_space<vmem_shared>>) offsets(%dma_start3A_167 : memref<128xi32, #tpu.memory_space<vmem>>) semaphore(%arg21 : memref<!tpu.dma_semaphore, #tpu.memory_space<semaphore_mem>>) {add = true}
      %dma_wait3A_170 = arith.constant 0 : i32
      %dma_wait3A_171 = arith.constant 0 : i32
      %dma_wait3A_172 = tpu.memref_slice %arg7[%dma_wait3A_170, %dma_wait3A_171] : memref<8x128xi32, #tpu.memory_space<vmem>> -> memref<1x128xi32, #tpu.memory_space<vmem>>
      %dma_wait3A_173 = tpu.memref_squeeze %dma_wait3A_172 : memref<1x128xi32, #tpu.memory_space<vmem>> -> memref<128xi32, #tpu.memory_space<vmem>>
      %dma_wait3A_174 = arith.constant 0 : i32
      %dma_wait3A_175 = arith.constant 0 : i32
      %dma_wait3A_176 = tpu.memref_slice %arg2[%dma_wait3A_174, %dma_wait3A_175] : memref<10000x64xi32, #tpu.memory_space<hbm>> -> memref<10000x64xi32, #tpu.memory_space<hbm>>
      tpu.wait_indirect_dma semaphore(%arg17 : memref<!tpu.dma_semaphore, #tpu.memory_space<semaphore_mem>>) src(%dma_wait3A_176 : memref<10000x64xi32, #tpu.memory_space<hbm>>) dst(%arg11 : memref<128x64xi32, #tpu.memory_space<vmem>>)
      %dma_wait3A_177 = arith.constant 0 : i32
      %dma_wait3A_178 = arith.constant 0 : i32
      %dma_wait3A_179 = tpu.memref_slice %arg8[%dma_wait3A_177, %dma_wait3A_178] : memref<8x128xi32, #tpu.memory_space<vmem>> -> memref<1x128xi32, #tpu.memory_space<vmem>>
      %dma_wait3A_180 = tpu.memref_squeeze %dma_wait3A_179 : memref<1x128xi32, #tpu.memory_space<vmem>> -> memref<128xi32, #tpu.memory_space<vmem>>
      %dma_wait3A_181 = arith.constant 0 : i32
      %dma_wait3A_182 = arith.constant 0 : i32
      %dma_wait3A_183 = tpu.memref_slice %arg15[%dma_wait3A_181, %dma_wait3A_182] : memref<10240x128xf32, #tpu.memory_space<vmem_shared>> -> memref<10240x128xf32, #tpu.memory_space<vmem_shared>>
      tpu.wait_indirect_dma semaphore(%arg22 : memref<!tpu.dma_semaphore, #tpu.memory_space<semaphore_mem>>) src(%arg13 : memref<128x128xf32, #tpu.memory_space<vmem>>) dst(%dma_wait3A_183 : memref<10240x128xf32, #tpu.memory_space<vmem_shared>>)
      %dma_start3A_184 = arith.constant 4 : i32
      %dma_start3A_185 = arith.constant 0 : i32
      %dma_start3A_186 = tpu.memref_slice %arg7[%dma_start3A_184, %dma_start3A_185] : memref<8x128xi32, #tpu.memory_space<vmem>> -> memref<1x128xi32, #tpu.memory_space<vmem>>
      %dma_start3A_187 = tpu.memref_squeeze %dma_start3A_186 : memref<1x128xi32, #tpu.memory_space<vmem>> -> memref<128xi32, #tpu.memory_space<vmem>>
      %dma_start3A_188 = arith.constant 0 : i32
      %dma_start3A_189 = arith.constant 0 : i32
      %dma_start3A_190 = tpu.memref_slice %arg2[%dma_start3A_188, %dma_start3A_189] : memref<10000x64xi32, #tpu.memory_space<hbm>> -> memref<10000x64xi32, #tpu.memory_space<hbm>>
      tpu.enqueue_indirect_dma source(%dma_start3A_190 : memref<10000x64xi32, #tpu.memory_space<hbm>>) target(%arg11 : memref<128x64xi32, #tpu.memory_space<vmem>>) offsets(%dma_start3A_187 : memref<128xi32, #tpu.memory_space<vmem>>) semaphore(%arg17 : memref<!tpu.dma_semaphore, #tpu.memory_space<semaphore_mem>>)
      %dma_start3A_191 = arith.constant 2 : i32
      %dma_start3A_192 = arith.constant 0 : i32
      %dma_start3A_193 = tpu.memref_slice %arg8[%dma_start3A_191, %dma_start3A_192] : memref<8x128xi32, #tpu.memory_space<vmem>> -> memref<1x128xi32, #tpu.memory_space<vmem>>
      %dma_start3A_194 = tpu.memref_squeeze %dma_start3A_193 : memref<1x128xi32, #tpu.memory_space<vmem>> -> memref<128xi32, #tpu.memory_space<vmem>>
      %dma_start3A_195 = arith.constant 0 : i32
      %dma_start3A_196 = arith.constant 0 : i32
      %dma_start3A_197 = tpu.memref_slice %arg15[%dma_start3A_195, %dma_start3A_196] : memref<10240x128xf32, #tpu.memory_space<vmem_shared>> -> memref<10240x128xf32, #tpu.memory_space<vmem_shared>>
      tpu.enqueue_indirect_dma source(%arg13 : memref<128x128xf32, #tpu.memory_space<vmem>>) target(%dma_start3A_197 : memref<10240x128xf32, #tpu.memory_space<vmem_shared>>) offsets(%dma_start3A_194 : memref<128xi32, #tpu.memory_space<vmem>>) semaphore(%arg22 : memref<!tpu.dma_semaphore, #tpu.memory_space<semaphore_mem>>) {add = true}
      %dma_start3A_198 = arith.constant 2 : i32
      %dma_start3A_199 = arith.constant 0 : i32
      %dma_start3A_200 = tpu.memref_slice %arg8[%dma_start3A_198, %dma_start3A_199] : memref<8x128xi32, #tpu.memory_space<vmem>> -> memref<1x128xi32, #tpu.memory_space<vmem>>
      %dma_start3A_201 = tpu.memref_squeeze %dma_start3A_200 : memref<1x128xi32, #tpu.memory_space<vmem>> -> memref<128xi32, #tpu.memory_space<vmem>>
      %dma_start3A_202 = arith.constant 0 : i32
      %dma_start3A_203 = tpu.memref_slice %arg16[%dma_start3A_202] : memref<10240xf32, #tpu.memory_space<vmem_shared>> -> memref<10240xf32, #tpu.memory_space<vmem_shared>>
      tpu.enqueue_indirect_dma source(%arg14 : memref<128xf32, #tpu.memory_space<vmem>>) target(%dma_start3A_203 : memref<10240xf32, #tpu.memory_space<vmem_shared>>) offsets(%dma_start3A_201 : memref<128xi32, #tpu.memory_space<vmem>>) semaphore(%arg21 : memref<!tpu.dma_semaphore, #tpu.memory_space<semaphore_mem>>) {add = true}
      %dma_wait3A_204 = arith.constant 0 : i32
      %dma_wait3A_205 = arith.constant 0 : i32
      %dma_wait3A_206 = tpu.memref_slice %arg7[%dma_wait3A_204, %dma_wait3A_205] : memref<8x128xi32, #tpu.memory_space<vmem>> -> memref<1x128xi32, #tpu.memory_space<vmem>>
      %dma_wait3A_207 = tpu.memref_squeeze %dma_wait3A_206 : memref<1x128xi32, #tpu.memory_space<vmem>> -> memref<128xi32, #tpu.memory_space<vmem>>
      %dma_wait3A_208 = arith.constant 0 : i32
      %dma_wait3A_209 = arith.constant 0 : i32
      %dma_wait3A_210 = tpu.memref_slice %arg2[%dma_wait3A_208, %dma_wait3A_209] : memref<10000x64xi32, #tpu.memory_space<hbm>> -> memref<10000x64xi32, #tpu.memory_space<hbm>>
      tpu.wait_indirect_dma semaphore(%arg18 : memref<!tpu.dma_semaphore, #tpu.memory_space<semaphore_mem>>) src(%dma_wait3A_210 : memref<10000x64xi32, #tpu.memory_space<hbm>>) dst(%arg12 : memref<128x64xi32, #tpu.memory_space<vmem>>)
      %dma_wait3A_211 = arith.constant 0 : i32
      %dma_wait3A_212 = arith.constant 0 : i32
      %dma_wait3A_213 = tpu.memref_slice %arg8[%dma_wait3A_211, %dma_wait3A_212] : memref<8x128xi32, #tpu.memory_space<vmem>> -> memref<1x128xi32, #tpu.memory_space<vmem>>
      %dma_wait3A_214 = tpu.memref_squeeze %dma_wait3A_213 : memref<1x128xi32, #tpu.memory_space<vmem>> -> memref<128xi32, #tpu.memory_space<vmem>>
      %dma_wait3A_215 = arith.constant 0 : i32
      %dma_wait3A_216 = arith.constant 0 : i32
      %dma_wait3A_217 = tpu.memref_slice %arg15[%dma_wait3A_215, %dma_wait3A_216] : memref<10240x128xf32, #tpu.memory_space<vmem_shared>> -> memref<10240x128xf32, #tpu.memory_space<vmem_shared>>
      tpu.wait_indirect_dma semaphore(%arg22 : memref<!tpu.dma_semaphore, #tpu.memory_space<semaphore_mem>>) src(%arg13 : memref<128x128xf32, #tpu.memory_space<vmem>>) dst(%dma_wait3A_217 : memref<10240x128xf32, #tpu.memory_space<vmem_shared>>)
      %dma_start3A_218 = arith.constant 5 : i32
      %dma_start3A_219 = arith.constant 0 : i32
      %dma_start3A_220 = tpu.memref_slice %arg7[%dma_start3A_218, %dma_start3A_219] : memref<8x128xi32, #tpu.memory_space<vmem>> -> memref<1x128xi32, #tpu.memory_space<vmem>>
      %dma_start3A_221 = tpu.memref_squeeze %dma_start3A_220 : memref<1x128xi32, #tpu.memory_space<vmem>> -> memref<128xi32, #tpu.memory_space<vmem>>
      %dma_start3A_222 = arith.constant 0 : i32
      %dma_start3A_223 = arith.constant 0 : i32
      %dma_start3A_224 = tpu.memref_slice %arg2[%dma_start3A_222, %dma_start3A_223] : memref<10000x64xi32, #tpu.memory_space<hbm>> -> memref<10000x64xi32, #tpu.memory_space<hbm>>
      tpu.enqueue_indirect_dma source(%dma_start3A_224 : memref<10000x64xi32, #tpu.memory_space<hbm>>) target(%arg12 : memref<128x64xi32, #tpu.memory_space<vmem>>) offsets(%dma_start3A_221 : memref<128xi32, #tpu.memory_space<vmem>>) semaphore(%arg18 : memref<!tpu.dma_semaphore, #tpu.memory_space<semaphore_mem>>)
      %dma_start3A_225 = arith.constant 3 : i32
      %dma_start3A_226 = arith.constant 0 : i32
      %dma_start3A_227 = tpu.memref_slice %arg8[%dma_start3A_225, %dma_start3A_226] : memref<8x128xi32, #tpu.memory_space<vmem>> -> memref<1x128xi32, #tpu.memory_space<vmem>>
      %dma_start3A_228 = tpu.memref_squeeze %dma_start3A_227 : memref<1x128xi32, #tpu.memory_space<vmem>> -> memref<128xi32, #tpu.memory_space<vmem>>
      %dma_start3A_229 = arith.constant 0 : i32
      %dma_start3A_230 = arith.constant 0 : i32
      %dma_start3A_231 = tpu.memref_slice %arg15[%dma_start3A_229, %dma_start3A_230] : memref<10240x128xf32, #tpu.memory_space<vmem_shared>> -> memref<10240x128xf32, #tpu.memory_space<vmem_shared>>
      tpu.enqueue_indirect_dma source(%arg13 : memref<128x128xf32, #tpu.memory_space<vmem>>) target(%dma_start3A_231 : memref<10240x128xf32, #tpu.memory_space<vmem_shared>>) offsets(%dma_start3A_228 : memref<128xi32, #tpu.memory_space<vmem>>) semaphore(%arg22 : memref<!tpu.dma_semaphore, #tpu.memory_space<semaphore_mem>>) {add = true}
      %dma_start3A_232 = arith.constant 3 : i32
      %dma_start3A_233 = arith.constant 0 : i32
      %dma_start3A_234 = tpu.memref_slice %arg8[%dma_start3A_232, %dma_start3A_233] : memref<8x128xi32, #tpu.memory_space<vmem>> -> memref<1x128xi32, #tpu.memory_space<vmem>>
      %dma_start3A_235 = tpu.memref_squeeze %dma_start3A_234 : memref<1x128xi32, #tpu.memory_space<vmem>> -> memref<128xi32, #tpu.memory_space<vmem>>
      %dma_start3A_236 = arith.constant 0 : i32
      %dma_start3A_237 = tpu.memref_slice %arg16[%dma_start3A_236] : memref<10240xf32, #tpu.memory_space<vmem_shared>> -> memref<10240xf32, #tpu.memory_space<vmem_shared>>
      tpu.enqueue_indirect_dma source(%arg14 : memref<128xf32, #tpu.memory_space<vmem>>) target(%dma_start3A_237 : memref<10240xf32, #tpu.memory_space<vmem_shared>>) offsets(%dma_start3A_235 : memref<128xi32, #tpu.memory_space<vmem>>) semaphore(%arg21 : memref<!tpu.dma_semaphore, #tpu.memory_space<semaphore_mem>>) {add = true}
      %dma_wait3A_238 = arith.constant 0 : i32
      %dma_wait3A_239 = arith.constant 0 : i32
      %dma_wait3A_240 = tpu.memref_slice %arg7[%dma_wait3A_238, %dma_wait3A_239] : memref<8x128xi32, #tpu.memory_space<vmem>> -> memref<1x128xi32, #tpu.memory_space<vmem>>
      %dma_wait3A_241 = tpu.memref_squeeze %dma_wait3A_240 : memref<1x128xi32, #tpu.memory_space<vmem>> -> memref<128xi32, #tpu.memory_space<vmem>>
      %dma_wait3A_242 = arith.constant 0 : i32
      %dma_wait3A_243 = arith.constant 0 : i32
      %dma_wait3A_244 = tpu.memref_slice %arg2[%dma_wait3A_242, %dma_wait3A_243] : memref<10000x64xi32, #tpu.memory_space<hbm>> -> memref<10000x64xi32, #tpu.memory_space<hbm>>
      tpu.wait_indirect_dma semaphore(%arg17 : memref<!tpu.dma_semaphore, #tpu.memory_space<semaphore_mem>>) src(%dma_wait3A_244 : memref<10000x64xi32, #tpu.memory_space<hbm>>) dst(%arg11 : memref<128x64xi32, #tpu.memory_space<vmem>>)
      %dma_wait3A_245 = arith.constant 0 : i32
      %dma_wait3A_246 = arith.constant 0 : i32
      %dma_wait3A_247 = tpu.memref_slice %arg8[%dma_wait3A_245, %dma_wait3A_246] : memref<8x128xi32, #tpu.memory_space<vmem>> -> memref<1x128xi32, #tpu.memory_space<vmem>>
      %dma_wait3A_248 = tpu.memref_squeeze %dma_wait3A_247 : memref<1x128xi32, #tpu.memory_space<vmem>> -> memref<128xi32, #tpu.memory_space<vmem>>
      %dma_wait3A_249 = arith.constant 0 : i32
      %dma_wait3A_250 = arith.constant 0 : i32
      %dma_wait3A_251 = tpu.memref_slice %arg15[%dma_wait3A_249, %dma_wait3A_250] : memref<10240x128xf32, #tpu.memory_space<vmem_shared>> -> memref<10240x128xf32, #tpu.memory_space<vmem_shared>>
      tpu.wait_indirect_dma semaphore(%arg22 : memref<!tpu.dma_semaphore, #tpu.memory_space<semaphore_mem>>) src(%arg13 : memref<128x128xf32, #tpu.memory_space<vmem>>) dst(%dma_wait3A_251 : memref<10240x128xf32, #tpu.memory_space<vmem_shared>>)
      %dma_start3A_252 = arith.constant 6 : i32
      %dma_start3A_253 = arith.constant 0 : i32
      %dma_start3A_254 = tpu.memref_slice %arg7[%dma_start3A_252, %dma_start3A_253] : memref<8x128xi32, #tpu.memory_space<vmem>> -> memref<1x128xi32, #tpu.memory_space<vmem>>
      %dma_start3A_255 = tpu.memref_squeeze %dma_start3A_254 : memref<1x128xi32, #tpu.memory_space<vmem>> -> memref<128xi32, #tpu.memory_space<vmem>>
      %dma_start3A_256 = arith.constant 0 : i32
      %dma_start3A_257 = arith.constant 0 : i32
      %dma_start3A_258 = tpu.memref_slice %arg2[%dma_start3A_256, %dma_start3A_257] : memref<10000x64xi32, #tpu.memory_space<hbm>> -> memref<10000x64xi32, #tpu.memory_space<hbm>>
      tpu.enqueue_indirect_dma source(%dma_start3A_258 : memref<10000x64xi32, #tpu.memory_space<hbm>>) target(%arg11 : memref<128x64xi32, #tpu.memory_space<vmem>>) offsets(%dma_start3A_255 : memref<128xi32, #tpu.memory_space<vmem>>) semaphore(%arg17 : memref<!tpu.dma_semaphore, #tpu.memory_space<semaphore_mem>>)
      %dma_start3A_259 = arith.constant 4 : i32
      %dma_start3A_260 = arith.constant 0 : i32
      %dma_start3A_261 = tpu.memref_slice %arg8[%dma_start3A_259, %dma_start3A_260] : memref<8x128xi32, #tpu.memory_space<vmem>> -> memref<1x128xi32, #tpu.memory_space<vmem>>
      %dma_start3A_262 = tpu.memref_squeeze %dma_start3A_261 : memref<1x128xi32, #tpu.memory_space<vmem>> -> memref<128xi32, #tpu.memory_space<vmem>>
      %dma_start3A_263 = arith.constant 0 : i32
      %dma_start3A_264 = arith.constant 0 : i32
      %dma_start3A_265 = tpu.memref_slice %arg15[%dma_start3A_263, %dma_start3A_264] : memref<10240x128xf32, #tpu.memory_space<vmem_shared>> -> memref<10240x128xf32, #tpu.memory_space<vmem_shared>>
      tpu.enqueue_indirect_dma source(%arg13 : memref<128x128xf32, #tpu.memory_space<vmem>>) target(%dma_start3A_265 : memref<10240x128xf32, #tpu.memory_space<vmem_shared>>) offsets(%dma_start3A_262 : memref<128xi32, #tpu.memory_space<vmem>>) semaphore(%arg22 : memref<!tpu.dma_semaphore, #tpu.memory_space<semaphore_mem>>) {add = true}
      %dma_start3A_266 = arith.constant 4 : i32
      %dma_start3A_267 = arith.constant 0 : i32
      %dma_start3A_268 = tpu.memref_slice %arg8[%dma_start3A_266, %dma_start3A_267] : memref<8x128xi32, #tpu.memory_space<vmem>> -> memref<1x128xi32, #tpu.memory_space<vmem>>
      %dma_start3A_269 = tpu.memref_squeeze %dma_start3A_268 : memref<1x128xi32, #tpu.memory_space<vmem>> -> memref<128xi32, #tpu.memory_space<vmem>>
      %dma_start3A_270 = arith.constant 0 : i32
      %dma_start3A_271 = tpu.memref_slice %arg16[%dma_start3A_270] : memref<10240xf32, #tpu.memory_space<vmem_shared>> -> memref<10240xf32, #tpu.memory_space<vmem_shared>>
      tpu.enqueue_indirect_dma source(%arg14 : memref<128xf32, #tpu.memory_space<vmem>>) target(%dma_start3A_271 : memref<10240xf32, #tpu.memory_space<vmem_shared>>) offsets(%dma_start3A_269 : memref<128xi32, #tpu.memory_space<vmem>>) semaphore(%arg21 : memref<!tpu.dma_semaphore, #tpu.memory_space<semaphore_mem>>) {add = true}
      %dma_wait3A_272 = arith.constant 0 : i32
      %dma_wait3A_273 = arith.constant 0 : i32
      %dma_wait3A_274 = tpu.memref_slice %arg7[%dma_wait3A_272, %dma_wait3A_273] : memref<8x128xi32, #tpu.memory_space<vmem>> -> memref<1x128xi32, #tpu.memory_space<vmem>>
      %dma_wait3A_275 = tpu.memref_squeeze %dma_wait3A_274 : memref<1x128xi32, #tpu.memory_space<vmem>> -> memref<128xi32, #tpu.memory_space<vmem>>
      %dma_wait3A_276 = arith.constant 0 : i32
      %dma_wait3A_277 = arith.constant 0 : i32
      %dma_wait3A_278 = tpu.memref_slice %arg2[%dma_wait3A_276, %dma_wait3A_277] : memref<10000x64xi32, #tpu.memory_space<hbm>> -> memref<10000x64xi32, #tpu.memory_space<hbm>>
      tpu.wait_indirect_dma semaphore(%arg18 : memref<!tpu.dma_semaphore, #tpu.memory_space<semaphore_mem>>) src(%dma_wait3A_278 : memref<10000x64xi32, #tpu.memory_space<hbm>>) dst(%arg12 : memref<128x64xi32, #tpu.memory_space<vmem>>)
      %dma_wait3A_279 = arith.constant 0 : i32
      %dma_wait3A_280 = arith.constant 0 : i32
      %dma_wait3A_281 = tpu.memref_slice %arg8[%dma_wait3A_279, %dma_wait3A_280] : memref<8x128xi32, #tpu.memory_space<vmem>> -> memref<1x128xi32, #tpu.memory_space<vmem>>
      %dma_wait3A_282 = tpu.memref_squeeze %dma_wait3A_281 : memref<1x128xi32, #tpu.memory_space<vmem>> -> memref<128xi32, #tpu.memory_space<vmem>>
      %dma_wait3A_283 = arith.constant 0 : i32
      %dma_wait3A_284 = arith.constant 0 : i32
      %dma_wait3A_285 = tpu.memref_slice %arg15[%dma_wait3A_283, %dma_wait3A_284] : memref<10240x128xf32, #tpu.memory_space<vmem_shared>> -> memref<10240x128xf32, #tpu.memory_space<vmem_shared>>
      tpu.wait_indirect_dma semaphore(%arg22 : memref<!tpu.dma_semaphore, #tpu.memory_space<semaphore_mem>>) src(%arg13 : memref<128x128xf32, #tpu.memory_space<vmem>>) dst(%dma_wait3A_285 : memref<10240x128xf32, #tpu.memory_space<vmem_shared>>)
      %dma_start3A_286 = arith.constant 7 : i32
      %dma_start3A_287 = arith.constant 0 : i32
      %dma_start3A_288 = tpu.memref_slice %arg7[%dma_start3A_286, %dma_start3A_287] : memref<8x128xi32, #tpu.memory_space<vmem>> -> memref<1x128xi32, #tpu.memory_space<vmem>>
      %dma_start3A_289 = tpu.memref_squeeze %dma_start3A_288 : memref<1x128xi32, #tpu.memory_space<vmem>> -> memref<128xi32, #tpu.memory_space<vmem>>
      %dma_start3A_290 = arith.constant 0 : i32
      %dma_start3A_291 = arith.constant 0 : i32
      %dma_start3A_292 = tpu.memref_slice %arg2[%dma_start3A_290, %dma_start3A_291] : memref<10000x64xi32, #tpu.memory_space<hbm>> -> memref<10000x64xi32, #tpu.memory_space<hbm>>
      tpu.enqueue_indirect_dma source(%dma_start3A_292 : memref<10000x64xi32, #tpu.memory_space<hbm>>) target(%arg12 : memref<128x64xi32, #tpu.memory_space<vmem>>) offsets(%dma_start3A_289 : memref<128xi32, #tpu.memory_space<vmem>>) semaphore(%arg18 : memref<!tpu.dma_semaphore, #tpu.memory_space<semaphore_mem>>)
      %dma_start3A_293 = arith.constant 5 : i32
      %dma_start3A_294 = arith.constant 0 : i32
      %dma_start3A_295 = tpu.memref_slice %arg8[%dma_start3A_293, %dma_start3A_294] : memref<8x128xi32, #tpu.memory_space<vmem>> -> memref<1x128xi32, #tpu.memory_space<vmem>>
      %dma_start3A_296 = tpu.memref_squeeze %dma_start3A_295 : memref<1x128xi32, #tpu.memory_space<vmem>> -> memref<128xi32, #tpu.memory_space<vmem>>
      %dma_start3A_297 = arith.constant 0 : i32
      %dma_start3A_298 = arith.constant 0 : i32
      %dma_start3A_299 = tpu.memref_slice %arg15[%dma_start3A_297, %dma_start3A_298] : memref<10240x128xf32, #tpu.memory_space<vmem_shared>> -> memref<10240x128xf32, #tpu.memory_space<vmem_shared>>
      tpu.enqueue_indirect_dma source(%arg13 : memref<128x128xf32, #tpu.memory_space<vmem>>) target(%dma_start3A_299 : memref<10240x128xf32, #tpu.memory_space<vmem_shared>>) offsets(%dma_start3A_296 : memref<128xi32, #tpu.memory_space<vmem>>) semaphore(%arg22 : memref<!tpu.dma_semaphore, #tpu.memory_space<semaphore_mem>>) {add = true}
      %dma_start3A_300 = arith.constant 5 : i32
      %dma_start3A_301 = arith.constant 0 : i32
      %dma_start3A_302 = tpu.memref_slice %arg8[%dma_start3A_300, %dma_start3A_301] : memref<8x128xi32, #tpu.memory_space<vmem>> -> memref<1x128xi32, #tpu.memory_space<vmem>>
      %dma_start3A_303 = tpu.memref_squeeze %dma_start3A_302 : memref<1x128xi32, #tpu.memory_space<vmem>> -> memref<128xi32, #tpu.memory_space<vmem>>
      %dma_start3A_304 = arith.constant 0 : i32
      %dma_start3A_305 = tpu.memref_slice %arg16[%dma_start3A_304] : memref<10240xf32, #tpu.memory_space<vmem_shared>> -> memref<10240xf32, #tpu.memory_space<vmem_shared>>
      tpu.enqueue_indirect_dma source(%arg14 : memref<128xf32, #tpu.memory_space<vmem>>) target(%dma_start3A_305 : memref<10240xf32, #tpu.memory_space<vmem_shared>>) offsets(%dma_start3A_303 : memref<128xi32, #tpu.memory_space<vmem>>) semaphore(%arg21 : memref<!tpu.dma_semaphore, #tpu.memory_space<semaphore_mem>>) {add = true}
      %dma_wait3A_306 = arith.constant 0 : i32
      %dma_wait3A_307 = arith.constant 0 : i32
      %dma_wait3A_308 = tpu.memref_slice %arg7[%dma_wait3A_306, %dma_wait3A_307] : memref<8x128xi32, #tpu.memory_space<vmem>> -> memref<1x128xi32, #tpu.memory_space<vmem>>
      %dma_wait3A_309 = tpu.memref_squeeze %dma_wait3A_308 : memref<1x128xi32, #tpu.memory_space<vmem>> -> memref<128xi32, #tpu.memory_space<vmem>>
      %dma_wait3A_310 = arith.constant 0 : i32
      %dma_wait3A_311 = arith.constant 0 : i32
      %dma_wait3A_312 = tpu.memref_slice %arg2[%dma_wait3A_310, %dma_wait3A_311] : memref<10000x64xi32, #tpu.memory_space<hbm>> -> memref<10000x64xi32, #tpu.memory_space<hbm>>
      tpu.wait_indirect_dma semaphore(%arg17 : memref<!tpu.dma_semaphore, #tpu.memory_space<semaphore_mem>>) src(%dma_wait3A_312 : memref<10000x64xi32, #tpu.memory_space<hbm>>) dst(%arg11 : memref<128x64xi32, #tpu.memory_space<vmem>>)
      %dma_wait3A_313 = arith.constant 0 : i32
      %dma_wait3A_314 = arith.constant 0 : i32
      %dma_wait3A_315 = tpu.memref_slice %arg8[%dma_wait3A_313, %dma_wait3A_314] : memref<8x128xi32, #tpu.memory_space<vmem>> -> memref<1x128xi32, #tpu.memory_space<vmem>>
      %dma_wait3A_316 = tpu.memref_squeeze %dma_wait3A_315 : memref<1x128xi32, #tpu.memory_space<vmem>> -> memref<128xi32, #tpu.memory_space<vmem>>
      %dma_wait3A_317 = arith.constant 0 : i32
      %dma_wait3A_318 = arith.constant 0 : i32
      %dma_wait3A_319 = tpu.memref_slice %arg15[%dma_wait3A_317, %dma_wait3A_318] : memref<10240x128xf32, #tpu.memory_space<vmem_shared>> -> memref<10240x128xf32, #tpu.memory_space<vmem_shared>>
      tpu.wait_indirect_dma semaphore(%arg22 : memref<!tpu.dma_semaphore, #tpu.memory_space<semaphore_mem>>) src(%arg13 : memref<128x128xf32, #tpu.memory_space<vmem>>) dst(%dma_wait3A_319 : memref<10240x128xf32, #tpu.memory_space<vmem_shared>>)
      %dma_wait3A_320 = arith.constant 0 : i32
      %dma_wait3A_321 = arith.constant 0 : i32
      %dma_wait3A_322 = tpu.memref_slice %arg3[%dma_wait3A_320, %dma_wait3A_321] : memref<2560x128xi32, #tpu.memory_space<hbm>> -> memref<8x128xi32, #tpu.memory_space<hbm>>
      %dma_wait3A_323 = arith.constant 0 : i32
      %dma_wait3A_324 = arith.constant 0 : i32
      %dma_wait3A_325 = tpu.memref_slice %arg3[%dma_wait3A_323, %dma_wait3A_324] : memref<2560x128xi32, #tpu.memory_space<hbm>> -> memref<8x128xi32, #tpu.memory_space<hbm>>
      tpu.wait_dma2 semaphore(%arg20 : memref<!tpu.dma_semaphore, #tpu.memory_space<semaphore_mem>>) src(%dma_wait3A_325 : memref<8x128xi32, #tpu.memory_space<hbm>>) dst(%arg9 : memref<8x128xi32, #tpu.memory_space<vmem>>)
      %dma_wait3A_326 = arith.constant 0 : i32
      %dma_wait3A_327 = arith.constant 0 : i32
      %dma_wait3A_328 = tpu.memref_slice %arg4[%dma_wait3A_326, %dma_wait3A_327] : memref<2560x128xi32, #tpu.memory_space<hbm>> -> memref<8x128xi32, #tpu.memory_space<hbm>>
      %dma_wait3A_329 = arith.constant 0 : i32
      %dma_wait3A_330 = arith.constant 0 : i32
      %dma_wait3A_331 = tpu.memref_slice %arg4[%dma_wait3A_329, %dma_wait3A_330] : memref<2560x128xi32, #tpu.memory_space<hbm>> -> memref<8x128xi32, #tpu.memory_space<hbm>>
      tpu.wait_dma2 semaphore(%arg20 : memref<!tpu.dma_semaphore, #tpu.memory_space<semaphore_mem>>) src(%dma_wait3A_331 : memref<8x128xi32, #tpu.memory_space<hbm>>) dst(%arg10 : memref<8x128xi32, #tpu.memory_space<vmem>>)
      %dma_start3A_332 = arith.constant 0 : i32
      %dma_start3A_333 = arith.constant 0 : i32
      %dma_start3A_334 = tpu.memref_slice %arg9[%dma_start3A_332, %dma_start3A_333] : memref<8x128xi32, #tpu.memory_space<vmem>> -> memref<1x128xi32, #tpu.memory_space<vmem>>
      %dma_start3A_335 = tpu.memref_squeeze %dma_start3A_334 : memref<1x128xi32, #tpu.memory_space<vmem>> -> memref<128xi32, #tpu.memory_space<vmem>>
      %dma_start3A_336 = arith.constant 0 : i32
      %dma_start3A_337 = arith.constant 0 : i32
      %dma_start3A_338 = tpu.memref_slice %arg2[%dma_start3A_336, %dma_start3A_337] : memref<10000x64xi32, #tpu.memory_space<hbm>> -> memref<10000x64xi32, #tpu.memory_space<hbm>>
      tpu.enqueue_indirect_dma source(%dma_start3A_338 : memref<10000x64xi32, #tpu.memory_space<hbm>>) target(%arg11 : memref<128x64xi32, #tpu.memory_space<vmem>>) offsets(%dma_start3A_335 : memref<128xi32, #tpu.memory_space<vmem>>) semaphore(%arg17 : memref<!tpu.dma_semaphore, #tpu.memory_space<semaphore_mem>>)
      %dma_start3A_339 = arith.constant 6 : i32
      %dma_start3A_340 = arith.constant 0 : i32
      %dma_start3A_341 = tpu.memref_slice %arg8[%dma_start3A_339, %dma_start3A_340] : memref<8x128xi32, #tpu.memory_space<vmem>> -> memref<1x128xi32, #tpu.memory_space<vmem>>
      %dma_start3A_342 = tpu.memref_squeeze %dma_start3A_341 : memref<1x128xi32, #tpu.memory_space<vmem>> -> memref<128xi32, #tpu.memory_space<vmem>>
      %dma_start3A_343 = arith.constant 0 : i32
      %dma_start3A_344 = arith.constant 0 : i32
      %dma_start3A_345 = tpu.memref_slice %arg15[%dma_start3A_343, %dma_start3A_344] : memref<10240x128xf32, #tpu.memory_space<vmem_shared>> -> memref<10240x128xf32, #tpu.memory_space<vmem_shared>>
      tpu.enqueue_indirect_dma source(%arg13 : memref<128x128xf32, #tpu.memory_space<vmem>>) target(%dma_start3A_345 : memref<10240x128xf32, #tpu.memory_space<vmem_shared>>) offsets(%dma_start3A_342 : memref<128xi32, #tpu.memory_space<vmem>>) semaphore(%arg22 : memref<!tpu.dma_semaphore, #tpu.memory_space<semaphore_mem>>) {add = true}
      %dma_start3A_346 = arith.constant 6 : i32
      %dma_start3A_347 = arith.constant 0 : i32
      %dma_start3A_348 = tpu.memref_slice %arg8[%dma_start3A_346, %dma_start3A_347] : memref<8x128xi32, #tpu.memory_space<vmem>> -> memref<1x128xi32, #tpu.memory_space<vmem>>
      %dma_start3A_349 = tpu.memref_squeeze %dma_start3A_348 : memref<1x128xi32, #tpu.memory_space<vmem>> -> memref<128xi32, #tpu.memory_space<vmem>>
      %dma_start3A_350 = arith.constant 0 : i32
      %dma_start3A_351 = tpu.memref_slice %arg16[%dma_start3A_350] : memref<10240xf32, #tpu.memory_space<vmem_shared>> -> memref<10240xf32, #tpu.memory_space<vmem_shared>>
      tpu.enqueue_indirect_dma source(%arg14 : memref<128xf32, #tpu.memory_space<vmem>>) target(%dma_start3A_351 : memref<10240xf32, #tpu.memory_space<vmem_shared>>) offsets(%dma_start3A_349 : memref<128xi32, #tpu.memory_space<vmem>>) semaphore(%arg21 : memref<!tpu.dma_semaphore, #tpu.memory_space<semaphore_mem>>) {add = true}
      %dma_wait3A_352 = arith.constant 0 : i32
      %dma_wait3A_353 = arith.constant 0 : i32
      %dma_wait3A_354 = tpu.memref_slice %arg7[%dma_wait3A_352, %dma_wait3A_353] : memref<8x128xi32, #tpu.memory_space<vmem>> -> memref<1x128xi32, #tpu.memory_space<vmem>>
      %dma_wait3A_355 = tpu.memref_squeeze %dma_wait3A_354 : memref<1x128xi32, #tpu.memory_space<vmem>> -> memref<128xi32, #tpu.memory_space<vmem>>
      %dma_wait3A_356 = arith.constant 0 : i32
      %dma_wait3A_357 = arith.constant 0 : i32
      %dma_wait3A_358 = tpu.memref_slice %arg2[%dma_wait3A_356, %dma_wait3A_357] : memref<10000x64xi32, #tpu.memory_space<hbm>> -> memref<10000x64xi32, #tpu.memory_space<hbm>>
      tpu.wait_indirect_dma semaphore(%arg18 : memref<!tpu.dma_semaphore, #tpu.memory_space<semaphore_mem>>) src(%dma_wait3A_358 : memref<10000x64xi32, #tpu.memory_space<hbm>>) dst(%arg12 : memref<128x64xi32, #tpu.memory_space<vmem>>)
      %dma_wait3A_359 = arith.constant 0 : i32
      %dma_wait3A_360 = arith.constant 0 : i32
      %dma_wait3A_361 = tpu.memref_slice %arg8[%dma_wait3A_359, %dma_wait3A_360] : memref<8x128xi32, #tpu.memory_space<vmem>> -> memref<1x128xi32, #tpu.memory_space<vmem>>
      %dma_wait3A_362 = tpu.memref_squeeze %dma_wait3A_361 : memref<1x128xi32, #tpu.memory_space<vmem>> -> memref<128xi32, #tpu.memory_space<vmem>>
      %dma_wait3A_363 = arith.constant 0 : i32
      %dma_wait3A_364 = arith.constant 0 : i32
      %dma_wait3A_365 = tpu.memref_slice %arg15[%dma_wait3A_363, %dma_wait3A_364] : memref<10240x128xf32, #tpu.memory_space<vmem_shared>> -> memref<10240x128xf32, #tpu.memory_space<vmem_shared>>
      tpu.wait_indirect_dma semaphore(%arg22 : memref<!tpu.dma_semaphore, #tpu.memory_space<semaphore_mem>>) src(%arg13 : memref<128x128xf32, #tpu.memory_space<vmem>>) dst(%dma_wait3A_365 : memref<10240x128xf32, #tpu.memory_space<vmem_shared>>)
      %dma_start3A_366 = arith.constant 1 : i32
      %dma_start3A_367 = arith.constant 0 : i32
      %dma_start3A_368 = tpu.memref_slice %arg9[%dma_start3A_366, %dma_start3A_367] : memref<8x128xi32, #tpu.memory_space<vmem>> -> memref<1x128xi32, #tpu.memory_space<vmem>>
      %dma_start3A_369 = tpu.memref_squeeze %dma_start3A_368 : memref<1x128xi32, #tpu.memory_space<vmem>> -> memref<128xi32, #tpu.memory_space<vmem>>
      %dma_start3A_370 = arith.constant 0 : i32
      %dma_start3A_371 = arith.constant 0 : i32
      %dma_start3A_372 = tpu.memref_slice %arg2[%dma_start3A_370, %dma_start3A_371] : memref<10000x64xi32, #tpu.memory_space<hbm>> -> memref<10000x64xi32, #tpu.memory_space<hbm>>
      tpu.enqueue_indirect_dma source(%dma_start3A_372 : memref<10000x64xi32, #tpu.memory_space<hbm>>) target(%arg12 : memref<128x64xi32, #tpu.memory_space<vmem>>) offsets(%dma_start3A_369 : memref<128xi32, #tpu.memory_space<vmem>>) semaphore(%arg18 : memref<!tpu.dma_semaphore, #tpu.memory_space<semaphore_mem>>)
      %dma_start3A_373 = arith.constant 7 : i32
      %dma_start3A_374 = arith.constant 0 : i32
      %dma_start3A_375 = tpu.memref_slice %arg8[%dma_start3A_373, %dma_start3A_374] : memref<8x128xi32, #tpu.memory_space<vmem>> -> memref<1x128xi32, #tpu.memory_space<vmem>>
      %dma_start3A_376 = tpu.memref_squeeze %dma_start3A_375 : memref<1x128xi32, #tpu.memory_space<vmem>> -> memref<128xi32, #tpu.memory_space<vmem>>
      %dma_start3A_377 = arith.constant 0 : i32
      %dma_start3A_378 = arith.constant 0 : i32
      %dma_start3A_379 = tpu.memref_slice %arg15[%dma_start3A_377, %dma_start3A_378] : memref<10240x128xf32, #tpu.memory_space<vmem_shared>> -> memref<10240x128xf32, #tpu.memory_space<vmem_shared>>
      tpu.enqueue_indirect_dma source(%arg13 : memref<128x128xf32, #tpu.memory_space<vmem>>) target(%dma_start3A_379 : memref<10240x128xf32, #tpu.memory_space<vmem_shared>>) offsets(%dma_start3A_376 : memref<128xi32, #tpu.memory_space<vmem>>) semaphore(%arg22 : memref<!tpu.dma_semaphore, #tpu.memory_space<semaphore_mem>>) {add = true}
      %dma_start3A_380 = arith.constant 7 : i32
      %dma_start3A_381 = arith.constant 0 : i32
      %dma_start3A_382 = tpu.memref_slice %arg8[%dma_start3A_380, %dma_start3A_381] : memref<8x128xi32, #tpu.memory_space<vmem>> -> memref<1x128xi32, #tpu.memory_space<vmem>>
      %dma_start3A_383 = tpu.memref_squeeze %dma_start3A_382 : memref<1x128xi32, #tpu.memory_space<vmem>> -> memref<128xi32, #tpu.memory_space<vmem>>
      %dma_start3A_384 = arith.constant 0 : i32
      %dma_start3A_385 = tpu.memref_slice %arg16[%dma_start3A_384] : memref<10240xf32, #tpu.memory_space<vmem_shared>> -> memref<10240xf32, #tpu.memory_space<vmem_shared>>
      tpu.enqueue_indirect_dma source(%arg14 : memref<128xf32, #tpu.memory_space<vmem>>) target(%dma_start3A_385 : memref<10240xf32, #tpu.memory_space<vmem_shared>>) offsets(%dma_start3A_383 : memref<128xi32, #tpu.memory_space<vmem>>) semaphore(%arg21 : memref<!tpu.dma_semaphore, #tpu.memory_space<semaphore_mem>>) {add = true}
      %dma_wait3A_386 = arith.constant 0 : i32
      %dma_wait3A_387 = arith.constant 0 : i32
      %dma_wait3A_388 = tpu.memref_slice %arg7[%dma_wait3A_386, %dma_wait3A_387] : memref<8x128xi32, #tpu.memory_space<vmem>> -> memref<1x128xi32, #tpu.memory_space<vmem>>
      %dma_wait3A_389 = tpu.memref_squeeze %dma_wait3A_388 : memref<1x128xi32, #tpu.memory_space<vmem>> -> memref<128xi32, #tpu.memory_space<vmem>>
      %dma_wait3A_390 = arith.constant 0 : i32
      %dma_wait3A_391 = arith.constant 0 : i32
      %dma_wait3A_392 = tpu.memref_slice %arg2[%dma_wait3A_390, %dma_wait3A_391] : memref<10000x64xi32, #tpu.memory_space<hbm>> -> memref<10000x64xi32, #tpu.memory_space<hbm>>
      tpu.wait_indirect_dma semaphore(%arg17 : memref<!tpu.dma_semaphore, #tpu.memory_space<semaphore_mem>>) src(%dma_wait3A_392 : memref<10000x64xi32, #tpu.memory_space<hbm>>) dst(%arg11 : memref<128x64xi32, #tpu.memory_space<vmem>>)
      %dma_wait3A_393 = arith.constant 0 : i32
      %dma_wait3A_394 = arith.constant 0 : i32
      %dma_wait3A_395 = tpu.memref_slice %arg8[%dma_wait3A_393, %dma_wait3A_394] : memref<8x128xi32, #tpu.memory_space<vmem>> -> memref<1x128xi32, #tpu.memory_space<vmem>>
      %dma_wait3A_396 = tpu.memref_squeeze %dma_wait3A_395 : memref<1x128xi32, #tpu.memory_space<vmem>> -> memref<128xi32, #tpu.memory_space<vmem>>
      %dma_wait3A_397 = arith.constant 0 : i32
      %dma_wait3A_398 = arith.constant 0 : i32
      %dma_wait3A_399 = tpu.memref_slice %arg15[%dma_wait3A_397, %dma_wait3A_398] : memref<10240x128xf32, #tpu.memory_space<vmem_shared>> -> memref<10240x128xf32, #tpu.memory_space<vmem_shared>>
      tpu.wait_indirect_dma semaphore(%arg22 : memref<!tpu.dma_semaphore, #tpu.memory_space<semaphore_mem>>) src(%arg13 : memref<128x128xf32, #tpu.memory_space<vmem>>) dst(%dma_wait3A_399 : memref<10240x128xf32, #tpu.memory_space<vmem_shared>>)
      %dma_wait3A_400 = arith.constant 0 : i32
      %dma_wait3A_401 = arith.constant 0 : i32
      %dma_wait3A_402 = tpu.memref_slice %arg8[%dma_wait3A_400, %dma_wait3A_401] : memref<8x128xi32, #tpu.memory_space<vmem>> -> memref<1x128xi32, #tpu.memory_space<vmem>>
      %dma_wait3A_403 = tpu.memref_squeeze %dma_wait3A_402 : memref<1x128xi32, #tpu.memory_space<vmem>> -> memref<128xi32, #tpu.memory_space<vmem>>
      %dma_wait3A_404 = arith.constant 0 : i32
      %dma_wait3A_405 = tpu.memref_slice %arg16[%dma_wait3A_404] : memref<10240xf32, #tpu.memory_space<vmem_shared>> -> memref<10240xf32, #tpu.memory_space<vmem_shared>>
      tpu.wait_indirect_dma semaphore(%arg21 : memref<!tpu.dma_semaphore, #tpu.memory_space<semaphore_mem>>) src(%arg14 : memref<128xf32, #tpu.memory_space<vmem>>) dst(%dma_wait3A_405 : memref<10240xf32, #tpu.memory_space<vmem_shared>>)
      %dma_wait3A_406 = arith.constant 0 : i32
      %dma_wait3A_407 = arith.constant 0 : i32
      %dma_wait3A_408 = tpu.memref_slice %arg8[%dma_wait3A_406, %dma_wait3A_407] : memref<8x128xi32, #tpu.memory_space<vmem>> -> memref<1x128xi32, #tpu.memory_space<vmem>>
      %dma_wait3A_409 = tpu.memref_squeeze %dma_wait3A_408 : memref<1x128xi32, #tpu.memory_space<vmem>> -> memref<128xi32, #tpu.memory_space<vmem>>
      %dma_wait3A_410 = arith.constant 0 : i32
      %dma_wait3A_411 = tpu.memref_slice %arg16[%dma_wait3A_410] : memref<10240xf32, #tpu.memory_space<vmem_shared>> -> memref<10240xf32, #tpu.memory_space<vmem_shared>>
      tpu.wait_indirect_dma semaphore(%arg21 : memref<!tpu.dma_semaphore, #tpu.memory_space<semaphore_mem>>) src(%arg14 : memref<128xf32, #tpu.memory_space<vmem>>) dst(%dma_wait3A_411 : memref<10240xf32, #tpu.memory_space<vmem_shared>>)
      %dma_wait3A_412 = arith.constant 0 : i32
      %dma_wait3A_413 = arith.constant 0 : i32
      %dma_wait3A_414 = tpu.memref_slice %arg8[%dma_wait3A_412, %dma_wait3A_413] : memref<8x128xi32, #tpu.memory_space<vmem>> -> memref<1x128xi32, #tpu.memory_space<vmem>>
      %dma_wait3A_415 = tpu.memref_squeeze %dma_wait3A_414 : memref<1x128xi32, #tpu.memory_space<vmem>> -> memref<128xi32, #tpu.memory_space<vmem>>
      %dma_wait3A_416 = arith.constant 0 : i32
      %dma_wait3A_417 = tpu.memref_slice %arg16[%dma_wait3A_416] : memref<10240xf32, #tpu.memory_space<vmem_shared>> -> memref<10240xf32, #tpu.memory_space<vmem_shared>>
      tpu.wait_indirect_dma semaphore(%arg21 : memref<!tpu.dma_semaphore, #tpu.memory_space<semaphore_mem>>) src(%arg14 : memref<128xf32, #tpu.memory_space<vmem>>) dst(%dma_wait3A_417 : memref<10240xf32, #tpu.memory_space<vmem_shared>>)
      %dma_wait3A_418 = arith.constant 0 : i32
      %dma_wait3A_419 = arith.constant 0 : i32
      %dma_wait3A_420 = tpu.memref_slice %arg8[%dma_wait3A_418, %dma_wait3A_419] : memref<8x128xi32, #tpu.memory_space<vmem>> -> memref<1x128xi32, #tpu.memory_space<vmem>>
      %dma_wait3A_421 = tpu.memref_squeeze %dma_wait3A_420 : memref<1x128xi32, #tpu.memory_space<vmem>> -> memref<128xi32, #tpu.memory_space<vmem>>
      %dma_wait3A_422 = arith.constant 0 : i32
      %dma_wait3A_423 = tpu.memref_slice %arg16[%dma_wait3A_422] : memref<10240xf32, #tpu.memory_space<vmem_shared>> -> memref<10240xf32, #tpu.memory_space<vmem_shared>>
      tpu.wait_indirect_dma semaphore(%arg21 : memref<!tpu.dma_semaphore, #tpu.memory_space<semaphore_mem>>) src(%arg14 : memref<128xf32, #tpu.memory_space<vmem>>) dst(%dma_wait3A_423 : memref<10240xf32, #tpu.memory_space<vmem_shared>>)
      %dma_wait3A_424 = arith.constant 0 : i32
      %dma_wait3A_425 = arith.constant 0 : i32
      %dma_wait3A_426 = tpu.memref_slice %arg8[%dma_wait3A_424, %dma_wait3A_425] : memref<8x128xi32, #tpu.memory_space<vmem>> -> memref<1x128xi32, #tpu.memory_space<vmem>>
      %dma_wait3A_427 = tpu.memref_squeeze %dma_wait3A_426 : memref<1x128xi32, #tpu.memory_space<vmem>> -> memref<128xi32, #tpu.memory_space<vmem>>
      %dma_wait3A_428 = arith.constant 0 : i32
      %dma_wait3A_429 = tpu.memref_slice %arg16[%dma_wait3A_428] : memref<10240xf32, #tpu.memory_space<vmem_shared>> -> memref<10240xf32, #tpu.memory_space<vmem_shared>>
      tpu.wait_indirect_dma semaphore(%arg21 : memref<!tpu.dma_semaphore, #tpu.memory_space<semaphore_mem>>) src(%arg14 : memref<128xf32, #tpu.memory_space<vmem>>) dst(%dma_wait3A_429 : memref<10240xf32, #tpu.memory_space<vmem_shared>>)
      %dma_wait3A_430 = arith.constant 0 : i32
      %dma_wait3A_431 = arith.constant 0 : i32
      %dma_wait3A_432 = tpu.memref_slice %arg8[%dma_wait3A_430, %dma_wait3A_431] : memref<8x128xi32, #tpu.memory_space<vmem>> -> memref<1x128xi32, #tpu.memory_space<vmem>>
      %dma_wait3A_433 = tpu.memref_squeeze %dma_wait3A_432 : memref<1x128xi32, #tpu.memory_space<vmem>> -> memref<128xi32, #tpu.memory_space<vmem>>
      %dma_wait3A_434 = arith.constant 0 : i32
      %dma_wait3A_435 = tpu.memref_slice %arg16[%dma_wait3A_434] : memref<10240xf32, #tpu.memory_space<vmem_shared>> -> memref<10240xf32, #tpu.memory_space<vmem_shared>>
      tpu.wait_indirect_dma semaphore(%arg21 : memref<!tpu.dma_semaphore, #tpu.memory_space<semaphore_mem>>) src(%arg14 : memref<128xf32, #tpu.memory_space<vmem>>) dst(%dma_wait3A_435 : memref<10240xf32, #tpu.memory_space<vmem_shared>>)
      %dma_wait3A_436 = arith.constant 0 : i32
      %dma_wait3A_437 = arith.constant 0 : i32
      %dma_wait3A_438 = tpu.memref_slice %arg8[%dma_wait3A_436, %dma_wait3A_437] : memref<8x128xi32, #tpu.memory_space<vmem>> -> memref<1x128xi32, #tpu.memory_space<vmem>>
      %dma_wait3A_439 = tpu.memref_squeeze %dma_wait3A_438 : memref<1x128xi32, #tpu.memory_space<vmem>> -> memref<128xi32, #tpu.memory_space<vmem>>
      %dma_wait3A_440 = arith.constant 0 : i32
      %dma_wait3A_441 = tpu.memref_slice %arg16[%dma_wait3A_440] : memref<10240xf32, #tpu.memory_space<vmem_shared>> -> memref<10240xf32, #tpu.memory_space<vmem_shared>>
      tpu.wait_indirect_dma semaphore(%arg21 : memref<!tpu.dma_semaphore, #tpu.memory_space<semaphore_mem>>) src(%arg14 : memref<128xf32, #tpu.memory_space<vmem>>) dst(%dma_wait3A_441 : memref<10240xf32, #tpu.memory_space<vmem_shared>>)
      %dma_wait3A_442 = arith.constant 0 : i32
      %dma_wait3A_443 = arith.constant 0 : i32
      %dma_wait3A_444 = tpu.memref_slice %arg8[%dma_wait3A_442, %dma_wait3A_443] : memref<8x128xi32, #tpu.memory_space<vmem>> -> memref<1x128xi32, #tpu.memory_space<vmem>>
      %dma_wait3A_445 = tpu.memref_squeeze %dma_wait3A_444 : memref<1x128xi32, #tpu.memory_space<vmem>> -> memref<128xi32, #tpu.memory_space<vmem>>
      %dma_wait3A_446 = arith.constant 0 : i32
      %dma_wait3A_447 = tpu.memref_slice %arg16[%dma_wait3A_446] : memref<10240xf32, #tpu.memory_space<vmem_shared>> -> memref<10240xf32, #tpu.memory_space<vmem_shared>>
      tpu.wait_indirect_dma semaphore(%arg21 : memref<!tpu.dma_semaphore, #tpu.memory_space<semaphore_mem>>) src(%arg14 : memref<128xf32, #tpu.memory_space<vmem>>) dst(%dma_wait3A_447 : memref<10240xf32, #tpu.memory_space<vmem_shared>>)
      %lt3A = arith.constant 4 : i32
      %lt3A_448 = arith.cmpi slt, %scan3A_88, %lt3A : i32
      %convert_element_type3A = arith.extui %lt3A_448 : i1 to i32
      %cond3A = arith.constant 0 : i32
      %cond3A_449 = arith.cmpi ne, %convert_element_type3A, %cond3A : i32
      scf.if %cond3A_449 {
        %add3A_752 = arith.constant 16 : i32
        %add3A_753 = arith.addi %add3A_91, %add3A_752 : i32
        %dma_start3A_754 = arith.constant 0 : i32
        %dma_start3A_755 = tpu.memref_slice %arg3[%add3A_753, %dma_start3A_754] : memref<2560x128xi32, #tpu.memory_space<hbm>> -> memref<8x128xi32, #tpu.memory_space<hbm>>
        %dma_start3A_756 = arith.constant 0 : i32
        %dma_start3A_757 = tpu.memref_slice %arg3[%add3A_753, %dma_start3A_756] : memref<2560x128xi32, #tpu.memory_space<hbm>> -> memref<8x128xi32, #tpu.memory_space<hbm>>
        tpu.enqueue_dma source(%dma_start3A_757 : memref<8x128xi32, #tpu.memory_space<hbm>>) target(%arg7 : memref<8x128xi32, #tpu.memory_space<vmem>>) target_semaphore(%arg19 : memref<!tpu.dma_semaphore, #tpu.memory_space<semaphore_mem>>)
        %dma_start3A_758 = arith.constant 0 : i32
        %dma_start3A_759 = tpu.memref_slice %arg4[%add3A_753, %dma_start3A_758] : memref<2560x128xi32, #tpu.memory_space<hbm>> -> memref<8x128xi32, #tpu.memory_space<hbm>>
        %dma_start3A_760 = arith.constant 0 : i32
        %dma_start3A_761 = tpu.memref_slice %arg4[%add3A_753, %dma_start3A_760] : memref<2560x128xi32, #tpu.memory_space<hbm>> -> memref<8x128xi32, #tpu.memory_space<hbm>>
        tpu.enqueue_dma source(%dma_start3A_761 : memref<8x128xi32, #tpu.memory_space<hbm>>) target(%arg8 : memref<8x128xi32, #tpu.memory_space<vmem>>) target_semaphore(%arg19 : memref<!tpu.dma_semaphore, #tpu.memory_space<semaphore_mem>>)
      } else {
      }
      %dma_start3A_450 = arith.constant 2 : i32
      %dma_start3A_451 = arith.constant 0 : i32
      %dma_start3A_452 = tpu.memref_slice %arg9[%dma_start3A_450, %dma_start3A_451] : memref<8x128xi32, #tpu.memory_space<vmem>> -> memref<1x128xi32, #tpu.memory_space<vmem>>
      %dma_start3A_453 = tpu.memref_squeeze %dma_start3A_452 : memref<1x128xi32, #tpu.memory_space<vmem>> -> memref<128xi32, #tpu.memory_space<vmem>>
      %dma_start3A_454 = arith.constant 0 : i32
      %dma_start3A_455 = arith.constant 0 : i32
      %dma_start3A_456 = tpu.memref_slice %arg2[%dma_start3A_454, %dma_start3A_455] : memref<10000x64xi32, #tpu.memory_space<hbm>> -> memref<10000x64xi32, #tpu.memory_space<hbm>>
      tpu.enqueue_indirect_dma source(%dma_start3A_456 : memref<10000x64xi32, #tpu.memory_space<hbm>>) target(%arg11 : memref<128x64xi32, #tpu.memory_space<vmem>>) offsets(%dma_start3A_453 : memref<128xi32, #tpu.memory_space<vmem>>) semaphore(%arg17 : memref<!tpu.dma_semaphore, #tpu.memory_space<semaphore_mem>>)
      %dma_start3A_457 = arith.constant 0 : i32
      %dma_start3A_458 = arith.constant 0 : i32
      %dma_start3A_459 = tpu.memref_slice %arg10[%dma_start3A_457, %dma_start3A_458] : memref<8x128xi32, #tpu.memory_space<vmem>> -> memref<1x128xi32, #tpu.memory_space<vmem>>
      %dma_start3A_460 = tpu.memref_squeeze %dma_start3A_459 : memref<1x128xi32, #tpu.memory_space<vmem>> -> memref<128xi32, #tpu.memory_space<vmem>>
      %dma_start3A_461 = arith.constant 0 : i32
      %dma_start3A_462 = arith.constant 0 : i32
      %dma_start3A_463 = tpu.memref_slice %arg15[%dma_start3A_461, %dma_start3A_462] : memref<10240x128xf32, #tpu.memory_space<vmem_shared>> -> memref<10240x128xf32, #tpu.memory_space<vmem_shared>>
      tpu.enqueue_indirect_dma source(%arg13 : memref<128x128xf32, #tpu.memory_space<vmem>>) target(%dma_start3A_463 : memref<10240x128xf32, #tpu.memory_space<vmem_shared>>) offsets(%dma_start3A_460 : memref<128xi32, #tpu.memory_space<vmem>>) semaphore(%arg22 : memref<!tpu.dma_semaphore, #tpu.memory_space<semaphore_mem>>) {add = true}
      %dma_start3A_464 = arith.constant 0 : i32
      %dma_start3A_465 = arith.constant 0 : i32
      %dma_start3A_466 = tpu.memref_slice %arg10[%dma_start3A_464, %dma_start3A_465] : memref<8x128xi32, #tpu.memory_space<vmem>> -> memref<1x128xi32, #tpu.memory_space<vmem>>
      %dma_start3A_467 = tpu.memref_squeeze %dma_start3A_466 : memref<1x128xi32, #tpu.memory_space<vmem>> -> memref<128xi32, #tpu.memory_space<vmem>>
      %dma_start3A_468 = arith.constant 0 : i32
      %dma_start3A_469 = tpu.memref_slice %arg16[%dma_start3A_468] : memref<10240xf32, #tpu.memory_space<vmem_shared>> -> memref<10240xf32, #tpu.memory_space<vmem_shared>>
      tpu.enqueue_indirect_dma source(%arg14 : memref<128xf32, #tpu.memory_space<vmem>>) target(%dma_start3A_469 : memref<10240xf32, #tpu.memory_space<vmem_shared>>) offsets(%dma_start3A_467 : memref<128xi32, #tpu.memory_space<vmem>>) semaphore(%arg21 : memref<!tpu.dma_semaphore, #tpu.memory_space<semaphore_mem>>) {add = true}
      %dma_wait3A_470 = arith.constant 0 : i32
      %dma_wait3A_471 = arith.constant 0 : i32
      %dma_wait3A_472 = tpu.memref_slice %arg7[%dma_wait3A_470, %dma_wait3A_471] : memref<8x128xi32, #tpu.memory_space<vmem>> -> memref<1x128xi32, #tpu.memory_space<vmem>>
      %dma_wait3A_473 = tpu.memref_squeeze %dma_wait3A_472 : memref<1x128xi32, #tpu.memory_space<vmem>> -> memref<128xi32, #tpu.memory_space<vmem>>
      %dma_wait3A_474 = arith.constant 0 : i32
      %dma_wait3A_475 = arith.constant 0 : i32
      %dma_wait3A_476 = tpu.memref_slice %arg2[%dma_wait3A_474, %dma_wait3A_475] : memref<10000x64xi32, #tpu.memory_space<hbm>> -> memref<10000x64xi32, #tpu.memory_space<hbm>>
      tpu.wait_indirect_dma semaphore(%arg18 : memref<!tpu.dma_semaphore, #tpu.memory_space<semaphore_mem>>) src(%dma_wait3A_476 : memref<10000x64xi32, #tpu.memory_space<hbm>>) dst(%arg12 : memref<128x64xi32, #tpu.memory_space<vmem>>)
      %dma_wait3A_477 = arith.constant 0 : i32
      %dma_wait3A_478 = arith.constant 0 : i32
      %dma_wait3A_479 = tpu.memref_slice %arg8[%dma_wait3A_477, %dma_wait3A_478] : memref<8x128xi32, #tpu.memory_space<vmem>> -> memref<1x128xi32, #tpu.memory_space<vmem>>
      %dma_wait3A_480 = tpu.memref_squeeze %dma_wait3A_479 : memref<1x128xi32, #tpu.memory_space<vmem>> -> memref<128xi32, #tpu.memory_space<vmem>>
      %dma_wait3A_481 = arith.constant 0 : i32
      %dma_wait3A_482 = arith.constant 0 : i32
      %dma_wait3A_483 = tpu.memref_slice %arg15[%dma_wait3A_481, %dma_wait3A_482] : memref<10240x128xf32, #tpu.memory_space<vmem_shared>> -> memref<10240x128xf32, #tpu.memory_space<vmem_shared>>
      tpu.wait_indirect_dma semaphore(%arg22 : memref<!tpu.dma_semaphore, #tpu.memory_space<semaphore_mem>>) src(%arg13 : memref<128x128xf32, #tpu.memory_space<vmem>>) dst(%dma_wait3A_483 : memref<10240x128xf32, #tpu.memory_space<vmem_shared>>)
      %dma_start3A_484 = arith.constant 3 : i32
      %dma_start3A_485 = arith.constant 0 : i32
      %dma_start3A_486 = tpu.memref_slice %arg9[%dma_start3A_484, %dma_start3A_485] : memref<8x128xi32, #tpu.memory_space<vmem>> -> memref<1x128xi32, #tpu.memory_space<vmem>>
      %dma_start3A_487 = tpu.memref_squeeze %dma_start3A_486 : memref<1x128xi32, #tpu.memory_space<vmem>> -> memref<128xi32, #tpu.memory_space<vmem>>
      %dma_start3A_488 = arith.constant 0 : i32
      %dma_start3A_489 = arith.constant 0 : i32
      %dma_start3A_490 = tpu.memref_slice %arg2[%dma_start3A_488, %dma_start3A_489] : memref<10000x64xi32, #tpu.memory_space<hbm>> -> memref<10000x64xi32, #tpu.memory_space<hbm>>
      tpu.enqueue_indirect_dma source(%dma_start3A_490 : memref<10000x64xi32, #tpu.memory_space<hbm>>) target(%arg12 : memref<128x64xi32, #tpu.memory_space<vmem>>) offsets(%dma_start3A_487 : memref<128xi32, #tpu.memory_space<vmem>>) semaphore(%arg18 : memref<!tpu.dma_semaphore, #tpu.memory_space<semaphore_mem>>)
      %dma_start3A_491 = arith.constant 1 : i32
      %dma_start3A_492 = arith.constant 0 : i32
      %dma_start3A_493 = tpu.memref_slice %arg10[%dma_start3A_491, %dma_start3A_492] : memref<8x128xi32, #tpu.memory_space<vmem>> -> memref<1x128xi32, #tpu.memory_space<vmem>>
      %dma_start3A_494 = tpu.memref_squeeze %dma_start3A_493 : memref<1x128xi32, #tpu.memory_space<vmem>> -> memref<128xi32, #tpu.memory_space<vmem>>
      %dma_start3A_495 = arith.constant 0 : i32
      %dma_start3A_496 = arith.constant 0 : i32
      %dma_start3A_497 = tpu.memref_slice %arg15[%dma_start3A_495, %dma_start3A_496] : memref<10240x128xf32, #tpu.memory_space<vmem_shared>> -> memref<10240x128xf32, #tpu.memory_space<vmem_shared>>
      tpu.enqueue_indirect_dma source(%arg13 : memref<128x128xf32, #tpu.memory_space<vmem>>) target(%dma_start3A_497 : memref<10240x128xf32, #tpu.memory_space<vmem_shared>>) offsets(%dma_start3A_494 : memref<128xi32, #tpu.memory_space<vmem>>) semaphore(%arg22 : memref<!tpu.dma_semaphore, #tpu.memory_space<semaphore_mem>>) {add = true}
      %dma_start3A_498 = arith.constant 1 : i32
      %dma_start3A_499 = arith.constant 0 : i32
      %dma_start3A_500 = tpu.memref_slice %arg10[%dma_start3A_498, %dma_start3A_499] : memref<8x128xi32, #tpu.memory_space<vmem>> -> memref<1x128xi32, #tpu.memory_space<vmem>>
      %dma_start3A_501 = tpu.memref_squeeze %dma_start3A_500 : memref<1x128xi32, #tpu.memory_space<vmem>> -> memref<128xi32, #tpu.memory_space<vmem>>
      %dma_start3A_502 = arith.constant 0 : i32
      %dma_start3A_503 = tpu.memref_slice %arg16[%dma_start3A_502] : memref<10240xf32, #tpu.memory_space<vmem_shared>> -> memref<10240xf32, #tpu.memory_space<vmem_shared>>
      tpu.enqueue_indirect_dma source(%arg14 : memref<128xf32, #tpu.memory_space<vmem>>) target(%dma_start3A_503 : memref<10240xf32, #tpu.memory_space<vmem_shared>>) offsets(%dma_start3A_501 : memref<128xi32, #tpu.memory_space<vmem>>) semaphore(%arg21 : memref<!tpu.dma_semaphore, #tpu.memory_space<semaphore_mem>>) {add = true}
      %dma_wait3A_504 = arith.constant 0 : i32
      %dma_wait3A_505 = arith.constant 0 : i32
      %dma_wait3A_506 = tpu.memref_slice %arg7[%dma_wait3A_504, %dma_wait3A_505] : memref<8x128xi32, #tpu.memory_space<vmem>> -> memref<1x128xi32, #tpu.memory_space<vmem>>
      %dma_wait3A_507 = tpu.memref_squeeze %dma_wait3A_506 : memref<1x128xi32, #tpu.memory_space<vmem>> -> memref<128xi32, #tpu.memory_space<vmem>>
      %dma_wait3A_508 = arith.constant 0 : i32
      %dma_wait3A_509 = arith.constant 0 : i32
      %dma_wait3A_510 = tpu.memref_slice %arg2[%dma_wait3A_508, %dma_wait3A_509] : memref<10000x64xi32, #tpu.memory_space<hbm>> -> memref<10000x64xi32, #tpu.memory_space<hbm>>
      tpu.wait_indirect_dma semaphore(%arg17 : memref<!tpu.dma_semaphore, #tpu.memory_space<semaphore_mem>>) src(%dma_wait3A_510 : memref<10000x64xi32, #tpu.memory_space<hbm>>) dst(%arg11 : memref<128x64xi32, #tpu.memory_space<vmem>>)
      %dma_wait3A_511 = arith.constant 0 : i32
      %dma_wait3A_512 = arith.constant 0 : i32
      %dma_wait3A_513 = tpu.memref_slice %arg8[%dma_wait3A_511, %dma_wait3A_512] : memref<8x128xi32, #tpu.memory_space<vmem>> -> memref<1x128xi32, #tpu.memory_space<vmem>>
      %dma_wait3A_514 = tpu.memref_squeeze %dma_wait3A_513 : memref<1x128xi32, #tpu.memory_space<vmem>> -> memref<128xi32, #tpu.memory_space<vmem>>
      %dma_wait3A_515 = arith.constant 0 : i32
      %dma_wait3A_516 = arith.constant 0 : i32
      %dma_wait3A_517 = tpu.memref_slice %arg15[%dma_wait3A_515, %dma_wait3A_516] : memref<10240x128xf32, #tpu.memory_space<vmem_shared>> -> memref<10240x128xf32, #tpu.memory_space<vmem_shared>>
      tpu.wait_indirect_dma semaphore(%arg22 : memref<!tpu.dma_semaphore, #tpu.memory_space<semaphore_mem>>) src(%arg13 : memref<128x128xf32, #tpu.memory_space<vmem>>) dst(%dma_wait3A_517 : memref<10240x128xf32, #tpu.memory_space<vmem_shared>>)
      %dma_start3A_518 = arith.constant 4 : i32
      %dma_start3A_519 = arith.constant 0 : i32
      %dma_start3A_520 = tpu.memref_slice %arg9[%dma_start3A_518, %dma_start3A_519] : memref<8x128xi32, #tpu.memory_space<vmem>> -> memref<1x128xi32, #tpu.memory_space<vmem>>
      %dma_start3A_521 = tpu.memref_squeeze %dma_start3A_520 : memref<1x128xi32, #tpu.memory_space<vmem>> -> memref<128xi32, #tpu.memory_space<vmem>>
      %dma_start3A_522 = arith.constant 0 : i32
      %dma_start3A_523 = arith.constant 0 : i32
      %dma_start3A_524 = tpu.memref_slice %arg2[%dma_start3A_522, %dma_start3A_523] : memref<10000x64xi32, #tpu.memory_space<hbm>> -> memref<10000x64xi32, #tpu.memory_space<hbm>>
      tpu.enqueue_indirect_dma source(%dma_start3A_524 : memref<10000x64xi32, #tpu.memory_space<hbm>>) target(%arg11 : memref<128x64xi32, #tpu.memory_space<vmem>>) offsets(%dma_start3A_521 : memref<128xi32, #tpu.memory_space<vmem>>) semaphore(%arg17 : memref<!tpu.dma_semaphore, #tpu.memory_space<semaphore_mem>>)
      %dma_start3A_525 = arith.constant 2 : i32
      %dma_start3A_526 = arith.constant 0 : i32
      %dma_start3A_527 = tpu.memref_slice %arg10[%dma_start3A_525, %dma_start3A_526] : memref<8x128xi32, #tpu.memory_space<vmem>> -> memref<1x128xi32, #tpu.memory_space<vmem>>
      %dma_start3A_528 = tpu.memref_squeeze %dma_start3A_527 : memref<1x128xi32, #tpu.memory_space<vmem>> -> memref<128xi32, #tpu.memory_space<vmem>>
      %dma_start3A_529 = arith.constant 0 : i32
      %dma_start3A_530 = arith.constant 0 : i32
      %dma_start3A_531 = tpu.memref_slice %arg15[%dma_start3A_529, %dma_start3A_530] : memref<10240x128xf32, #tpu.memory_space<vmem_shared>> -> memref<10240x128xf32, #tpu.memory_space<vmem_shared>>
      tpu.enqueue_indirect_dma source(%arg13 : memref<128x128xf32, #tpu.memory_space<vmem>>) target(%dma_start3A_531 : memref<10240x128xf32, #tpu.memory_space<vmem_shared>>) offsets(%dma_start3A_528 : memref<128xi32, #tpu.memory_space<vmem>>) semaphore(%arg22 : memref<!tpu.dma_semaphore, #tpu.memory_space<semaphore_mem>>) {add = true}
      %dma_start3A_532 = arith.constant 2 : i32
      %dma_start3A_533 = arith.constant 0 : i32
      %dma_start3A_534 = tpu.memref_slice %arg10[%dma_start3A_532, %dma_start3A_533] : memref<8x128xi32, #tpu.memory_space<vmem>> -> memref<1x128xi32, #tpu.memory_space<vmem>>
      %dma_start3A_535 = tpu.memref_squeeze %dma_start3A_534 : memref<1x128xi32, #tpu.memory_space<vmem>> -> memref<128xi32, #tpu.memory_space<vmem>>
      %dma_start3A_536 = arith.constant 0 : i32
      %dma_start3A_537 = tpu.memref_slice %arg16[%dma_start3A_536] : memref<10240xf32, #tpu.memory_space<vmem_shared>> -> memref<10240xf32, #tpu.memory_space<vmem_shared>>
      tpu.enqueue_indirect_dma source(%arg14 : memref<128xf32, #tpu.memory_space<vmem>>) target(%dma_start3A_537 : memref<10240xf32, #tpu.memory_space<vmem_shared>>) offsets(%dma_start3A_535 : memref<128xi32, #tpu.memory_space<vmem>>) semaphore(%arg21 : memref<!tpu.dma_semaphore, #tpu.memory_space<semaphore_mem>>) {add = true}
      %dma_wait3A_538 = arith.constant 0 : i32
      %dma_wait3A_539 = arith.constant 0 : i32
      %dma_wait3A_540 = tpu.memref_slice %arg7[%dma_wait3A_538, %dma_wait3A_539] : memref<8x128xi32, #tpu.memory_space<vmem>> -> memref<1x128xi32, #tpu.memory_space<vmem>>
      %dma_wait3A_541 = tpu.memref_squeeze %dma_wait3A_540 : memref<1x128xi32, #tpu.memory_space<vmem>> -> memref<128xi32, #tpu.memory_space<vmem>>
      %dma_wait3A_542 = arith.constant 0 : i32
      %dma_wait3A_543 = arith.constant 0 : i32
      %dma_wait3A_544 = tpu.memref_slice %arg2[%dma_wait3A_542, %dma_wait3A_543] : memref<10000x64xi32, #tpu.memory_space<hbm>> -> memref<10000x64xi32, #tpu.memory_space<hbm>>
      tpu.wait_indirect_dma semaphore(%arg18 : memref<!tpu.dma_semaphore, #tpu.memory_space<semaphore_mem>>) src(%dma_wait3A_544 : memref<10000x64xi32, #tpu.memory_space<hbm>>) dst(%arg12 : memref<128x64xi32, #tpu.memory_space<vmem>>)
      %dma_wait3A_545 = arith.constant 0 : i32
      %dma_wait3A_546 = arith.constant 0 : i32
      %dma_wait3A_547 = tpu.memref_slice %arg8[%dma_wait3A_545, %dma_wait3A_546] : memref<8x128xi32, #tpu.memory_space<vmem>> -> memref<1x128xi32, #tpu.memory_space<vmem>>
      %dma_wait3A_548 = tpu.memref_squeeze %dma_wait3A_547 : memref<1x128xi32, #tpu.memory_space<vmem>> -> memref<128xi32, #tpu.memory_space<vmem>>
      %dma_wait3A_549 = arith.constant 0 : i32
      %dma_wait3A_550 = arith.constant 0 : i32
      %dma_wait3A_551 = tpu.memref_slice %arg15[%dma_wait3A_549, %dma_wait3A_550] : memref<10240x128xf32, #tpu.memory_space<vmem_shared>> -> memref<10240x128xf32, #tpu.memory_space<vmem_shared>>
      tpu.wait_indirect_dma semaphore(%arg22 : memref<!tpu.dma_semaphore, #tpu.memory_space<semaphore_mem>>) src(%arg13 : memref<128x128xf32, #tpu.memory_space<vmem>>) dst(%dma_wait3A_551 : memref<10240x128xf32, #tpu.memory_space<vmem_shared>>)
      %dma_start3A_552 = arith.constant 5 : i32
      %dma_start3A_553 = arith.constant 0 : i32
      %dma_start3A_554 = tpu.memref_slice %arg9[%dma_start3A_552, %dma_start3A_553] : memref<8x128xi32, #tpu.memory_space<vmem>> -> memref<1x128xi32, #tpu.memory_space<vmem>>
      %dma_start3A_555 = tpu.memref_squeeze %dma_start3A_554 : memref<1x128xi32, #tpu.memory_space<vmem>> -> memref<128xi32, #tpu.memory_space<vmem>>
      %dma_start3A_556 = arith.constant 0 : i32
      %dma_start3A_557 = arith.constant 0 : i32
      %dma_start3A_558 = tpu.memref_slice %arg2[%dma_start3A_556, %dma_start3A_557] : memref<10000x64xi32, #tpu.memory_space<hbm>> -> memref<10000x64xi32, #tpu.memory_space<hbm>>
      tpu.enqueue_indirect_dma source(%dma_start3A_558 : memref<10000x64xi32, #tpu.memory_space<hbm>>) target(%arg12 : memref<128x64xi32, #tpu.memory_space<vmem>>) offsets(%dma_start3A_555 : memref<128xi32, #tpu.memory_space<vmem>>) semaphore(%arg18 : memref<!tpu.dma_semaphore, #tpu.memory_space<semaphore_mem>>)
      %dma_start3A_559 = arith.constant 3 : i32
      %dma_start3A_560 = arith.constant 0 : i32
      %dma_start3A_561 = tpu.memref_slice %arg10[%dma_start3A_559, %dma_start3A_560] : memref<8x128xi32, #tpu.memory_space<vmem>> -> memref<1x128xi32, #tpu.memory_space<vmem>>
      %dma_start3A_562 = tpu.memref_squeeze %dma_start3A_561 : memref<1x128xi32, #tpu.memory_space<vmem>> -> memref<128xi32, #tpu.memory_space<vmem>>
      %dma_start3A_563 = arith.constant 0 : i32
      %dma_start3A_564 = arith.constant 0 : i32
      %dma_start3A_565 = tpu.memref_slice %arg15[%dma_start3A_563, %dma_start3A_564] : memref<10240x128xf32, #tpu.memory_space<vmem_shared>> -> memref<10240x128xf32, #tpu.memory_space<vmem_shared>>
      tpu.enqueue_indirect_dma source(%arg13 : memref<128x128xf32, #tpu.memory_space<vmem>>) target(%dma_start3A_565 : memref<10240x128xf32, #tpu.memory_space<vmem_shared>>) offsets(%dma_start3A_562 : memref<128xi32, #tpu.memory_space<vmem>>) semaphore(%arg22 : memref<!tpu.dma_semaphore, #tpu.memory_space<semaphore_mem>>) {add = true}
      %dma_start3A_566 = arith.constant 3 : i32
      %dma_start3A_567 = arith.constant 0 : i32
      %dma_start3A_568 = tpu.memref_slice %arg10[%dma_start3A_566, %dma_start3A_567] : memref<8x128xi32, #tpu.memory_space<vmem>> -> memref<1x128xi32, #tpu.memory_space<vmem>>
      %dma_start3A_569 = tpu.memref_squeeze %dma_start3A_568 : memref<1x128xi32, #tpu.memory_space<vmem>> -> memref<128xi32, #tpu.memory_space<vmem>>
      %dma_start3A_570 = arith.constant 0 : i32
      %dma_start3A_571 = tpu.memref_slice %arg16[%dma_start3A_570] : memref<10240xf32, #tpu.memory_space<vmem_shared>> -> memref<10240xf32, #tpu.memory_space<vmem_shared>>
      tpu.enqueue_indirect_dma source(%arg14 : memref<128xf32, #tpu.memory_space<vmem>>) target(%dma_start3A_571 : memref<10240xf32, #tpu.memory_space<vmem_shared>>) offsets(%dma_start3A_569 : memref<128xi32, #tpu.memory_space<vmem>>) semaphore(%arg21 : memref<!tpu.dma_semaphore, #tpu.memory_space<semaphore_mem>>) {add = true}
      %dma_wait3A_572 = arith.constant 0 : i32
      %dma_wait3A_573 = arith.constant 0 : i32
      %dma_wait3A_574 = tpu.memref_slice %arg7[%dma_wait3A_572, %dma_wait3A_573] : memref<8x128xi32, #tpu.memory_space<vmem>> -> memref<1x128xi32, #tpu.memory_space<vmem>>
      %dma_wait3A_575 = tpu.memref_squeeze %dma_wait3A_574 : memref<1x128xi32, #tpu.memory_space<vmem>> -> memref<128xi32, #tpu.memory_space<vmem>>
      %dma_wait3A_576 = arith.constant 0 : i32
      %dma_wait3A_577 = arith.constant 0 : i32
      %dma_wait3A_578 = tpu.memref_slice %arg2[%dma_wait3A_576, %dma_wait3A_577] : memref<10000x64xi32, #tpu.memory_space<hbm>> -> memref<10000x64xi32, #tpu.memory_space<hbm>>
      tpu.wait_indirect_dma semaphore(%arg17 : memref<!tpu.dma_semaphore, #tpu.memory_space<semaphore_mem>>) src(%dma_wait3A_578 : memref<10000x64xi32, #tpu.memory_space<hbm>>) dst(%arg11 : memref<128x64xi32, #tpu.memory_space<vmem>>)
      %dma_wait3A_579 = arith.constant 0 : i32
      %dma_wait3A_580 = arith.constant 0 : i32
      %dma_wait3A_581 = tpu.memref_slice %arg8[%dma_wait3A_579, %dma_wait3A_580] : memref<8x128xi32, #tpu.memory_space<vmem>> -> memref<1x128xi32, #tpu.memory_space<vmem>>
      %dma_wait3A_582 = tpu.memref_squeeze %dma_wait3A_581 : memref<1x128xi32, #tpu.memory_space<vmem>> -> memref<128xi32, #tpu.memory_space<vmem>>
      %dma_wait3A_583 = arith.constant 0 : i32
      %dma_wait3A_584 = arith.constant 0 : i32
      %dma_wait3A_585 = tpu.memref_slice %arg15[%dma_wait3A_583, %dma_wait3A_584] : memref<10240x128xf32, #tpu.memory_space<vmem_shared>> -> memref<10240x128xf32, #tpu.memory_space<vmem_shared>>
      tpu.wait_indirect_dma semaphore(%arg22 : memref<!tpu.dma_semaphore, #tpu.memory_space<semaphore_mem>>) src(%arg13 : memref<128x128xf32, #tpu.memory_space<vmem>>) dst(%dma_wait3A_585 : memref<10240x128xf32, #tpu.memory_space<vmem_shared>>)
      %dma_start3A_586 = arith.constant 6 : i32
      %dma_start3A_587 = arith.constant 0 : i32
      %dma_start3A_588 = tpu.memref_slice %arg9[%dma_start3A_586, %dma_start3A_587] : memref<8x128xi32, #tpu.memory_space<vmem>> -> memref<1x128xi32, #tpu.memory_space<vmem>>
      %dma_start3A_589 = tpu.memref_squeeze %dma_start3A_588 : memref<1x128xi32, #tpu.memory_space<vmem>> -> memref<128xi32, #tpu.memory_space<vmem>>
      %dma_start3A_590 = arith.constant 0 : i32
      %dma_start3A_591 = arith.constant 0 : i32
      %dma_start3A_592 = tpu.memref_slice %arg2[%dma_start3A_590, %dma_start3A_591] : memref<10000x64xi32, #tpu.memory_space<hbm>> -> memref<10000x64xi32, #tpu.memory_space<hbm>>
      tpu.enqueue_indirect_dma source(%dma_start3A_592 : memref<10000x64xi32, #tpu.memory_space<hbm>>) target(%arg11 : memref<128x64xi32, #tpu.memory_space<vmem>>) offsets(%dma_start3A_589 : memref<128xi32, #tpu.memory_space<vmem>>) semaphore(%arg17 : memref<!tpu.dma_semaphore, #tpu.memory_space<semaphore_mem>>)
      %dma_start3A_593 = arith.constant 4 : i32
      %dma_start3A_594 = arith.constant 0 : i32
      %dma_start3A_595 = tpu.memref_slice %arg10[%dma_start3A_593, %dma_start3A_594] : memref<8x128xi32, #tpu.memory_space<vmem>> -> memref<1x128xi32, #tpu.memory_space<vmem>>
      %dma_start3A_596 = tpu.memref_squeeze %dma_start3A_595 : memref<1x128xi32, #tpu.memory_space<vmem>> -> memref<128xi32, #tpu.memory_space<vmem>>
      %dma_start3A_597 = arith.constant 0 : i32
      %dma_start3A_598 = arith.constant 0 : i32
      %dma_start3A_599 = tpu.memref_slice %arg15[%dma_start3A_597, %dma_start3A_598] : memref<10240x128xf32, #tpu.memory_space<vmem_shared>> -> memref<10240x128xf32, #tpu.memory_space<vmem_shared>>
      tpu.enqueue_indirect_dma source(%arg13 : memref<128x128xf32, #tpu.memory_space<vmem>>) target(%dma_start3A_599 : memref<10240x128xf32, #tpu.memory_space<vmem_shared>>) offsets(%dma_start3A_596 : memref<128xi32, #tpu.memory_space<vmem>>) semaphore(%arg22 : memref<!tpu.dma_semaphore, #tpu.memory_space<semaphore_mem>>) {add = true}
      %dma_start3A_600 = arith.constant 4 : i32
      %dma_start3A_601 = arith.constant 0 : i32
      %dma_start3A_602 = tpu.memref_slice %arg10[%dma_start3A_600, %dma_start3A_601] : memref<8x128xi32, #tpu.memory_space<vmem>> -> memref<1x128xi32, #tpu.memory_space<vmem>>
      %dma_start3A_603 = tpu.memref_squeeze %dma_start3A_602 : memref<1x128xi32, #tpu.memory_space<vmem>> -> memref<128xi32, #tpu.memory_space<vmem>>
      %dma_start3A_604 = arith.constant 0 : i32
      %dma_start3A_605 = tpu.memref_slice %arg16[%dma_start3A_604] : memref<10240xf32, #tpu.memory_space<vmem_shared>> -> memref<10240xf32, #tpu.memory_space<vmem_shared>>
      tpu.enqueue_indirect_dma source(%arg14 : memref<128xf32, #tpu.memory_space<vmem>>) target(%dma_start3A_605 : memref<10240xf32, #tpu.memory_space<vmem_shared>>) offsets(%dma_start3A_603 : memref<128xi32, #tpu.memory_space<vmem>>) semaphore(%arg21 : memref<!tpu.dma_semaphore, #tpu.memory_space<semaphore_mem>>) {add = true}
      %dma_wait3A_606 = arith.constant 0 : i32
      %dma_wait3A_607 = arith.constant 0 : i32
      %dma_wait3A_608 = tpu.memref_slice %arg7[%dma_wait3A_606, %dma_wait3A_607] : memref<8x128xi32, #tpu.memory_space<vmem>> -> memref<1x128xi32, #tpu.memory_space<vmem>>
      %dma_wait3A_609 = tpu.memref_squeeze %dma_wait3A_608 : memref<1x128xi32, #tpu.memory_space<vmem>> -> memref<128xi32, #tpu.memory_space<vmem>>
      %dma_wait3A_610 = arith.constant 0 : i32
      %dma_wait3A_611 = arith.constant 0 : i32
      %dma_wait3A_612 = tpu.memref_slice %arg2[%dma_wait3A_610, %dma_wait3A_611] : memref<10000x64xi32, #tpu.memory_space<hbm>> -> memref<10000x64xi32, #tpu.memory_space<hbm>>
      tpu.wait_indirect_dma semaphore(%arg18 : memref<!tpu.dma_semaphore, #tpu.memory_space<semaphore_mem>>) src(%dma_wait3A_612 : memref<10000x64xi32, #tpu.memory_space<hbm>>) dst(%arg12 : memref<128x64xi32, #tpu.memory_space<vmem>>)
      %dma_wait3A_613 = arith.constant 0 : i32
      %dma_wait3A_614 = arith.constant 0 : i32
      %dma_wait3A_615 = tpu.memref_slice %arg8[%dma_wait3A_613, %dma_wait3A_614] : memref<8x128xi32, #tpu.memory_space<vmem>> -> memref<1x128xi32, #tpu.memory_space<vmem>>
      %dma_wait3A_616 = tpu.memref_squeeze %dma_wait3A_615 : memref<1x128xi32, #tpu.memory_space<vmem>> -> memref<128xi32, #tpu.memory_space<vmem>>
      %dma_wait3A_617 = arith.constant 0 : i32
      %dma_wait3A_618 = arith.constant 0 : i32
      %dma_wait3A_619 = tpu.memref_slice %arg15[%dma_wait3A_617, %dma_wait3A_618] : memref<10240x128xf32, #tpu.memory_space<vmem_shared>> -> memref<10240x128xf32, #tpu.memory_space<vmem_shared>>
      tpu.wait_indirect_dma semaphore(%arg22 : memref<!tpu.dma_semaphore, #tpu.memory_space<semaphore_mem>>) src(%arg13 : memref<128x128xf32, #tpu.memory_space<vmem>>) dst(%dma_wait3A_619 : memref<10240x128xf32, #tpu.memory_space<vmem_shared>>)
      %dma_start3A_620 = arith.constant 7 : i32
      %dma_start3A_621 = arith.constant 0 : i32
      %dma_start3A_622 = tpu.memref_slice %arg9[%dma_start3A_620, %dma_start3A_621] : memref<8x128xi32, #tpu.memory_space<vmem>> -> memref<1x128xi32, #tpu.memory_space<vmem>>
      %dma_start3A_623 = tpu.memref_squeeze %dma_start3A_622 : memref<1x128xi32, #tpu.memory_space<vmem>> -> memref<128xi32, #tpu.memory_space<vmem>>
      %dma_start3A_624 = arith.constant 0 : i32
      %dma_start3A_625 = arith.constant 0 : i32
      %dma_start3A_626 = tpu.memref_slice %arg2[%dma_start3A_624, %dma_start3A_625] : memref<10000x64xi32, #tpu.memory_space<hbm>> -> memref<10000x64xi32, #tpu.memory_space<hbm>>
      tpu.enqueue_indirect_dma source(%dma_start3A_626 : memref<10000x64xi32, #tpu.memory_space<hbm>>) target(%arg12 : memref<128x64xi32, #tpu.memory_space<vmem>>) offsets(%dma_start3A_623 : memref<128xi32, #tpu.memory_space<vmem>>) semaphore(%arg18 : memref<!tpu.dma_semaphore, #tpu.memory_space<semaphore_mem>>)
      %dma_start3A_627 = arith.constant 5 : i32
      %dma_start3A_628 = arith.constant 0 : i32
      %dma_start3A_629 = tpu.memref_slice %arg10[%dma_start3A_627, %dma_start3A_628] : memref<8x128xi32, #tpu.memory_space<vmem>> -> memref<1x128xi32, #tpu.memory_space<vmem>>
      %dma_start3A_630 = tpu.memref_squeeze %dma_start3A_629 : memref<1x128xi32, #tpu.memory_space<vmem>> -> memref<128xi32, #tpu.memory_space<vmem>>
      %dma_start3A_631 = arith.constant 0 : i32
      %dma_start3A_632 = arith.constant 0 : i32
      %dma_start3A_633 = tpu.memref_slice %arg15[%dma_start3A_631, %dma_start3A_632] : memref<10240x128xf32, #tpu.memory_space<vmem_shared>> -> memref<10240x128xf32, #tpu.memory_space<vmem_shared>>
      tpu.enqueue_indirect_dma source(%arg13 : memref<128x128xf32, #tpu.memory_space<vmem>>) target(%dma_start3A_633 : memref<10240x128xf32, #tpu.memory_space<vmem_shared>>) offsets(%dma_start3A_630 : memref<128xi32, #tpu.memory_space<vmem>>) semaphore(%arg22 : memref<!tpu.dma_semaphore, #tpu.memory_space<semaphore_mem>>) {add = true}
      %dma_start3A_634 = arith.constant 5 : i32
      %dma_start3A_635 = arith.constant 0 : i32
      %dma_start3A_636 = tpu.memref_slice %arg10[%dma_start3A_634, %dma_start3A_635] : memref<8x128xi32, #tpu.memory_space<vmem>> -> memref<1x128xi32, #tpu.memory_space<vmem>>
      %dma_start3A_637 = tpu.memref_squeeze %dma_start3A_636 : memref<1x128xi32, #tpu.memory_space<vmem>> -> memref<128xi32, #tpu.memory_space<vmem>>
      %dma_start3A_638 = arith.constant 0 : i32
      %dma_start3A_639 = tpu.memref_slice %arg16[%dma_start3A_638] : memref<10240xf32, #tpu.memory_space<vmem_shared>> -> memref<10240xf32, #tpu.memory_space<vmem_shared>>
      tpu.enqueue_indirect_dma source(%arg14 : memref<128xf32, #tpu.memory_space<vmem>>) target(%dma_start3A_639 : memref<10240xf32, #tpu.memory_space<vmem_shared>>) offsets(%dma_start3A_637 : memref<128xi32, #tpu.memory_space<vmem>>) semaphore(%arg21 : memref<!tpu.dma_semaphore, #tpu.memory_space<semaphore_mem>>) {add = true}
      %dma_wait3A_640 = arith.constant 0 : i32
      %dma_wait3A_641 = arith.constant 0 : i32
      %dma_wait3A_642 = tpu.memref_slice %arg7[%dma_wait3A_640, %dma_wait3A_641] : memref<8x128xi32, #tpu.memory_space<vmem>> -> memref<1x128xi32, #tpu.memory_space<vmem>>
      %dma_wait3A_643 = tpu.memref_squeeze %dma_wait3A_642 : memref<1x128xi32, #tpu.memory_space<vmem>> -> memref<128xi32, #tpu.memory_space<vmem>>
      %dma_wait3A_644 = arith.constant 0 : i32
      %dma_wait3A_645 = arith.constant 0 : i32
      %dma_wait3A_646 = tpu.memref_slice %arg2[%dma_wait3A_644, %dma_wait3A_645] : memref<10000x64xi32, #tpu.memory_space<hbm>> -> memref<10000x64xi32, #tpu.memory_space<hbm>>
      tpu.wait_indirect_dma semaphore(%arg17 : memref<!tpu.dma_semaphore, #tpu.memory_space<semaphore_mem>>) src(%dma_wait3A_646 : memref<10000x64xi32, #tpu.memory_space<hbm>>) dst(%arg11 : memref<128x64xi32, #tpu.memory_space<vmem>>)
      %dma_wait3A_647 = arith.constant 0 : i32
      %dma_wait3A_648 = arith.constant 0 : i32
      %dma_wait3A_649 = tpu.memref_slice %arg8[%dma_wait3A_647, %dma_wait3A_648] : memref<8x128xi32, #tpu.memory_space<vmem>> -> memref<1x128xi32, #tpu.memory_space<vmem>>
      %dma_wait3A_650 = tpu.memref_squeeze %dma_wait3A_649 : memref<1x128xi32, #tpu.memory_space<vmem>> -> memref<128xi32, #tpu.memory_space<vmem>>
      %dma_wait3A_651 = arith.constant 0 : i32
      %dma_wait3A_652 = arith.constant 0 : i32
      %dma_wait3A_653 = tpu.memref_slice %arg15[%dma_wait3A_651, %dma_wait3A_652] : memref<10240x128xf32, #tpu.memory_space<vmem_shared>> -> memref<10240x128xf32, #tpu.memory_space<vmem_shared>>
      tpu.wait_indirect_dma semaphore(%arg22 : memref<!tpu.dma_semaphore, #tpu.memory_space<semaphore_mem>>) src(%arg13 : memref<128x128xf32, #tpu.memory_space<vmem>>) dst(%dma_wait3A_653 : memref<10240x128xf32, #tpu.memory_space<vmem_shared>>)
      %lt3A_654 = arith.constant 4 : i32
      %lt3A_655 = arith.cmpi slt, %scan3A_88, %lt3A_654 : i32
      %convert_element_type3A_656 = arith.extui %lt3A_655 : i1 to i32
      %cond3A_657 = arith.constant 0 : i32
      %cond3A_658 = arith.cmpi ne, %convert_element_type3A_656, %cond3A_657 : i32
      scf.if %cond3A_658 {
        %dma_wait3A_752 = arith.constant 0 : i32
        %dma_wait3A_753 = arith.constant 0 : i32
        %dma_wait3A_754 = tpu.memref_slice %arg3[%dma_wait3A_752, %dma_wait3A_753] : memref<2560x128xi32, #tpu.memory_space<hbm>> -> memref<8x128xi32, #tpu.memory_space<hbm>>
        %dma_wait3A_755 = arith.constant 0 : i32
        %dma_wait3A_756 = arith.constant 0 : i32
        %dma_wait3A_757 = tpu.memref_slice %arg3[%dma_wait3A_755, %dma_wait3A_756] : memref<2560x128xi32, #tpu.memory_space<hbm>> -> memref<8x128xi32, #tpu.memory_space<hbm>>
        tpu.wait_dma2 semaphore(%arg19 : memref<!tpu.dma_semaphore, #tpu.memory_space<semaphore_mem>>) src(%dma_wait3A_757 : memref<8x128xi32, #tpu.memory_space<hbm>>) dst(%arg7 : memref<8x128xi32, #tpu.memory_space<vmem>>)
        %dma_wait3A_758 = arith.constant 0 : i32
        %dma_wait3A_759 = arith.constant 0 : i32
        %dma_wait3A_760 = tpu.memref_slice %arg4[%dma_wait3A_758, %dma_wait3A_759] : memref<2560x128xi32, #tpu.memory_space<hbm>> -> memref<8x128xi32, #tpu.memory_space<hbm>>
        %dma_wait3A_761 = arith.constant 0 : i32
        %dma_wait3A_762 = arith.constant 0 : i32
        %dma_wait3A_763 = tpu.memref_slice %arg4[%dma_wait3A_761, %dma_wait3A_762] : memref<2560x128xi32, #tpu.memory_space<hbm>> -> memref<8x128xi32, #tpu.memory_space<hbm>>
        tpu.wait_dma2 semaphore(%arg19 : memref<!tpu.dma_semaphore, #tpu.memory_space<semaphore_mem>>) src(%dma_wait3A_763 : memref<8x128xi32, #tpu.memory_space<hbm>>) dst(%arg8 : memref<8x128xi32, #tpu.memory_space<vmem>>)
        %dma_start3A_764 = arith.constant 0 : i32
        %dma_start3A_765 = arith.constant 0 : i32
        %dma_start3A_766 = tpu.memref_slice %arg7[%dma_start3A_764, %dma_start3A_765] : memref<8x128xi32, #tpu.memory_space<vmem>> -> memref<1x128xi32, #tpu.memory_space<vmem>>
        %dma_start3A_767 = tpu.memref_squeeze %dma_start3A_766 : memref<1x128xi32, #tpu.memory_space<vmem>> -> memref<128xi32, #tpu.memory_space<vmem>>
        %dma_start3A_768 = arith.constant 0 : i32
        %dma_start3A_769 = arith.constant 0 : i32
        %dma_start3A_770 = tpu.memref_slice %arg2[%dma_start3A_768, %dma_start3A_769] : memref<10000x64xi32, #tpu.memory_space<hbm>> -> memref<10000x64xi32, #tpu.memory_space<hbm>>
        tpu.enqueue_indirect_dma source(%dma_start3A_770 : memref<10000x64xi32, #tpu.memory_space<hbm>>) target(%arg11 : memref<128x64xi32, #tpu.memory_space<vmem>>) offsets(%dma_start3A_767 : memref<128xi32, #tpu.memory_space<vmem>>) semaphore(%arg17 : memref<!tpu.dma_semaphore, #tpu.memory_space<semaphore_mem>>)
      } else {
      }
      %dma_start3A_659 = arith.constant 6 : i32
      %dma_start3A_660 = arith.constant 0 : i32
      %dma_start3A_661 = tpu.memref_slice %arg10[%dma_start3A_659, %dma_start3A_660] : memref<8x128xi32, #tpu.memory_space<vmem>> -> memref<1x128xi32, #tpu.memory_space<vmem>>
      %dma_start3A_662 = tpu.memref_squeeze %dma_start3A_661 : memref<1x128xi32, #tpu.memory_space<vmem>> -> memref<128xi32, #tpu.memory_space<vmem>>
      %dma_start3A_663 = arith.constant 0 : i32
      %dma_start3A_664 = arith.constant 0 : i32
      %dma_start3A_665 = tpu.memref_slice %arg15[%dma_start3A_663, %dma_start3A_664] : memref<10240x128xf32, #tpu.memory_space<vmem_shared>> -> memref<10240x128xf32, #tpu.memory_space<vmem_shared>>
      tpu.enqueue_indirect_dma source(%arg13 : memref<128x128xf32, #tpu.memory_space<vmem>>) target(%dma_start3A_665 : memref<10240x128xf32, #tpu.memory_space<vmem_shared>>) offsets(%dma_start3A_662 : memref<128xi32, #tpu.memory_space<vmem>>) semaphore(%arg22 : memref<!tpu.dma_semaphore, #tpu.memory_space<semaphore_mem>>) {add = true}
      %dma_start3A_666 = arith.constant 6 : i32
      %dma_start3A_667 = arith.constant 0 : i32
      %dma_start3A_668 = tpu.memref_slice %arg10[%dma_start3A_666, %dma_start3A_667] : memref<8x128xi32, #tpu.memory_space<vmem>> -> memref<1x128xi32, #tpu.memory_space<vmem>>
      %dma_start3A_669 = tpu.memref_squeeze %dma_start3A_668 : memref<1x128xi32, #tpu.memory_space<vmem>> -> memref<128xi32, #tpu.memory_space<vmem>>
      %dma_start3A_670 = arith.constant 0 : i32
      %dma_start3A_671 = tpu.memref_slice %arg16[%dma_start3A_670] : memref<10240xf32, #tpu.memory_space<vmem_shared>> -> memref<10240xf32, #tpu.memory_space<vmem_shared>>
      tpu.enqueue_indirect_dma source(%arg14 : memref<128xf32, #tpu.memory_space<vmem>>) target(%dma_start3A_671 : memref<10240xf32, #tpu.memory_space<vmem_shared>>) offsets(%dma_start3A_669 : memref<128xi32, #tpu.memory_space<vmem>>) semaphore(%arg21 : memref<!tpu.dma_semaphore, #tpu.memory_space<semaphore_mem>>) {add = true}
      %dma_wait3A_672 = arith.constant 0 : i32
      %dma_wait3A_673 = arith.constant 0 : i32
      %dma_wait3A_674 = tpu.memref_slice %arg7[%dma_wait3A_672, %dma_wait3A_673] : memref<8x128xi32, #tpu.memory_space<vmem>> -> memref<1x128xi32, #tpu.memory_space<vmem>>
      %dma_wait3A_675 = tpu.memref_squeeze %dma_wait3A_674 : memref<1x128xi32, #tpu.memory_space<vmem>> -> memref<128xi32, #tpu.memory_space<vmem>>
      %dma_wait3A_676 = arith.constant 0 : i32
      %dma_wait3A_677 = arith.constant 0 : i32
      %dma_wait3A_678 = tpu.memref_slice %arg2[%dma_wait3A_676, %dma_wait3A_677] : memref<10000x64xi32, #tpu.memory_space<hbm>> -> memref<10000x64xi32, #tpu.memory_space<hbm>>
      tpu.wait_indirect_dma semaphore(%arg18 : memref<!tpu.dma_semaphore, #tpu.memory_space<semaphore_mem>>) src(%dma_wait3A_678 : memref<10000x64xi32, #tpu.memory_space<hbm>>) dst(%arg12 : memref<128x64xi32, #tpu.memory_space<vmem>>)
      %dma_wait3A_679 = arith.constant 0 : i32
      %dma_wait3A_680 = arith.constant 0 : i32
      %dma_wait3A_681 = tpu.memref_slice %arg8[%dma_wait3A_679, %dma_wait3A_680] : memref<8x128xi32, #tpu.memory_space<vmem>> -> memref<1x128xi32, #tpu.memory_space<vmem>>
      %dma_wait3A_682 = tpu.memref_squeeze %dma_wait3A_681 : memref<1x128xi32, #tpu.memory_space<vmem>> -> memref<128xi32, #tpu.memory_space<vmem>>
      %dma_wait3A_683 = arith.constant 0 : i32
      %dma_wait3A_684 = arith.constant 0 : i32
      %dma_wait3A_685 = tpu.memref_slice %arg15[%dma_wait3A_683, %dma_wait3A_684] : memref<10240x128xf32, #tpu.memory_space<vmem_shared>> -> memref<10240x128xf32, #tpu.memory_space<vmem_shared>>
      tpu.wait_indirect_dma semaphore(%arg22 : memref<!tpu.dma_semaphore, #tpu.memory_space<semaphore_mem>>) src(%arg13 : memref<128x128xf32, #tpu.memory_space<vmem>>) dst(%dma_wait3A_685 : memref<10240x128xf32, #tpu.memory_space<vmem_shared>>)
      %lt3A_686 = arith.constant 4 : i32
      %lt3A_687 = arith.cmpi slt, %scan3A_88, %lt3A_686 : i32
      %convert_element_type3A_688 = arith.extui %lt3A_687 : i1 to i32
      %cond3A_689 = arith.constant 0 : i32
      %cond3A_690 = arith.cmpi ne, %convert_element_type3A_688, %cond3A_689 : i32
      scf.if %cond3A_690 {
        %dma_start3A_752 = arith.constant 1 : i32
        %dma_start3A_753 = arith.constant 0 : i32
        %dma_start3A_754 = tpu.memref_slice %arg7[%dma_start3A_752, %dma_start3A_753] : memref<8x128xi32, #tpu.memory_space<vmem>> -> memref<1x128xi32, #tpu.memory_space<vmem>>
        %dma_start3A_755 = tpu.memref_squeeze %dma_start3A_754 : memref<1x128xi32, #tpu.memory_space<vmem>> -> memref<128xi32, #tpu.memory_space<vmem>>
        %dma_start3A_756 = arith.constant 0 : i32
        %dma_start3A_757 = arith.constant 0 : i32
        %dma_start3A_758 = tpu.memref_slice %arg2[%dma_start3A_756, %dma_start3A_757] : memref<10000x64xi32, #tpu.memory_space<hbm>> -> memref<10000x64xi32, #tpu.memory_space<hbm>>
        tpu.enqueue_indirect_dma source(%dma_start3A_758 : memref<10000x64xi32, #tpu.memory_space<hbm>>) target(%arg12 : memref<128x64xi32, #tpu.memory_space<vmem>>) offsets(%dma_start3A_755 : memref<128xi32, #tpu.memory_space<vmem>>) semaphore(%arg18 : memref<!tpu.dma_semaphore, #tpu.memory_space<semaphore_mem>>)
      } else {
      }
      %dma_start3A_691 = arith.constant 7 : i32
      %dma_start3A_692 = arith.constant 0 : i32
      %dma_start3A_693 = tpu.memref_slice %arg10[%dma_start3A_691, %dma_start3A_692] : memref<8x128xi32, #tpu.memory_space<vmem>> -> memref<1x128xi32, #tpu.memory_space<vmem>>
      %dma_start3A_694 = tpu.memref_squeeze %dma_start3A_693 : memref<1x128xi32, #tpu.memory_space<vmem>> -> memref<128xi32, #tpu.memory_space<vmem>>
      %dma_start3A_695 = arith.constant 0 : i32
      %dma_start3A_696 = arith.constant 0 : i32
      %dma_start3A_697 = tpu.memref_slice %arg15[%dma_start3A_695, %dma_start3A_696] : memref<10240x128xf32, #tpu.memory_space<vmem_shared>> -> memref<10240x128xf32, #tpu.memory_space<vmem_shared>>
      tpu.enqueue_indirect_dma source(%arg13 : memref<128x128xf32, #tpu.memory_space<vmem>>) target(%dma_start3A_697 : memref<10240x128xf32, #tpu.memory_space<vmem_shared>>) offsets(%dma_start3A_694 : memref<128xi32, #tpu.memory_space<vmem>>) semaphore(%arg22 : memref<!tpu.dma_semaphore, #tpu.memory_space<semaphore_mem>>) {add = true}
      %dma_start3A_698 = arith.constant 7 : i32
      %dma_start3A_699 = arith.constant 0 : i32
      %dma_start3A_700 = tpu.memref_slice %arg10[%dma_start3A_698, %dma_start3A_699] : memref<8x128xi32, #tpu.memory_space<vmem>> -> memref<1x128xi32, #tpu.memory_space<vmem>>
      %dma_start3A_701 = tpu.memref_squeeze %dma_start3A_700 : memref<1x128xi32, #tpu.memory_space<vmem>> -> memref<128xi32, #tpu.memory_space<vmem>>
      %dma_start3A_702 = arith.constant 0 : i32
      %dma_start3A_703 = tpu.memref_slice %arg16[%dma_start3A_702] : memref<10240xf32, #tpu.memory_space<vmem_shared>> -> memref<10240xf32, #tpu.memory_space<vmem_shared>>
      tpu.enqueue_indirect_dma source(%arg14 : memref<128xf32, #tpu.memory_space<vmem>>) target(%dma_start3A_703 : memref<10240xf32, #tpu.memory_space<vmem_shared>>) offsets(%dma_start3A_701 : memref<128xi32, #tpu.memory_space<vmem>>) semaphore(%arg21 : memref<!tpu.dma_semaphore, #tpu.memory_space<semaphore_mem>>) {add = true}
      %dma_wait3A_704 = arith.constant 0 : i32
      %dma_wait3A_705 = arith.constant 0 : i32
      %dma_wait3A_706 = tpu.memref_slice %arg8[%dma_wait3A_704, %dma_wait3A_705] : memref<8x128xi32, #tpu.memory_space<vmem>> -> memref<1x128xi32, #tpu.memory_space<vmem>>
      %dma_wait3A_707 = tpu.memref_squeeze %dma_wait3A_706 : memref<1x128xi32, #tpu.memory_space<vmem>> -> memref<128xi32, #tpu.memory_space<vmem>>
      %dma_wait3A_708 = arith.constant 0 : i32
      %dma_wait3A_709 = tpu.memref_slice %arg16[%dma_wait3A_708] : memref<10240xf32, #tpu.memory_space<vmem_shared>> -> memref<10240xf32, #tpu.memory_space<vmem_shared>>
      tpu.wait_indirect_dma semaphore(%arg21 : memref<!tpu.dma_semaphore, #tpu.memory_space<semaphore_mem>>) src(%arg14 : memref<128xf32, #tpu.memory_space<vmem>>) dst(%dma_wait3A_709 : memref<10240xf32, #tpu.memory_space<vmem_shared>>)
      %dma_wait3A_710 = arith.constant 0 : i32
      %dma_wait3A_711 = arith.constant 0 : i32
      %dma_wait3A_712 = tpu.memref_slice %arg8[%dma_wait3A_710, %dma_wait3A_711] : memref<8x128xi32, #tpu.memory_space<vmem>> -> memref<1x128xi32, #tpu.memory_space<vmem>>
      %dma_wait3A_713 = tpu.memref_squeeze %dma_wait3A_712 : memref<1x128xi32, #tpu.memory_space<vmem>> -> memref<128xi32, #tpu.memory_space<vmem>>
      %dma_wait3A_714 = arith.constant 0 : i32
      %dma_wait3A_715 = tpu.memref_slice %arg16[%dma_wait3A_714] : memref<10240xf32, #tpu.memory_space<vmem_shared>> -> memref<10240xf32, #tpu.memory_space<vmem_shared>>
      tpu.wait_indirect_dma semaphore(%arg21 : memref<!tpu.dma_semaphore, #tpu.memory_space<semaphore_mem>>) src(%arg14 : memref<128xf32, #tpu.memory_space<vmem>>) dst(%dma_wait3A_715 : memref<10240xf32, #tpu.memory_space<vmem_shared>>)
      %dma_wait3A_716 = arith.constant 0 : i32
      %dma_wait3A_717 = arith.constant 0 : i32
      %dma_wait3A_718 = tpu.memref_slice %arg8[%dma_wait3A_716, %dma_wait3A_717] : memref<8x128xi32, #tpu.memory_space<vmem>> -> memref<1x128xi32, #tpu.memory_space<vmem>>
      %dma_wait3A_719 = tpu.memref_squeeze %dma_wait3A_718 : memref<1x128xi32, #tpu.memory_space<vmem>> -> memref<128xi32, #tpu.memory_space<vmem>>
      %dma_wait3A_720 = arith.constant 0 : i32
      %dma_wait3A_721 = tpu.memref_slice %arg16[%dma_wait3A_720] : memref<10240xf32, #tpu.memory_space<vmem_shared>> -> memref<10240xf32, #tpu.memory_space<vmem_shared>>
      tpu.wait_indirect_dma semaphore(%arg21 : memref<!tpu.dma_semaphore, #tpu.memory_space<semaphore_mem>>) src(%arg14 : memref<128xf32, #tpu.memory_space<vmem>>) dst(%dma_wait3A_721 : memref<10240xf32, #tpu.memory_space<vmem_shared>>)
      %dma_wait3A_722 = arith.constant 0 : i32
      %dma_wait3A_723 = arith.constant 0 : i32
      %dma_wait3A_724 = tpu.memref_slice %arg8[%dma_wait3A_722, %dma_wait3A_723] : memref<8x128xi32, #tpu.memory_space<vmem>> -> memref<1x128xi32, #tpu.memory_space<vmem>>
      %dma_wait3A_725 = tpu.memref_squeeze %dma_wait3A_724 : memref<1x128xi32, #tpu.memory_space<vmem>> -> memref<128xi32, #tpu.memory_space<vmem>>
      %dma_wait3A_726 = arith.constant 0 : i32
      %dma_wait3A_727 = tpu.memref_slice %arg16[%dma_wait3A_726] : memref<10240xf32, #tpu.memory_space<vmem_shared>> -> memref<10240xf32, #tpu.memory_space<vmem_shared>>
      tpu.wait_indirect_dma semaphore(%arg21 : memref<!tpu.dma_semaphore, #tpu.memory_space<semaphore_mem>>) src(%arg14 : memref<128xf32, #tpu.memory_space<vmem>>) dst(%dma_wait3A_727 : memref<10240xf32, #tpu.memory_space<vmem_shared>>)
      %dma_wait3A_728 = arith.constant 0 : i32
      %dma_wait3A_729 = arith.constant 0 : i32
      %dma_wait3A_730 = tpu.memref_slice %arg8[%dma_wait3A_728, %dma_wait3A_729] : memref<8x128xi32, #tpu.memory_space<vmem>> -> memref<1x128xi32, #tpu.memory_space<vmem>>
      %dma_wait3A_731 = tpu.memref_squeeze %dma_wait3A_730 : memref<1x128xi32, #tpu.memory_space<vmem>> -> memref<128xi32, #tpu.memory_space<vmem>>
      %dma_wait3A_732 = arith.constant 0 : i32
      %dma_wait3A_733 = tpu.memref_slice %arg16[%dma_wait3A_732] : memref<10240xf32, #tpu.memory_space<vmem_shared>> -> memref<10240xf32, #tpu.memory_space<vmem_shared>>
      tpu.wait_indirect_dma semaphore(%arg21 : memref<!tpu.dma_semaphore, #tpu.memory_space<semaphore_mem>>) src(%arg14 : memref<128xf32, #tpu.memory_space<vmem>>) dst(%dma_wait3A_733 : memref<10240xf32, #tpu.memory_space<vmem_shared>>)
      %dma_wait3A_734 = arith.constant 0 : i32
      %dma_wait3A_735 = arith.constant 0 : i32
      %dma_wait3A_736 = tpu.memref_slice %arg8[%dma_wait3A_734, %dma_wait3A_735] : memref<8x128xi32, #tpu.memory_space<vmem>> -> memref<1x128xi32, #tpu.memory_space<vmem>>
      %dma_wait3A_737 = tpu.memref_squeeze %dma_wait3A_736 : memref<1x128xi32, #tpu.memory_space<vmem>> -> memref<128xi32, #tpu.memory_space<vmem>>
      %dma_wait3A_738 = arith.constant 0 : i32
      %dma_wait3A_739 = tpu.memref_slice %arg16[%dma_wait3A_738] : memref<10240xf32, #tpu.memory_space<vmem_shared>> -> memref<10240xf32, #tpu.memory_space<vmem_shared>>
      tpu.wait_indirect_dma semaphore(%arg21 : memref<!tpu.dma_semaphore, #tpu.memory_space<semaphore_mem>>) src(%arg14 : memref<128xf32, #tpu.memory_space<vmem>>) dst(%dma_wait3A_739 : memref<10240xf32, #tpu.memory_space<vmem_shared>>)
      %dma_wait3A_740 = arith.constant 0 : i32
      %dma_wait3A_741 = arith.constant 0 : i32
      %dma_wait3A_742 = tpu.memref_slice %arg8[%dma_wait3A_740, %dma_wait3A_741] : memref<8x128xi32, #tpu.memory_space<vmem>> -> memref<1x128xi32, #tpu.memory_space<vmem>>
      %dma_wait3A_743 = tpu.memref_squeeze %dma_wait3A_742 : memref<1x128xi32, #tpu.memory_space<vmem>> -> memref<128xi32, #tpu.memory_space<vmem>>
      %dma_wait3A_744 = arith.constant 0 : i32
      %dma_wait3A_745 = tpu.memref_slice %arg16[%dma_wait3A_744] : memref<10240xf32, #tpu.memory_space<vmem_shared>> -> memref<10240xf32, #tpu.memory_space<vmem_shared>>
      tpu.wait_indirect_dma semaphore(%arg21 : memref<!tpu.dma_semaphore, #tpu.memory_space<semaphore_mem>>) src(%arg14 : memref<128xf32, #tpu.memory_space<vmem>>) dst(%dma_wait3A_745 : memref<10240xf32, #tpu.memory_space<vmem_shared>>)
      %dma_wait3A_746 = arith.constant 0 : i32
      %dma_wait3A_747 = arith.constant 0 : i32
      %dma_wait3A_748 = tpu.memref_slice %arg8[%dma_wait3A_746, %dma_wait3A_747] : memref<8x128xi32, #tpu.memory_space<vmem>> -> memref<1x128xi32, #tpu.memory_space<vmem>>
      %dma_wait3A_749 = tpu.memref_squeeze %dma_wait3A_748 : memref<1x128xi32, #tpu.memory_space<vmem>> -> memref<128xi32, #tpu.memory_space<vmem>>
      %dma_wait3A_750 = arith.constant 0 : i32
      %dma_wait3A_751 = tpu.memref_slice %arg16[%dma_wait3A_750] : memref<10240xf32, #tpu.memory_space<vmem_shared>> -> memref<10240xf32, #tpu.memory_space<vmem_shared>>
      tpu.wait_indirect_dma semaphore(%arg21 : memref<!tpu.dma_semaphore, #tpu.memory_space<semaphore_mem>>) src(%arg14 : memref<128xf32, #tpu.memory_space<vmem>>) dst(%dma_wait3A_751 : memref<10240xf32, #tpu.memory_space<vmem_shared>>)
    }
    %scan3A_67 = arith.constant 5 : i32
    %dma_wait3A = arith.constant 0 : i32
    %dma_wait3A_68 = arith.constant 0 : i32
    %dma_wait3A_69 = tpu.memref_slice %arg8[%dma_wait3A, %dma_wait3A_68] : memref<8x128xi32, #tpu.memory_space<vmem>> -> memref<1x128xi32, #tpu.memory_space<vmem>>
    %dma_wait3A_70 = tpu.memref_squeeze %dma_wait3A_69 : memref<1x128xi32, #tpu.memory_space<vmem>> -> memref<128xi32, #tpu.memory_space<vmem>>
    %dma_wait3A_71 = arith.constant 0 : i32
    %dma_wait3A_72 = arith.constant 0 : i32
    %dma_wait3A_73 = tpu.memref_slice %arg15[%dma_wait3A_71, %dma_wait3A_72] : memref<10240x128xf32, #tpu.memory_space<vmem_shared>> -> memref<10240x128xf32, #tpu.memory_space<vmem_shared>>
    tpu.wait_indirect_dma semaphore(%arg22 : memref<!tpu.dma_semaphore, #tpu.memory_space<semaphore_mem>>) src(%arg13 : memref<128x128xf32, #tpu.memory_space<vmem>>) dst(%dma_wait3A_73 : memref<10240x128xf32, #tpu.memory_space<vmem_shared>>)
    %barrier3A_74 = arith.constant 0 : index
    tpu.barrier barrier_id(%barrier3A_74)
    %add3A_75 = arith.constant 0 : i32
    %add3A_76 = arith.addi %mul3A_2, %add3A_75 : i32
    "tpu.region"() ({
      %run_scoped3A = tpu.sem_alloc : memref<!tpu.dma_semaphore, #tpu.memory_space<semaphore_mem>>
      %dma_start3A_88 = arith.constant 0 : i32
      %dma_start3A_89 = tpu.memref_slice %arg5[%arg0, %add3A_76, %dma_start3A_88] : memref<2x10240x128xf32, #tpu.memory_space<hbm>> -> memref<1x128x128xf32, #tpu.memory_space<hbm>>
      %dma_start3A_90 = tpu.memref_squeeze %dma_start3A_89 : memref<1x128x128xf32, #tpu.memory_space<hbm>> -> memref<128x128xf32, #tpu.memory_space<hbm>>
      %dma_start3A_91 = arith.constant 0 : i32
      %dma_start3A_92 = tpu.memref_slice %arg15[%add3A_76, %dma_start3A_91] : memref<10240x128xf32, #tpu.memory_space<vmem_shared>> -> memref<128x128xf32, #tpu.memory_space<vmem_shared>>
      tpu.enqueue_dma source(%dma_start3A_92 : memref<128x128xf32, #tpu.memory_space<vmem_shared>>) target(%dma_start3A_90 : memref<128x128xf32, #tpu.memory_space<hbm>>) target_semaphore(%run_scoped3A : memref<!tpu.dma_semaphore, #tpu.memory_space<semaphore_mem>>)
      %dma_wait3A_93 = arith.constant 0 : i32
      %dma_wait3A_94 = tpu.memref_slice %arg5[%arg0, %add3A_76, %dma_wait3A_93] : memref<2x10240x128xf32, #tpu.memory_space<hbm>> -> memref<1x128x128xf32, #tpu.memory_space<hbm>>
      %dma_wait3A_95 = tpu.memref_squeeze %dma_wait3A_94 : memref<1x128x128xf32, #tpu.memory_space<hbm>> -> memref<128x128xf32, #tpu.memory_space<hbm>>
      %dma_wait3A_96 = arith.constant 0 : i32
      %dma_wait3A_97 = tpu.memref_slice %arg15[%add3A_76, %dma_wait3A_96] : memref<10240x128xf32, #tpu.memory_space<vmem_shared>> -> memref<128x128xf32, #tpu.memory_space<vmem_shared>>
      tpu.wait_dma2 semaphore(%run_scoped3A : memref<!tpu.dma_semaphore, #tpu.memory_space<semaphore_mem>>) src(%dma_wait3A_97 : memref<128x128xf32, #tpu.memory_space<vmem_shared>>) dst(%dma_wait3A_95 : memref<128x128xf32, #tpu.memory_space<hbm>>)
      tpu.yield
    }) : () -> ()
    %add3A_77 = arith.constant 128 : i32
    %add3A_78 = arith.addi %mul3A_2, %add3A_77 : i32
    "tpu.region"() ({
      %run_scoped3A = tpu.sem_alloc : memref<!tpu.dma_semaphore, #tpu.memory_space<semaphore_mem>>
      %dma_start3A_88 = arith.constant 0 : i32
      %dma_start3A_89 = tpu.memref_slice %arg5[%arg0, %add3A_78, %dma_start3A_88] : memref<2x10240x128xf32, #tpu.memory_space<hbm>> -> memref<1x128x128xf32, #tpu.memory_space<hbm>>
      %dma_start3A_90 = tpu.memref_squeeze %dma_start3A_89 : memref<1x128x128xf32, #tpu.memory_space<hbm>> -> memref<128x128xf32, #tpu.memory_space<hbm>>
      %dma_start3A_91 = arith.constant 0 : i32
      %dma_start3A_92 = tpu.memref_slice %arg15[%add3A_78, %dma_start3A_91] : memref<10240x128xf32, #tpu.memory_space<vmem_shared>> -> memref<128x128xf32, #tpu.memory_space<vmem_shared>>
      tpu.enqueue_dma source(%dma_start3A_92 : memref<128x128xf32, #tpu.memory_space<vmem_shared>>) target(%dma_start3A_90 : memref<128x128xf32, #tpu.memory_space<hbm>>) target_semaphore(%run_scoped3A : memref<!tpu.dma_semaphore, #tpu.memory_space<semaphore_mem>>)
      %dma_wait3A_93 = arith.constant 0 : i32
      %dma_wait3A_94 = tpu.memref_slice %arg5[%arg0, %add3A_78, %dma_wait3A_93] : memref<2x10240x128xf32, #tpu.memory_space<hbm>> -> memref<1x128x128xf32, #tpu.memory_space<hbm>>
      %dma_wait3A_95 = tpu.memref_squeeze %dma_wait3A_94 : memref<1x128x128xf32, #tpu.memory_space<hbm>> -> memref<128x128xf32, #tpu.memory_space<hbm>>
      %dma_wait3A_96 = arith.constant 0 : i32
      %dma_wait3A_97 = tpu.memref_slice %arg15[%add3A_78, %dma_wait3A_96] : memref<10240x128xf32, #tpu.memory_space<vmem_shared>> -> memref<128x128xf32, #tpu.memory_space<vmem_shared>>
      tpu.wait_dma2 semaphore(%run_scoped3A : memref<!tpu.dma_semaphore, #tpu.memory_space<semaphore_mem>>) src(%dma_wait3A_97 : memref<128x128xf32, #tpu.memory_space<vmem_shared>>) dst(%dma_wait3A_95 : memref<128x128xf32, #tpu.memory_space<hbm>>)
      tpu.yield
    }) : () -> ()
    %add3A_79 = arith.constant 256 : i32
    %add3A_80 = arith.addi %mul3A_2, %add3A_79 : i32
    "tpu.region"() ({
      %run_scoped3A = tpu.sem_alloc : memref<!tpu.dma_semaphore, #tpu.memory_space<semaphore_mem>>
      %dma_start3A_88 = arith.constant 0 : i32
      %dma_start3A_89 = tpu.memref_slice %arg5[%arg0, %add3A_80, %dma_start3A_88] : memref<2x10240x128xf32, #tpu.memory_space<hbm>> -> memref<1x128x128xf32, #tpu.memory_space<hbm>>
      %dma_start3A_90 = tpu.memref_squeeze %dma_start3A_89 : memref<1x128x128xf32, #tpu.memory_space<hbm>> -> memref<128x128xf32, #tpu.memory_space<hbm>>
      %dma_start3A_91 = arith.constant 0 : i32
      %dma_start3A_92 = tpu.memref_slice %arg15[%add3A_80, %dma_start3A_91] : memref<10240x128xf32, #tpu.memory_space<vmem_shared>> -> memref<128x128xf32, #tpu.memory_space<vmem_shared>>
      tpu.enqueue_dma source(%dma_start3A_92 : memref<128x128xf32, #tpu.memory_space<vmem_shared>>) target(%dma_start3A_90 : memref<128x128xf32, #tpu.memory_space<hbm>>) target_semaphore(%run_scoped3A : memref<!tpu.dma_semaphore, #tpu.memory_space<semaphore_mem>>)
      %dma_wait3A_93 = arith.constant 0 : i32
      %dma_wait3A_94 = tpu.memref_slice %arg5[%arg0, %add3A_80, %dma_wait3A_93] : memref<2x10240x128xf32, #tpu.memory_space<hbm>> -> memref<1x128x128xf32, #tpu.memory_space<hbm>>
      %dma_wait3A_95 = tpu.memref_squeeze %dma_wait3A_94 : memref<1x128x128xf32, #tpu.memory_space<hbm>> -> memref<128x128xf32, #tpu.memory_space<hbm>>
      %dma_wait3A_96 = arith.constant 0 : i32
      %dma_wait3A_97 = tpu.memref_slice %arg15[%add3A_80, %dma_wait3A_96] : memref<10240x128xf32, #tpu.memory_space<vmem_shared>> -> memref<128x128xf32, #tpu.memory_space<vmem_shared>>
      tpu.wait_dma2 semaphore(%run_scoped3A : memref<!tpu.dma_semaphore, #tpu.memory_space<semaphore_mem>>) src(%dma_wait3A_97 : memref<128x128xf32, #tpu.memory_space<vmem_shared>>) dst(%dma_wait3A_95 : memref<128x128xf32, #tpu.memory_space<hbm>>)
      tpu.yield
    }) : () -> ()
    %add3A_81 = arith.constant 384 : i32
    %add3A_82 = arith.addi %mul3A_2, %add3A_81 : i32
    "tpu.region"() ({
      %run_scoped3A = tpu.sem_alloc : memref<!tpu.dma_semaphore, #tpu.memory_space<semaphore_mem>>
      %dma_start3A_88 = arith.constant 0 : i32
      %dma_start3A_89 = tpu.memref_slice %arg5[%arg0, %add3A_82, %dma_start3A_88] : memref<2x10240x128xf32, #tpu.memory_space<hbm>> -> memref<1x128x128xf32, #tpu.memory_space<hbm>>
      %dma_start3A_90 = tpu.memref_squeeze %dma_start3A_89 : memref<1x128x128xf32, #tpu.memory_space<hbm>> -> memref<128x128xf32, #tpu.memory_space<hbm>>
      %dma_start3A_91 = arith.constant 0 : i32
      %dma_start3A_92 = tpu.memref_slice %arg15[%add3A_82, %dma_start3A_91] : memref<10240x128xf32, #tpu.memory_space<vmem_shared>> -> memref<128x128xf32, #tpu.memory_space<vmem_shared>>
      tpu.enqueue_dma source(%dma_start3A_92 : memref<128x128xf32, #tpu.memory_space<vmem_shared>>) target(%dma_start3A_90 : memref<128x128xf32, #tpu.memory_space<hbm>>) target_semaphore(%run_scoped3A : memref<!tpu.dma_semaphore, #tpu.memory_space<semaphore_mem>>)
      %dma_wait3A_93 = arith.constant 0 : i32
      %dma_wait3A_94 = tpu.memref_slice %arg5[%arg0, %add3A_82, %dma_wait3A_93] : memref<2x10240x128xf32, #tpu.memory_space<hbm>> -> memref<1x128x128xf32, #tpu.memory_space<hbm>>
      %dma_wait3A_95 = tpu.memref_squeeze %dma_wait3A_94 : memref<1x128x128xf32, #tpu.memory_space<hbm>> -> memref<128x128xf32, #tpu.memory_space<hbm>>
      %dma_wait3A_96 = arith.constant 0 : i32
      %dma_wait3A_97 = tpu.memref_slice %arg15[%add3A_82, %dma_wait3A_96] : memref<10240x128xf32, #tpu.memory_space<vmem_shared>> -> memref<128x128xf32, #tpu.memory_space<vmem_shared>>
      tpu.wait_dma2 semaphore(%run_scoped3A : memref<!tpu.dma_semaphore, #tpu.memory_space<semaphore_mem>>) src(%dma_wait3A_97 : memref<128x128xf32, #tpu.memory_space<vmem_shared>>) dst(%dma_wait3A_95 : memref<128x128xf32, #tpu.memory_space<hbm>>)
      tpu.yield
    }) : () -> ()
    %add3A_83 = arith.constant 512 : i32
    %add3A_84 = arith.addi %mul3A_2, %add3A_83 : i32
    "tpu.region"() ({
      %run_scoped3A = tpu.sem_alloc : memref<!tpu.dma_semaphore, #tpu.memory_space<semaphore_mem>>
      %dma_start3A_88 = arith.constant 0 : i32
      %dma_start3A_89 = tpu.memref_slice %arg5[%arg0, %add3A_84, %dma_start3A_88] : memref<2x10240x128xf32, #tpu.memory_space<hbm>> -> memref<1x128x128xf32, #tpu.memory_space<hbm>>
      %dma_start3A_90 = tpu.memref_squeeze %dma_start3A_89 : memref<1x128x128xf32, #tpu.memory_space<hbm>> -> memref<128x128xf32, #tpu.memory_space<hbm>>
      %dma_start3A_91 = arith.constant 0 : i32
      %dma_start3A_92 = tpu.memref_slice %arg15[%add3A_84, %dma_start3A_91] : memref<10240x128xf32, #tpu.memory_space<vmem_shared>> -> memref<128x128xf32, #tpu.memory_space<vmem_shared>>
      tpu.enqueue_dma source(%dma_start3A_92 : memref<128x128xf32, #tpu.memory_space<vmem_shared>>) target(%dma_start3A_90 : memref<128x128xf32, #tpu.memory_space<hbm>>) target_semaphore(%run_scoped3A : memref<!tpu.dma_semaphore, #tpu.memory_space<semaphore_mem>>)
      %dma_wait3A_93 = arith.constant 0 : i32
      %dma_wait3A_94 = tpu.memref_slice %arg5[%arg0, %add3A_84, %dma_wait3A_93] : memref<2x10240x128xf32, #tpu.memory_space<hbm>> -> memref<1x128x128xf32, #tpu.memory_space<hbm>>
      %dma_wait3A_95 = tpu.memref_squeeze %dma_wait3A_94 : memref<1x128x128xf32, #tpu.memory_space<hbm>> -> memref<128x128xf32, #tpu.memory_space<hbm>>
      %dma_wait3A_96 = arith.constant 0 : i32
      %dma_wait3A_97 = tpu.memref_slice %arg15[%add3A_84, %dma_wait3A_96] : memref<10240x128xf32, #tpu.memory_space<vmem_shared>> -> memref<128x128xf32, #tpu.memory_space<vmem_shared>>
      tpu.wait_dma2 semaphore(%run_scoped3A : memref<!tpu.dma_semaphore, #tpu.memory_space<semaphore_mem>>) src(%dma_wait3A_97 : memref<128x128xf32, #tpu.memory_space<vmem_shared>>) dst(%dma_wait3A_95 : memref<128x128xf32, #tpu.memory_space<hbm>>)
      tpu.yield
    }) : () -> ()
    %mul3A_85 = arith.constant 10240 : i32
    %mul3A_86 = arith.muli %arg0, %mul3A_85 : i32
    %add3A_87 = arith.addi %mul3A_86, %mul3A_2 : i32
    "tpu.region"() ({
      %run_scoped3A = tpu.sem_alloc : memref<!tpu.dma_semaphore, #tpu.memory_space<semaphore_mem>>
      %dma_start3A_88 = tpu.memref_slice %arg6[%add3A_87] : memref<20480xf32, #tpu.memory_space<hbm>> -> memref<640xf32, #tpu.memory_space<hbm>>
      %dma_start3A_89 = tpu.memref_slice %arg16[%mul3A_2] : memref<10240xf32, #tpu.memory_space<vmem_shared>> -> memref<640xf32, #tpu.memory_space<vmem_shared>>
      tpu.enqueue_dma source(%dma_start3A_89 : memref<640xf32, #tpu.memory_space<vmem_shared>>) target(%dma_start3A_88 : memref<640xf32, #tpu.memory_space<hbm>>) target_semaphore(%run_scoped3A : memref<!tpu.dma_semaphore, #tpu.memory_space<semaphore_mem>>)
      %dma_wait3A_90 = tpu.memref_slice %arg6[%add3A_87] : memref<20480xf32, #tpu.memory_space<hbm>> -> memref<640xf32, #tpu.memory_space<hbm>>
      %dma_wait3A_91 = tpu.memref_slice %arg16[%mul3A_2] : memref<10240xf32, #tpu.memory_space<vmem_shared>> -> memref<640xf32, #tpu.memory_space<vmem_shared>>
      tpu.wait_dma2 semaphore(%run_scoped3A : memref<!tpu.dma_semaphore, #tpu.memory_space<semaphore_mem>>) src(%dma_wait3A_91 : memref<640xf32, #tpu.memory_space<vmem_shared>>) dst(%dma_wait3A_90 : memref<640xf32, #tpu.memory_space<hbm>>)
      tpu.yield
    }) : () -> ()
    return
  }
}

module attributes {stable_mosaic.version = 14 : i64} {
  func.func @body(%arg0: i32, %arg1: memref<1000x128xf32, #tpu.memory_space<vmem>>, %arg2: memref<1000x128xf32, #tpu.memory_space<vmem>>, %arg3: memref<1000x2xf32, #tpu.memory_space<vmem>>, %arg4: memref<3x128x128xf32, #tpu.memory_space<vmem>>, %arg5: memref<3x128xf32, #tpu.memory_space<vmem>>, %arg6: memref<128x1xf32, #tpu.memory_space<vmem>>, %arg7: memref<1x1xf32, #tpu.memory_space<vmem>>, %arg8: memref<128x128xf32, #tpu.memory_space<vmem>>, %arg9: memref<1x128xf32, #tpu.memory_space<vmem>>, %arg10: memref<128x2xf32, #tpu.memory_space<vmem>>, %arg11: memref<1x2xf32, #tpu.memory_space<vmem>>, %arg12: memref<1000x2xf32, #tpu.memory_space<vmem>>) attributes {dimension_semantics = [#tpu.dimension_semantics<arbitrary>], iteration_bounds = array<i64: 10>, scalar_prefetch = 0 : i64, scratch_operands = 0 : i64, tpu.core_type = #tpu.core_type<tc>, window_params = [{transform_indices = @transform_0, window_bounds = array<i64: 1000, 128>}, {transform_indices = @transform_1, window_bounds = array<i64: 1000, 128>}, {transform_indices = @transform_2, window_bounds = array<i64: 1000, 2>}, {pipeline_mode = #tpu.pipeline_mode<synchronous>, transform_indices = @transform_3, window_bounds = array<i64: 3, 128, 128>}, {pipeline_mode = #tpu.pipeline_mode<synchronous>, transform_indices = @transform_4, window_bounds = array<i64: 3, 128>}, {pipeline_mode = #tpu.pipeline_mode<synchronous>, transform_indices = @transform_5, window_bounds = array<i64: 128, 1>}, {pipeline_mode = #tpu.pipeline_mode<synchronous>, transform_indices = @transform_6, window_bounds = array<i64: 1, 1>}, {pipeline_mode = #tpu.pipeline_mode<synchronous>, transform_indices = @transform_7, window_bounds = array<i64: 128, 128>}, {pipeline_mode = #tpu.pipeline_mode<synchronous>, transform_indices = @transform_8, window_bounds = array<i64: 1, 128>}, {pipeline_mode = #tpu.pipeline_mode<synchronous>, transform_indices = @transform_9, window_bounds = array<i64: 128, 2>}, {pipeline_mode = #tpu.pipeline_mode<synchronous>, transform_indices = @transform_10, window_bounds = array<i64: 1, 2>}, {transform_indices = @transform_11, window_bounds = array<i64: 1000, 2>}]} {
    %get3A = arith.constant 0 : index
    %get3A_0 = arith.constant 0 : index
    %get3A_1 = vector.load %arg1[%get3A, %get3A_0] : memref<1000x128xf32, #tpu.memory_space<vmem>>, vector<1000x128xf32>
    %get3A_2 = arith.constant 0 : index
    %get3A_3 = arith.constant 0 : index
    %get3A_4 = vector.load %arg2[%get3A_2, %get3A_3] : memref<1000x128xf32, #tpu.memory_space<vmem>>, vector<1000x128xf32>
    %add3A = arith.addf %get3A_1, %get3A_4 : vector<1000x128xf32>
    %get3A_5 = arith.constant 0 : index
    %get3A_6 = arith.constant 0 : index
    %get3A_7 = vector.load %arg3[%get3A_5, %get3A_6] : memref<1000x2xf32, #tpu.memory_space<vmem>>, vector<1000x2xf32>
    %reduce_sum3A = arith.constant dense<0.000000e+00> : vector<1000xf32>
    %reduce_sum3A_8 = vector.multi_reduction <add>, %get3A_7, %reduce_sum3A [1] : vector<1000x2xf32> to vector<1000xf32>
    %broadcast_in_dim3A = vector.shape_cast %reduce_sum3A_8 : vector<1000xf32> to vector<1000x1xf32>
    %get3A_9 = arith.constant 0 : index
    %get3A_10 = arith.constant 0 : index
    %get3A_11 = vector.load %arg6[%get3A_9, %get3A_10] : memref<128x1xf32, #tpu.memory_space<vmem>>, vector<128x1xf32>
    %get3A_12 = arith.constant 0 : index
    %get3A_13 = arith.constant 0 : index
    %get3A_14 = vector.load %arg7[%get3A_12, %get3A_13] : memref<1x1xf32, #tpu.memory_space<vmem>>, vector<1x1xf32>
    %get3A_15 = vector.extract %get3A_14[0, 0] : f32 from vector<1x1xf32>
    %get3A_16 = arith.constant 0 : index
    %get3A_17 = arith.constant 0 : index
    %get3A_18 = arith.constant 0 : index
    %get3A_19 = vector.load %arg4[%get3A_16, %get3A_17, %get3A_18] : memref<3x128x128xf32, #tpu.memory_space<vmem>>, vector<1x128x128xf32>
    %get3A_20 = vector.shape_cast %get3A_19 : vector<1x128x128xf32> to vector<128x128xf32>
    %dot_general3A = arith.constant dense<0.000000e+00> : vector<1000x128xf32>
    %dot_general3A_21 = tpu.matmul %add3A, %get3A_20, %dot_general3A {dimension_numbers = #tpu.dot_dimension_numbers<[1], [0], [0], [1], [0, 0, 1, 1], [], []>, transpose_lhs_hint = false} : vector<1000x128xf32>, vector<128x128xf32>, vector<1000x128xf32> -> vector<1000x128xf32>
    %get3A_22 = arith.constant 0 : index
    %get3A_23 = arith.constant 0 : index
    %get3A_24 = vector.load %arg5[%get3A_22, %get3A_23] : memref<3x128xf32, #tpu.memory_space<vmem>>, vector<1x128xf32>
    %get3A_25 = vector.shape_cast %get3A_24 : vector<1x128xf32> to vector<128xf32>
    %broadcast_in_dim3A_26 = vector.shape_cast %get3A_25 : vector<128xf32> to vector<1x128xf32>
    %mul3A = vector.broadcast %broadcast_in_dim3A : vector<1000x1xf32> to vector<1000x128xf32>
    %mul3A_27 = vector.broadcast %broadcast_in_dim3A_26 : vector<1x128xf32> to vector<1000x128xf32>
    %mul3A_28 = arith.mulf %mul3A, %mul3A_27 : vector<1000x128xf32>
    %add3A_29 = arith.addf %dot_general3A_21, %mul3A_28 : vector<1000x128xf32>
    %max3A = arith.constant 0.000000e+00 : f32
    %max3A_30 = vector.broadcast %max3A : f32 to vector<1000x128xf32>
    %max3A_31 = arith.maximumf %add3A_29, %max3A_30 : vector<1000x128xf32>
    %dot_general3A_32 = arith.constant dense<0.000000e+00> : vector<1000x1xf32>
    %dot_general3A_33 = tpu.matmul %max3A_31, %get3A_11, %dot_general3A_32 {dimension_numbers = #tpu.dot_dimension_numbers<[1], [0], [0], [1], [0, 0, 1, 1], [], []>, transpose_lhs_hint = false} : vector<1000x128xf32>, vector<128x1xf32>, vector<1000x1xf32> -> vector<1000x1xf32>
    %add3A_34 = vector.broadcast %get3A_15 : f32 to vector<1000x1xf32>
    %add3A_35 = arith.addf %dot_general3A_33, %add3A_34 : vector<1000x1xf32>
    %tanh3A = math.tanh %add3A_35 : vector<1000x1xf32>
    %get3A_36 = arith.constant 1 : index
    %get3A_37 = arith.constant 0 : index
    %get3A_38 = arith.constant 0 : index
    %get3A_39 = vector.load %arg4[%get3A_36, %get3A_37, %get3A_38] : memref<3x128x128xf32, #tpu.memory_space<vmem>>, vector<1x128x128xf32>
    %get3A_40 = vector.shape_cast %get3A_39 : vector<1x128x128xf32> to vector<128x128xf32>
    %dot_general3A_41 = arith.constant dense<0.000000e+00> : vector<1000x128xf32>
    %dot_general3A_42 = tpu.matmul %add3A, %get3A_40, %dot_general3A_41 {dimension_numbers = #tpu.dot_dimension_numbers<[1], [0], [0], [1], [0, 0, 1, 1], [], []>, transpose_lhs_hint = false} : vector<1000x128xf32>, vector<128x128xf32>, vector<1000x128xf32> -> vector<1000x128xf32>
    %get3A_43 = arith.constant 1 : index
    %get3A_44 = arith.constant 0 : index
    %get3A_45 = vector.load %arg5[%get3A_43, %get3A_44] : memref<3x128xf32, #tpu.memory_space<vmem>>, vector<1x128xf32>
    %get3A_46 = vector.shape_cast %get3A_45 : vector<1x128xf32> to vector<128xf32>
    %broadcast_in_dim3A_47 = vector.shape_cast %get3A_46 : vector<128xf32> to vector<1x128xf32>
    %mul3A_48 = vector.broadcast %broadcast_in_dim3A : vector<1000x1xf32> to vector<1000x128xf32>
    %mul3A_49 = vector.broadcast %broadcast_in_dim3A_47 : vector<1x128xf32> to vector<1000x128xf32>
    %mul3A_50 = arith.mulf %mul3A_48, %mul3A_49 : vector<1000x128xf32>
    %add3A_51 = arith.addf %dot_general3A_42, %mul3A_50 : vector<1000x128xf32>
    %max3A_52 = arith.constant 0.000000e+00 : f32
    %max3A_53 = vector.broadcast %max3A_52 : f32 to vector<1000x128xf32>
    %max3A_54 = arith.maximumf %add3A_51, %max3A_53 : vector<1000x128xf32>
    %dot_general3A_55 = arith.constant dense<0.000000e+00> : vector<1000x1xf32>
    %dot_general3A_56 = tpu.matmul %max3A_54, %get3A_11, %dot_general3A_55 {dimension_numbers = #tpu.dot_dimension_numbers<[1], [0], [0], [1], [0, 0, 1, 1], [], []>, transpose_lhs_hint = false} : vector<1000x128xf32>, vector<128x1xf32>, vector<1000x1xf32> -> vector<1000x1xf32>
    %add3A_57 = vector.broadcast %get3A_15 : f32 to vector<1000x1xf32>
    %add3A_58 = arith.addf %dot_general3A_56, %add3A_57 : vector<1000x1xf32>
    %tanh3A_59 = math.tanh %add3A_58 : vector<1000x1xf32>
    %get3A_60 = arith.constant 2 : index
    %get3A_61 = arith.constant 0 : index
    %get3A_62 = arith.constant 0 : index
    %get3A_63 = vector.load %arg4[%get3A_60, %get3A_61, %get3A_62] : memref<3x128x128xf32, #tpu.memory_space<vmem>>, vector<1x128x128xf32>
    %get3A_64 = vector.shape_cast %get3A_63 : vector<1x128x128xf32> to vector<128x128xf32>
    %dot_general3A_65 = arith.constant dense<0.000000e+00> : vector<1000x128xf32>
    %dot_general3A_66 = tpu.matmul %add3A, %get3A_64, %dot_general3A_65 {dimension_numbers = #tpu.dot_dimension_numbers<[1], [0], [0], [1], [0, 0, 1, 1], [], []>, transpose_lhs_hint = false} : vector<1000x128xf32>, vector<128x128xf32>, vector<1000x128xf32> -> vector<1000x128xf32>
    %get3A_67 = arith.constant 2 : index
    %get3A_68 = arith.constant 0 : index
    %get3A_69 = vector.load %arg5[%get3A_67, %get3A_68] : memref<3x128xf32, #tpu.memory_space<vmem>>, vector<1x128xf32>
    %get3A_70 = vector.shape_cast %get3A_69 : vector<1x128xf32> to vector<128xf32>
    %broadcast_in_dim3A_71 = vector.shape_cast %get3A_70 : vector<128xf32> to vector<1x128xf32>
    %mul3A_72 = vector.broadcast %broadcast_in_dim3A : vector<1000x1xf32> to vector<1000x128xf32>
    %mul3A_73 = vector.broadcast %broadcast_in_dim3A_71 : vector<1x128xf32> to vector<1000x128xf32>
    %mul3A_74 = arith.mulf %mul3A_72, %mul3A_73 : vector<1000x128xf32>
    %add3A_75 = arith.addf %dot_general3A_66, %mul3A_74 : vector<1000x128xf32>
    %max3A_76 = arith.constant 0.000000e+00 : f32
    %max3A_77 = vector.broadcast %max3A_76 : f32 to vector<1000x128xf32>
    %max3A_78 = arith.maximumf %add3A_75, %max3A_77 : vector<1000x128xf32>
    %dot_general3A_79 = arith.constant dense<0.000000e+00> : vector<1000x1xf32>
    %dot_general3A_80 = tpu.matmul %max3A_78, %get3A_11, %dot_general3A_79 {dimension_numbers = #tpu.dot_dimension_numbers<[1], [0], [0], [1], [0, 0, 1, 1], [], []>, transpose_lhs_hint = false} : vector<1000x128xf32>, vector<128x1xf32>, vector<1000x1xf32> -> vector<1000x1xf32>
    %add3A_81 = vector.broadcast %get3A_15 : f32 to vector<1000x1xf32>
    %add3A_82 = arith.addf %dot_general3A_80, %add3A_81 : vector<1000x1xf32>
    %tanh3A_83 = math.tanh %add3A_82 : vector<1000x1xf32>
    %max3A_84 = arith.maximumf %tanh3A, %tanh3A_59 : vector<1000x1xf32>
    %max3A_85 = arith.maximumf %max3A_84, %tanh3A_83 : vector<1000x1xf32>
    %sub3A = arith.subf %tanh3A, %max3A_85 : vector<1000x1xf32>
    %exp3A = math.exp %sub3A : vector<1000x1xf32>
    %sub3A_86 = arith.subf %tanh3A_59, %max3A_85 : vector<1000x1xf32>
    %exp3A_87 = math.exp %sub3A_86 : vector<1000x1xf32>
    %sub3A_88 = arith.subf %tanh3A_83, %max3A_85 : vector<1000x1xf32>
    %exp3A_89 = math.exp %sub3A_88 : vector<1000x1xf32>
    %add3A_90 = arith.addf %exp3A, %exp3A_87 : vector<1000x1xf32>
    %add3A_91 = arith.addf %add3A_90, %exp3A_89 : vector<1000x1xf32>
    %mul3A_92 = vector.broadcast %exp3A : vector<1000x1xf32> to vector<1000x128xf32>
    %mul3A_93 = arith.mulf %mul3A_92, %max3A_31 : vector<1000x128xf32>
    %mul3A_94 = vector.broadcast %exp3A_87 : vector<1000x1xf32> to vector<1000x128xf32>
    %mul3A_95 = arith.mulf %mul3A_94, %max3A_54 : vector<1000x128xf32>
    %add3A_96 = arith.addf %mul3A_93, %mul3A_95 : vector<1000x128xf32>
    %mul3A_97 = vector.broadcast %exp3A_89 : vector<1000x1xf32> to vector<1000x128xf32>
    %mul3A_98 = arith.mulf %mul3A_97, %max3A_78 : vector<1000x128xf32>
    %add3A_99 = arith.addf %add3A_96, %mul3A_98 : vector<1000x128xf32>
    %div3A = vector.broadcast %add3A_91 : vector<1000x1xf32> to vector<1000x128xf32>
    %div3A_100 = arith.divf %add3A_99, %div3A : vector<1000x128xf32>
    %get3A_101 = arith.constant 0 : index
    %get3A_102 = arith.constant 0 : index
    %get3A_103 = vector.load %arg8[%get3A_101, %get3A_102] : memref<128x128xf32, #tpu.memory_space<vmem>>, vector<128x128xf32>
    %dot_general3A_104 = arith.constant dense<0.000000e+00> : vector<1000x128xf32>
    %dot_general3A_105 = tpu.matmul %div3A_100, %get3A_103, %dot_general3A_104 {dimension_numbers = #tpu.dot_dimension_numbers<[1], [0], [0], [1], [0, 0, 1, 1], [], []>, transpose_lhs_hint = false} : vector<1000x128xf32>, vector<128x128xf32>, vector<1000x128xf32> -> vector<1000x128xf32>
    %get3A_106 = arith.constant 0 : index
    %get3A_107 = arith.constant 0 : index
    %get3A_108 = vector.load %arg9[%get3A_106, %get3A_107] : memref<1x128xf32, #tpu.memory_space<vmem>>, vector<1x128xf32>
    %add3A_109 = vector.broadcast %get3A_108 : vector<1x128xf32> to vector<1000x128xf32>
    %add3A_110 = arith.addf %dot_general3A_105, %add3A_109 : vector<1000x128xf32>
    %max3A_111 = arith.constant 0.000000e+00 : f32
    %max3A_112 = vector.broadcast %max3A_111 : f32 to vector<1000x128xf32>
    %max3A_113 = arith.maximumf %add3A_110, %max3A_112 : vector<1000x128xf32>
    %get3A_114 = arith.constant 0 : index
    %get3A_115 = arith.constant 0 : index
    %get3A_116 = vector.load %arg10[%get3A_114, %get3A_115] : memref<128x2xf32, #tpu.memory_space<vmem>>, vector<128x2xf32>
    %dot_general3A_117 = arith.constant dense<0.000000e+00> : vector<1000x2xf32>
    %dot_general3A_118 = tpu.matmul %max3A_113, %get3A_116, %dot_general3A_117 {dimension_numbers = #tpu.dot_dimension_numbers<[1], [0], [0], [1], [0, 0, 1, 1], [], []>, transpose_lhs_hint = false} : vector<1000x128xf32>, vector<128x2xf32>, vector<1000x2xf32> -> vector<1000x2xf32>
    %get3A_119 = arith.constant 0 : index
    %get3A_120 = arith.constant 0 : index
    %get3A_121 = vector.load %arg11[%get3A_119, %get3A_120] : memref<1x2xf32, #tpu.memory_space<vmem>>, vector<1x2xf32>
    %add3A_122 = vector.broadcast %get3A_121 : vector<1x2xf32> to vector<1000x2xf32>
    %add3A_123 = arith.addf %dot_general3A_118, %add3A_122 : vector<1000x2xf32>
    %swap3A = arith.constant 0 : index
    %swap3A_124 = arith.constant 0 : index
    %swap3A_125 = vector.load %arg12[%swap3A, %swap3A_124] : memref<1000x2xf32, #tpu.memory_space<vmem>>, vector<1000x2xf32>
    tpu.vector_store %arg12[%swap3A, %swap3A_124], %add3A_123 {strides = array<i32>} : memref<1000x2xf32, #tpu.memory_space<vmem>>, vector<1000x2xf32>,
    return
  }
  func.func @transform_0(%arg0: i32) -> (i32, i32) {
    %c0_i32 = arith.constant 0 : i32
    %c0_i32_0 = arith.constant 0 : i32
    return %arg0, %c0_i32 : i32, i32
  }
  func.func @transform_1(%arg0: i32) -> (i32, i32) {
    %c0_i32 = arith.constant 0 : i32
    %c0_i32_0 = arith.constant 0 : i32
    return %arg0, %c0_i32 : i32, i32
  }
  func.func @transform_2(%arg0: i32) -> (i32, i32) {
    %c0_i32 = arith.constant 0 : i32
    %c0_i32_0 = arith.constant 0 : i32
    return %arg0, %c0_i32 : i32, i32
  }
  func.func @transform_3(%arg0: i32) -> (i32, i32, i32) {
    %c0_i32 = arith.constant 0 : i32
    %c0_i32_0 = arith.constant 0 : i32
    %c0_i32_1 = arith.constant 0 : i32
    %c0_i32_2 = arith.constant 0 : i32
    return %c0_i32, %c0_i32_0, %c0_i32_1 : i32, i32, i32
  }
  func.func @transform_4(%arg0: i32) -> (i32, i32) {
    %c0_i32 = arith.constant 0 : i32
    %c0_i32_0 = arith.constant 0 : i32
    %c0_i32_1 = arith.constant 0 : i32
    return %c0_i32, %c0_i32_0 : i32, i32
  }
  func.func @transform_5(%arg0: i32) -> (i32, i32) {
    %c0_i32 = arith.constant 0 : i32
    %c0_i32_0 = arith.constant 0 : i32
    %c0_i32_1 = arith.constant 0 : i32
    return %c0_i32, %c0_i32_0 : i32, i32
  }
  func.func @transform_6(%arg0: i32) -> (i32, i32) {
    %c0_i32 = arith.constant 0 : i32
    %c0_i32_0 = arith.constant 0 : i32
    %c0_i32_1 = arith.constant 0 : i32
    return %c0_i32, %c0_i32_0 : i32, i32
  }
  func.func @transform_7(%arg0: i32) -> (i32, i32) {
    %c0_i32 = arith.constant 0 : i32
    %c0_i32_0 = arith.constant 0 : i32
    %c0_i32_1 = arith.constant 0 : i32
    return %c0_i32, %c0_i32_0 : i32, i32
  }
  func.func @transform_8(%arg0: i32) -> (i32, i32) {
    %c0_i32 = arith.constant 0 : i32
    %c0_i32_0 = arith.constant 0 : i32
    %c0_i32_1 = arith.constant 0 : i32
    return %c0_i32, %c0_i32_0 : i32, i32
  }
  func.func @transform_9(%arg0: i32) -> (i32, i32) {
    %c0_i32 = arith.constant 0 : i32
    %c0_i32_0 = arith.constant 0 : i32
    %c0_i32_1 = arith.constant 0 : i32
    return %c0_i32, %c0_i32_0 : i32, i32
  }
  func.func @transform_10(%arg0: i32) -> (i32, i32) {
    %c0_i32 = arith.constant 0 : i32
    %c0_i32_0 = arith.constant 0 : i32
    %c0_i32_1 = arith.constant 0 : i32
    return %c0_i32, %c0_i32_0 : i32, i32
  }
  func.func @transform_11(%arg0: i32) -> (i32, i32) {
    %c0_i32 = arith.constant 0 : i32
    %c0_i32_0 = arith.constant 0 : i32
    return %arg0, %c0_i32 : i32, i32
  }
}

</mosaic_0001>

<sc_bundles>
// kernel: kernel.4.cloned.1.call-start
scs
__scs_entry_jumppad:
0x0: {  	(pc) =	sbr.rel $0x88, $3  }
0x1: {  	(tag) =	ssettag $0x0;
	lr =	simm.s32 $0x1  }
0x2: {  	[smem:$0x3F97] =	sst lr;
	_ =	strace $0xD0000000  }
0x3: {  	_ = 	snop  }
0x4: {  	_ = 	snop  }
0x5: {  	_ = 	snop  }
0x6: {  	_ = 	snop  }
0x7: {  	_ = 	snop  }
__scs_overlays_trampoline_lowered:
0x8: {  	[smem:$0x3FA6] =	sst s0  }
0x9: {  	[smem:$0x3FA7] =	sst s1  }
0xa: {  	[smem:$0x3FA8] =	sst s2  }
0xb: {  	[smem:$0x3FA9] =	sst s3  }
0xc: {  	[smem:$0x3FAA] =	sst s4  }
0xd: {  	[smem:$0x3FAB] =	sst s5  }
0xe: {  	[smem:$0x3FAC] =	sst s6  }
0xf: {  	[smem:$0x3FAD] =	sst s7  }
0x10: {  	[smem:$0x3FAE] =	sst s8  }
0x11: {  	[smem:$0x3FAF] =	sst s9;
	s0 =	simm.s32 @!p0 $0x0  }
0x12: {  	s1 =	sld [smem:$0x3F95];
	s0 =	simm.s32 @p0 $0x1  }
0x13: {  	[smem:$0x3FB0] =	sst s0;
	s0 =	simm.s32 @!p1 $0x0  }
0x14: {  	s2 =	sld [smem:$0x3F94];
	s0 =	simm.s32 @p1 $0x1  }
0x15: {  	[smem:$0x3FB1] =	sst s0;
	s0 =	simm.s32 @!p2 $0x0  }
0x16: {  	s3 =	sld [smem:$0x3FDB];
	s0 =	simm.s32 @p2 $0x1  }
0x17: {  	s4 =	simm.s32 $0x1BF5;
	[smem:$0x3FB3] =	sst s0  }
0x18: {  	s0 =	sld [smem:$0x3F96];
	_ =	swait.ge [sflag:s4], $0x0  }
0x19: {  	s7 =	sld [smem:$0x3F97]  }
0x1a: {  	s8 =	sadd.s32 $0xFFFFE003, lr  }
0x1b: {  	s9 =	sadd.s32 $0xFFFFFEF7, lr;
	s5 =	simm.s32 $0xFFFFFFFF;
	p2 =	slt.u32 s8, $0xFFFFF086  }
0x1c: {  	p1 =	slt.u32 s9, $0xF7A;
	s5 =	simm.s32 @!p2 $0x0  }
0x1d: {  	s5 =	simm.s32 @p1 $0x1;
	p0 =	seq.s32 s7, s2  }
0x1e: {  	s7 =	smul.u32 @!p0 $0xF7A, s2;
	p2 =	seq.s32 @!p0 s5, $0x0  }
0x1f: {  	s9 =	smul.u32 $0xF7A, s1;
	s8 =	simm.s32 @!p0 $0x1BF5;
	p2 =	por !p2, p0  }
0x20: {  	[sflag:s8] =	ssyncset.s32 @!p0 $0xFFFFF086;
	s6 =	sadd.s32 @!p0 s3, s7;
	s7 =	simm.s32 @!p0 $0x108  }
0x21: {  	s3 =	sadd.s32 s3, s9;
	s6 =	sadd.s32 @!p0 $0x88, s6;
	s7 =	simm.s32 @p2 $0x1082  }
0x22: {  	[simem:s7], [sflag:s8] =	dma.local @!p0 [hbm:s6], $0xF7A  }
0x23: {  	s9 =	sor.u32 $0xD0000000, s2;
	s6 =	simm.s32 $0x108;
	_ =	swait.ge @!p0 [sflag:s8], $0x0  }
0x24: {  	s3 =	sadd.s32 $0x88, s3;
	s6 =	simm.s32 @!p1 $0x1082;
	[sflag:s4] =	ssyncset.s32 $0xFFFFF086  }
0x25: {  	[simem:s6], [sflag:s4] =	dma.local [hbm:s3], $0xF7A  }
0x26: {  	[smem:$0x3F97] =	sst s1;
	(tag) =	ssettag s2;
	_ =	strace s9  }
0x27: {  	s1 =	sld [smem:$0x3FA7]  }
0x28: {  	s2 =	sld [smem:$0x3FA8]  }
0x29: {  	s4 =	sld [smem:$0x3FAA]  }
0x2a: {  	p0 =	seq.s32 s5, $0x0;
	s5 =	sld [smem:$0x3FAB]  }
0x2b: {  	s6 =	sld [smem:$0x3FAC]  }
0x2c: {  	s7 =	sld [smem:$0x3FAD]  }
0x2d: {  	s3 =	simm.s32 $0x108;
	s8 =	sld [smem:$0x3FAE]  }
0x2e: {  	s3 =	simm.s32 @!p0 $0x1082;
	s9 =	sld [smem:$0x3FAF]  }
0x2f: {  	lr =	sadd.s32 s0, s3;
	s0 =	sld [smem:$0x3FA6]  }
0x30: {  	s3 =	sld [smem:$0x3FA9]  }
0x31: {  	[smem:$0x3FB2] =	sst s10  }
0x32: {  	s10 =	sld [smem:$0x3FB0];
	_ =	sdelay $0x3  }
0x33: {  	p0 =	seq.s32 s10, $0x1;
	s10 =	sld [smem:$0x3FB2];
	_ =	sdelay $0x3  }
0x34: {  	[smem:$0x3FB2] =	sst s10  }
0x35: {  	s10 =	sld [smem:$0x3FB1];
	_ =	sdelay $0x3  }
0x36: {  	p1 =	seq.s32 s10, $0x1;
	s10 =	sld [smem:$0x3FB2];
	_ =	sdelay $0x3  }
0x37: {  	[smem:$0x3FB2] =	sst s10  }
0x38: {  	s10 =	sld [smem:$0x3FB3]  }
0x39: {  	_ = 	snop;
	(pc) =	sbr.ind lr, $3  }
0x3a: {  	_ = 	snop  }
0x3b: {  	_ = 	snop  }
0x3c: {  	p2 =	seq.s32 s10, $0x1;
	s10 =	sld [smem:$0x3FB2]  }
0x3d: {  	_ =	shalt  }
0x3e: {  	_ =	shalt  }
0x3f: {  	_ =	shalt  }
0x40: {  	_ =	shalt  }
0x41: {  	_ =	shalt  }
0x42: {  	_ =	shalt  }
0x43: {  	_ =	shalt  }
0x44: {  	_ =	shalt  }
0x45: {  	_ =	shalt  }
0x46: {  	_ =	shalt  }
0x47: {  	_ =	shalt  }
0x48: {  	_ =	shalt  }
0x49: {  	_ =	shalt  }
0x4a: {  	_ =	shalt  }
0x4b: {  	_ =	shalt  }
0x4c: {  	_ =	shalt  }
0x4d: {  	_ =	shalt  }
0x4e: {  	_ =	shalt  }
0x4f: {  	_ =	shalt  }
0x50: {  	_ =	shalt  }
0x51: {  	_ =	shalt  }
0x52: {  	_ =	shalt  }
0x53: {  	_ =	shalt  }
0x54: {  	_ =	shalt  }
0x55: {  	_ =	shalt  }
0x56: {  	_ =	shalt  }
0x57: {  	_ =	shalt  }
0x58: {  	_ =	shalt  }
0x59: {  	_ =	shalt  }
0x5a: {  	_ =	shalt  }
0x5b: {  	_ =	shalt  }
0x5c: {  	_ =	shalt  }
0x5d: {  	_ =	shalt  }
0x5e: {  	_ =	shalt  }
0x5f: {  	_ =	shalt  }
0x60: {  	_ =	shalt  }
0x61: {  	_ =	shalt  }
0x62: {  	_ =	shalt  }
0x63: {  	_ =	shalt  }
0x64: {  	_ =	shalt  }
0x65: {  	_ =	shalt  }
0x66: {  	_ =	shalt  }
0x67: {  	_ =	shalt  }
0x68: {  	_ =	shalt  }
0x69: {  	_ =	shalt  }
0x6a: {  	_ =	shalt  }
0x6b: {  	_ =	shalt  }
0x6c: {  	_ =	shalt  }
0x6d: {  	_ =	shalt  }
0x6e: {  	_ =	shalt  }
0x6f: {  	_ =	shalt  }
0x70: {  	_ =	shalt  }
0x71: {  	_ =	shalt  }
0x72: {  	_ =	shalt  }
0x73: {  	_ =	shalt  }
0x74: {  	_ =	shalt  }
0x75: {  	_ =	shalt  }
0x76: {  	_ =	shalt  }
0x77: {  	_ =	shalt  }
0x78: {  	_ =	shalt  }
0x79: {  	_ =	shalt  }
0x7a: {  	_ =	shalt  }
0x7b: {  	_ =	shalt  }
0x7c: {  	_ =	shalt  }
0x7d: {  	_ =	shalt  }
0x7e: {  	_ =	shalt  }
0x7f: {  	_ =	shalt  }
0x80: {  	_ =	shalt  }
0x81: {  	_ =	shalt  }
0x82: {  	_ =	shalt  }
0x83: {  	_ =	shalt  }
0x84: {  	_ =	shalt  }
0x85: {  	_ =	shalt  }
0x86: {  	_ =	shalt  }
0x87: {  	_ =	shalt  }
.Lfunc_end0:
.L_simem_size_0:
called_computation_lowered:
.L_overlay_start_0:
0x88: {  	s2 =	sld [smem:$0x3FD9]  }
0x89: {  	s3 =	sld [smem:$0x3FFE];
	_ =	sdelay $0x1  }
0x8a: {  	s1 =	srdreg.scid  }
0x8b: {  	s0 =	sand.u32 $0x1, s1  }
0x8c: {  	s16 =	sshll.u32 s0, $0xA;
	s2 =	sadd.s32 s3, s2  }
0x8d: {  	s2 =	sadd.s32 s2, s16  }
0x8e: {  	[smem:$0x3FBE] =	sst s2  }
0x8f: {  	_ = 	snop  }
0x90: {  	(tm) =	ssettm $0x1  }
0x91: {  	s17 =	sld [smem:$0x3FFB];
	_ =	sdelay $0x3  }
0x92: {  	_ =	strace s17  }
0x93: {  	s2 =	sld [smem:$0x3FFC];
	_ =	sdelay $0x3  }
0x94: {  	_ =	strace s2  }
0x95: {  	s2 =	sld [smem:$0x3FFD];
	_ =	sdelay $0x3  }
0x96: {  	_ =	strace s2  }
0x97: {  	_ =	strace $0x8FFFFFFF  }
0x98: {  	s18 =	sld [smem:$0x3FDB];
	_ =	sdelay $0x1  }
0x99: {  	s19 =	simm.s32 $_scs_section_size  }
0x9a: {  	s4 =	simm.s32 $_size__tile_overlayer_lowered;
	s5 =	simm.s32 $_tile_overlayer_lowered  }
0x9b: {  	s22 =	simm.s32 $0x1BFF;
	s21 =	sshll.u32 s5, $0x1;
	s2 =	sadd.s32 s19, s18  }
0x9c: {  	s6 =	simm.s32 $0x0;
	s20 =	sshll.u32 s4, $0x1;
	s4 =	sadd.s32 s21, s2  }
0x9d: {  	[timem:s6], [sflag:s22] =	dma.local [hbm:s4], s20  }
0x9e: {  	_ =	swait.ge [sflag:s22], s20  }
0x9f: {  	s3 =	ssub.s32 $0x0, s20;
	[sflag:s22] =	ssyncset.done $0x0  }
0xa0: {  	[sflag:s22] =	ssyncadd.s32 s3;
	_ =	sdelay $0x1  }
0xa1: {  	s23 =	simm.s32 $0x1B8B  }
0xa2: {  	_ =	swait.ge [sflag:s23], $0x1  }
0xa3: {  	[sflag:s23] =	ssyncset.done $0x0  }
0xa4: {  	s25 =	simm.s32 $0x1B8E;
	s24 =	sld [smem:$0x3FFE];
	[sflag:s23] =	ssyncadd.s32 $0xFFFFFFFF  }
0xa5: {  	s26 =	simm.s32 $execute0_lowered;
	[smem:$0x3FD2] =	sst s25  }
0xa6: {  	s4 =	sshll.u32 s26, $0x1;
	_ =	strace $0x80000046;
	[dreg:$0x1] =	wrdreg $0xFFFFFFFF  }
0xa7: {  	s28 =	simm.s32 $_size_execute0_lowered;
	s2 =	sadd.s32 s2, s4;
	[dreg:$0x0] =	wrdreg $0x0  }
0xa8: {  	s4 =	sshll.u32 s28, $0x1;
	[dreg:$0x2] =	wrdreg s2  }
0xa9: {  	[dreg:$0x3] =	wrdreg s4  }
0xaa: {  	[dreg:$0x4] =	wrdreg $0xC0  }
0xab: {  	_ =	task [dreg:s6], $0x5FFFF  }
0xac: {  	[dreg:$0x1] =	wrdreg $0xFFFFFFFF  }
0xad: {  	[dreg:$0x0] =	wrdreg $0x60  }
0xae: {  	[dreg:$0x2] =	wrdreg s24  }
0xaf: {  	[dreg:$0x3] =	wrdreg $0x90800  }
0xb0: {  	[dreg:$0x4] =	wrdreg $0x1D0800  }
0xb1: {  	[dreg:$0x5] =	wrdreg $0x9  }
0xb2: {  	_ =	task.clear_ibuf [dreg:s6], $0x6FFFF;
	_ =	strace $0x90000046  }
0xb3: {  	s29 =	simm.s32 $0x9;
	_ =	strace $0x80000048  }
0xb4: {  	_ =	swait.ge [sflag:s29], $0x1  }
0xb5: {  	[sflag:s29] =	ssyncadd.s32 $0xFFFFFFFF  }
0xb6: {  	_ =	strace $0x90000048  }
0xb7: {  	_ =	sfence  }
0xb8: {  	s30 =	sld [smem:$0x0];
	_ =	sdelay $0x2  }
0xb9: {  	s31 =	sshll.u32 s1, $0xD;
	s1 =	sshrl.u32 s1, $0x2  }
0xba: {  	s3 =	sand.u32 $0x4000, s31;
	s1 =	sadd.s32 s1, s30  }
0xbb: {  	s0 =	sor.u32 s3, s0;
	s1 =	sshll.u32 s1, $0x11  }
0xbc: {  	s0 =	sor.u32 s1, s0  }
0xbd: {  	s0 =	sadd.s32 $0x8F2B, s0  }
0xbe: {  	[sflag:s0] =	ssyncadd.remote.s32 $0x1  }
0xbf: {  	_ =	sfence.sel $0xFFFF  }
0xc0: {  	[dreg:$0x0] =	wrdreg $0xFFFFFFFF;
	(pc) =	sbr.abs _section_cstart, $3  }
0xc1: {  	[dreg:$0x1] =	wrdreg $0xFFFFFFFF  }
0xc2: {  	_ =	task.clear_ibuf [dreg:s6], $0x2FFFF;
	_ =	strace $0x9FFFFFFF  }
0xc3: {  	(tm) =	ssettm $0x7FFFFFFF  }
tec
execute0_lowered:
.L_overlay_start_1:
0x0: {  	(tag) =	ssettag $0x1  }
0x1: {  	s0 =	rddreg [dreg:$0x0]  }
0x2: {  	s1 =	rddreg [dreg:$0x1]  }
0x3: {  	s2 =	rddreg [dreg:$0x2];
	s3 =	srdreg.scid  }
0x4: {  	s22 =	simm.s32 $0x0;
	s20 =	stileid.u32;
	s24 =	simm.s32 $0x100  }
0x5: {  	s25 =	simm.s32 $0x180;
	s31 =	simm.s32 $0x200;
	s28 =	simm.s32 $0x5000  }
0x6: {  	s30 =	simm.s32 $0x9000;
	s29 =	simm.s32 $0x700;
	s12 =	sand.u32 $0x1, s3  }
0x7: {  	[smem:$0x7FF] =	sst s22;
	s4 =	smul.u32 $0x280, s20;
	s13 =	sadd.s32 $0x28A00, s0  }
0x8: {  	s9 =	smul.u32 $0x14000, s20;
	_ =	strace $0x80000047;
	[dreg:$0x4] =	wrdreg s24  }
0x9: {  	s3 =	ssub.s32 $0x2, s12;
	s21 =	sshll.u32 s12, $0x4;
	[dreg:$0x5] =	wrdreg s25  }
0xa: {  	s15 =	smul.u32 $0x140000, s12;
	[dreg:$0x6] =	wrdreg s31;
	s25 =	simm.s32 $0x380  }
0xb: {  	s31 =	simm.s32 $0x900;
	s5 =	sshrl.u32 s3, $0x1;
	s14 =	sor.u32 s20, s21  }
0xc: {  	s6 =	sadd.s32 $0x100, s4;
	s7 =	sadd.s32 $0x180, s4;
	s8 =	sadd.s32 $0x200, s4  }
0xd: {  	s21 =	simm.s32 $0x280;
	[dreg:$0x9] =	wrdreg s25;
	s25 =	smul.u32 $0x2800, s12  }
0xe: {  	[dreg:$0xb] =	wrdreg s31;
	s12 =	smul.u32 $0x5000, s12;
	s3 =	ssub.s32 s3, s5  }
0xf: {  	s5 =	sadd.s32 $0x80, s4;
	s11 =	sshll.u32 s6, $0x7;
	s16 =	sshll.u32 s7, $0x7  }
0x10: {  	s17 =	sshll.u32 s8, $0x7;
	s18 =	sadd.s32 s9, s15;
	s14 =	smul.u32 $0x500, s14  }
0x11: {  	[dreg:$0x7] =	wrdreg s21;
	s21 =	simm.s32 $0xA00;
	s10 =	sshll.u32 s5, $0x7  }
0x12: {  	s18 =	sshrl.u32 s18, $0x3;
	s26 =	sadd.s32 s15, s11;
	s24 =	sadd.s32 s15, s16  }
0x13: {  	[dreg:$0xd] =	wrdreg s21;
	s21 =	smul.u32 $0x500, s20;
	s11 =	sadd.s32 s11, s1  }
0x14: {  	s16 =	sadd.s32 s16, s1;
	s20 =	sadd.s32 s5, s2;
	[dreg:$0x1a] =	wrdreg s11  }
0x15: {  	s5 =	simm.s32 $0x3000;
	s19 =	sadd.s32 s15, s10;
	[dreg:$0x1b] =	wrdreg s16  }
0x16: {  	s18 =	sadd.s32 s13, s18;
	s15 =	sadd.s32 s15, s17;
	[dreg:$0x1e] =	wrdreg s20  }
0x17: {  	s10 =	sadd.s32 s10, s1;
	[dreg:$0x11] =	wrdreg s18;
	s23 =	sshrl.u32 s19, $0x3  }
0x18: {  	s19 =	sshrl.u32 s26, $0x3;
	s26 =	simm.s32 $0x880;
	[dreg:$0x19] =	wrdreg s10  }
0x19: {  	s16 =	simm.s32 $0x5;
	s18 =	sadd.s32 s13, s23;
	[dreg:$0xa] =	wrdreg s26  }
0x1a: {  	s20 =	simm.s32 $0x680;
	s19 =	sadd.s32 s13, s19;
	[dreg:$0x12] =	wrdreg s18  }
0x1b: {  	s15 =	sshrl.u32 s15, $0x3;
	s23 =	simm.s32 $0x300;
	[dreg:$0x13] =	wrdreg s19  }
0x1c: {  	s10 =	simm.s32 $0x2;
	s26 =	sadd.s32 $0x14A00, s0;
	[dreg:$0x8] =	wrdreg s23  }
0x1d: {  	s19 =	sshrl.u32 s24, $0x3;
	s23 =	simm.s32 $0xA80;
	s24 =	sadd.s32 $0x1EA00, s0  }
0x1e: {  	s18 =	sadd.s32 s12, s26;
	s19 =	sadd.s32 s13, s19;
	[dreg:$0xe] =	wrdreg s23  }
0x1f: {  	s13 =	sadd.s32 s13, s15;
	s31 =	sadd.s32 s24, s14;
	[dreg:$0x14] =	wrdreg s19  }
0x20: {  	s14 =	sadd.s32 s26, s14;
	s23 =	simm.s32 $0xB00;
	[dreg:$0x15] =	wrdreg s13  }
0x21: {  	s15 =	sadd.s32 s12, s24;
	s24 =	sadd.s32 s4, s25;
	[dreg:$0x16] =	wrdreg s31  }
0x22: {  	s25 =	simm.s32 $0xB80;
	s19 =	simm.s32 $0x980;
	[dreg:$0x17] =	wrdreg s14  }
0x23: {  	[dreg:$0xf] =	wrdreg s23;
	s12 =	sadd.s32 s21, s15;
	s13 =	sadd.s32 s21, s18  }
0x24: {  	[dreg:$0x10] =	wrdreg s25;
	s26 =	sshrl.u32 s24, $0x3;
	s14 =	sadd.s32 $0x1000, s0  }
0x25: {  	s23 =	sadd.s32 s9, s1;
	s18 =	sadd.s32 s17, s1;
	s21 =	sadd.s32 s6, s2  }
0x26: {  	s24 =	sadd.s32 s7, s2;
	s25 =	sadd.s32 s8, s2;
	[dreg:$0xc] =	wrdreg s19  }
0x27: {  	s6 =	simm.s32 $0x1;
	s7 =	simm.s32 $0x6;
	[dreg:$0x1c] =	wrdreg s18  }
0x28: {  	s9 =	simm.s32 $0xC00;
	s17 =	simm.s32 $0xE00;
	[dreg:$0x1f] =	wrdreg s21  }
0x29: {  	s31 =	sadd.s32 s26, s0;
	s19 =	sadd.s32 s4, s2;
	[smem:$0x7FA] =	sst s24  }
0x2a: {  	[smem:$0x7FB] =	sst s25;
	s0 =	simm.s32 $0x80;
	s25 =	simm.s32 $0x4  }
0x2b: {  	s4 =	simm.s32 $0x0;
	[dreg:$0x18] =	wrdreg s23;
	s24 =	simm.s32 $0xC80  }
0x2c: {  	s18 =	simm.s32 $0xE80;
	[dreg:$0x1d] =	wrdreg s19;
	s26 =	sadd.s32 $0x78A00, s31  }
0x2d: {  	s31 =	smax.u32 s3, $0x1;
	s3 =	simm.s32 $0x1000;
	[smem:$0x7FC] =	sst s26  }
0x2e: {  	v0 =	vimm.f32 $0.0e+00;
	v1 =	vimm.f32 $1.000000000e+00;
	s19 =	simm.s32 $0xF80;
	[smem:$0x7FD] =	sst s31;
	s26 =	simm.s32 $0xD00  }
.LBB2_1:
0x2f: {  	s8 =	sand.u32 $0xFE00, s22  }
0x30: {  	[smem:$0x7F9] =	sst s4;
	s11 =	sand.u32 $0x70, s22;
	s31 =	sshrl.u32 s8, $0x2  }
0x31: {  	s8 =	simm.s32 $0x40;
	s11 =	sor.u32 s11, s31;
	s31 =	simm.s32 $0x0  }
.LBB2_2:
0x32: {  	p0 =	sne.s32 s8, $0xFFC0  }
0x33: {  	[tilespmem:s11+$0x5000] =	vst v0;
	s31 =	sadd.s32 $0x10, s31;
	s11 =	smov.u32 s8;
	s8 =	sadd.s32 $0x40, s8  }
.Ltmp0:
0x34: {  	(pc) =	sbr.rel @p0 .LBB2_2-.Ltmp0, $4  }
0x35: {  	_ = 	snop  }
0x36: {  	s11 =	sand.u32 $0xFE00, s11  }
0x37: {  	s21 =	sand.u32 $0x70, s31;
	s11 =	sshrl.u32 s11, $0x2  }
0x38: {  	s11 =	sor.u32 s21, s11  }
0x39: {  	[tilespmem:s11+$0x5000] =	vst v0;
	s21 =	simm.s32 $0x7  }
0x3a: {  	[spmem:s23] =	stream.linear.scatter [tilespmem:s28], [sflag:$0x7], $0x4000, $0x38;
	[tilespmem:$0x1D300] =	vst v63  }
0x3b: {  	_ =	swait.ge [sflag:s21], $0x4000  }
0x3c: {  	[sflag:s21] =	ssyncset.done $0x0  }
0x3d: {  	s8 =	rddreg [dreg:$0x19];
	[sflag:s21] =	ssyncadd.s32 $0xFFFFC000  }
0x3e: {  	[spmem:s8] =	stream.linear.scatter [tilespmem:s28], [sflag:$0x7], $0x4000, $0x38;
	[tilespmem:$0x1D300] =	vst v63  }
0x3f: {  	_ =	swait.ge [sflag:s21], $0x4000  }
0x40: {  	[sflag:s21] =	ssyncset.done $0x0  }
0x41: {  	s23 =	rddreg [dreg:$0x1a];
	[sflag:s21] =	ssyncadd.s32 $0xFFFFC000  }
0x42: {  	[spmem:s23] =	stream.linear.scatter [tilespmem:s28], [sflag:$0x7], $0x4000, $0x38;
	[tilespmem:$0x1D300] =	vst v63  }
0x43: {  	_ =	swait.ge [sflag:s21], $0x4000  }
0x44: {  	[sflag:s21] =	ssyncset.done $0x0  }
0x45: {  	s4 =	rddreg [dreg:$0x1b];
	[sflag:s21] =	ssyncadd.s32 $0xFFFFC000  }
0x46: {  	[spmem:s4] =	stream.linear.scatter [tilespmem:s28], [sflag:$0x7], $0x4000, $0x38;
	[tilespmem:$0x1D300] =	vst v63  }
0x47: {  	_ =	swait.ge [sflag:s21], $0x4000  }
0x48: {  	[sflag:s21] =	ssyncset.done $0x0  }
0x49: {  	s11 =	rddreg [dreg:$0x1c];
	[sflag:s21] =	ssyncadd.s32 $0xFFFFC000  }
0x4a: {  	[spmem:s11] =	stream.linear.scatter [tilespmem:s28], [sflag:$0x7], $0x4000, $0x38;
	[tilespmem:$0x1D300] =	vst v63  }
0x4b: {  	_ =	swait.ge [sflag:s21], $0x4000  }
0x4c: {  	[sflag:s21] =	ssyncset.done $0x0  }
0x4d: {  	[sflag:s21] =	ssyncadd.s32 $0xFFFFC000  }
0x4e: {  	[tilespmem:$0x9000] =	vst v0  }
0x4f: {  	[tilespmem:$0x9010] =	vst v0  }
0x50: {  	[tilespmem:$0x9020] =	vst v0  }
0x51: {  	[tilespmem:$0x9030] =	vst v0  }
0x52: {  	[tilespmem:$0x9040] =	vst v0  }
0x53: {  	[tilespmem:$0x9050] =	vst v0  }
0x54: {  	[tilespmem:$0x9060] =	vst v0  }
0x55: {  	s15 =	rddreg [dreg:$0x1d];
	[tilespmem:$0x9070] =	vst v0  }
0x56: {  	[spmem:s15] =	stream.linear.scatter [tilespmem:s30], [sflag:$0x7], $0x80, $0x38;
	[tilespmem:$0x1D300] =	vst v63  }
0x57: {  	_ =	swait.ge [sflag:s21], $0x80  }
0x58: {  	[sflag:s21] =	ssyncset.done $0x0  }
0x59: {  	s23 =	rddreg [dreg:$0x1e];
	[sflag:s21] =	ssyncadd.s32 $0xFFFFFF80  }
0x5a: {  	[spmem:s23] =	stream.linear.scatter [tilespmem:s30], [sflag:$0x7], $0x80, $0x38;
	[tilespmem:$0x1D300] =	vst v63  }
0x5b: {  	_ =	swait.ge [sflag:s21], $0x80  }
0x5c: {  	[sflag:s21] =	ssyncset.done $0x0  }
0x5d: {  	s4 =	rddreg [dreg:$0x1f];
	[sflag:s21] =	ssyncadd.s32 $0xFFFFFF80  }
0x5e: {  	[spmem:s4] =	stream.linear.scatter [tilespmem:s30], [sflag:$0x7], $0x80, $0x38;
	[tilespmem:$0x1D300] =	vst v63  }
0x5f: {  	_ =	swait.ge [sflag:s21], $0x80  }
0x60: {  	s11 =	sld [smem:$0x7FA]  }
0x61: {  	[sflag:s21] =	ssyncset.done $0x0  }
0x62: {  	[sflag:s21] =	ssyncadd.s32 $0xFFFFFF80  }
0x63: {  	[spmem:s11] =	stream.linear.scatter [tilespmem:s30], [sflag:$0x7], $0x80, $0x38;
	[tilespmem:$0x1D300] =	vst v63  }
0x64: {  	_ =	swait.ge [sflag:s21], $0x80  }
0x65: {  	s15 =	sld [smem:$0x7FB]  }
0x66: {  	[sflag:s21] =	ssyncset.done $0x0  }
0x67: {  	[sflag:s21] =	ssyncadd.s32 $0xFFFFFF80  }
0x68: {  	[spmem:s15] =	stream.linear.scatter [tilespmem:s30], [sflag:$0x7], $0x80, $0x38;
	[tilespmem:$0x1D300] =	vst v63  }
0x69: {  	_ =	swait.ge [sflag:s21], $0x80  }
0x6a: {  	[sflag:s21] =	ssyncset.done $0x0  }
0x6b: {  	[sflag:s21] =	ssyncadd.s32 $0xFFFFFF80  }
0x6c: {  	[tilespmem:$0x9000] =	vst v1  }
0x6d: {  	[tilespmem:$0x9010] =	vst v1  }
0x6e: {  	[tilespmem:$0x9020] =	vst v1  }
0x6f: {  	[tilespmem:$0x9030] =	vst v1  }
0x70: {  	[tilespmem:$0x9040] =	vst v1  }
0x71: {  	[tilespmem:$0x9050] =	vst v1  }
0x72: {  	[tilespmem:$0x9060] =	vst v1  }
0x73: {  	[tilespmem:$0x9070] =	vst v1  }
0x74: {  	[bflag:$0x0] =	sbarrier.arrive $0xFFFF  }
0x75: {  	s23 =	simm.s32 $0x0;
	s4 =	rddreg [dreg:$0x16]  }
0x76: {  	[tilespmem:s23], [sflag:$0x7] =	stream.linear.gather [hbm4b:s4+s23], $0x400, $0x38;
	[tilespmem:$0x1D300] =	vst v63  }
0x77: {  	_ =	swait.ge [sflag:s21], $0x400  }
0x78: {  	[sflag:s21] =	ssyncset.done $0x0  }
0x79: {  	s4 =	simm.s32 $0x400;
	s15 =	rddreg [dreg:$0x17];
	[sflag:s21] =	ssyncadd.s32 $0xFFFFFC00  }
0x7a: {  	[tilespmem:s4], [sflag:$0x7] =	stream.linear.gather [hbm4b:s15+s23], $0x400, $0x38;
	[tilespmem:$0x1D300] =	vst v63  }
0x7b: {  	_ =	swait.ge [sflag:s21], $0x400  }
0x7c: {  	[sflag:s21] =	ssyncset.done $0x0  }
0x7d: {  	[sflag:s21] =	ssyncadd.s32 $0xFFFFFC00  }
0x7e: {  	[tilespmem:s3], [sflag:$0x1] =	stream.indirect.gather [hbm4b:s14+s0], $0x40, s23, s0, $0xb8;
	[tilespmem:$0x1D300] =	vst v63  }
0x7f: {  	_ = 	snop  }
0x80: {  	[tilespmem:s5], [sflag:$0x2] =	stream.indirect.gather [hbm4b:s14+s0], $0x40, s0, s0, $0xb8;
	[tilespmem:$0x1D300] =	vst v63  }
0x81: {  	_ = 	snop  }
0x82: {  	[spmem:s1] =	stream.indirect.scatter.add.f32 [tilespmem:s28], [sflag:$0x6], $0x80, s4, s0, $0xb8;
	[tilespmem:$0x1D300] =	vst v63  }
0x83: {  	_ =	swait.ge [sflag:s6], $0x2000  }
0x84: {  	[sflag:s6] =	ssyncset.done $0x0  }
0x85: {  	[sflag:s6] =	ssyncadd.s32 $0xFFFFE000  }
0x86: {  	_ =	swait.ge [sflag:s7], $0x4000  }
0x87: {  	s15 =	simm.s32 $0x800;
	s21 =	sadd.s32 $0x0, s12;
	[sflag:s7] =	ssyncset.done $0x0  }
0x88: {  	s8 =	sadd.s32 $0x80, s21;
	s23 =	sadd.s32 $0x0, s13;
	[sflag:s7] =	ssyncadd.s32 $0xFFFFC000  }
0x89: {  	[tilespmem:s15], [sflag:$0x4] =	stream.linear.gather [hbm4b:s8+s22], $0x400, $0x38;
	[tilespmem:$0x1D300] =	vst v63  }
0x8a: {  	s21 =	sadd.s32 $0x80, s23  }
0x8b: {  	[tilespmem:s9], [sflag:$0x4] =	stream.linear.gather [hbm4b:s21+s22], $0x400, $0x38;
	[tilespmem:$0x1D300] =	vst v63  }
0x8c: {  	s23 =	rddreg [dreg:$0x4]  }
0x8d: {  	[tilespmem:s3], [sflag:$0x1] =	stream.indirect.gather [hbm4b:s14+s0], $0x40, s23, s0, $0xb8;
	[tilespmem:$0x1D300] =	vst v63  }
0x8e: {  	_ = 	snop  }
0x8f: {  	[spmem:s1] =	stream.indirect.scatter.add.f32 [tilespmem:s28], [sflag:$0x6], $0x80, s4, s0, $0xb8;
	[tilespmem:$0x1D300] =	vst v63  }
0x90: {  	_ = 	snop  }
0x91: {  	[spmem:s2] =	stream.indirect.scatter.add.f32 [tilespmem:s30], [sflag:$0x5], $0x1, s4, s0, $0xb8;
	[tilespmem:$0x1D300] =	vst v63  }
0x92: {  	_ =	swait.ge [sflag:s10], $0x2000  }
0x93: {  	[sflag:s10] =	ssyncset.done $0x0  }
0x94: {  	[sflag:s10] =	ssyncadd.s32 $0xFFFFE000  }
0x95: {  	_ =	swait.ge [sflag:s7], $0x4000  }
0x96: {  	[sflag:s7] =	ssyncset.done $0x0  }
0x97: {  	s21 =	rddreg [dreg:$0x5];
	[sflag:s7] =	ssyncadd.s32 $0xFFFFC000  }
0x98: {  	[tilespmem:s5], [sflag:$0x2] =	stream.indirect.gather [hbm4b:s14+s0], $0x40, s21, s0, $0xb8;
	[tilespmem:$0x1D300] =	vst v63  }
0x99: {  	s23 =	simm.s32 $0x480  }
0x9a: {  	[spmem:s1] =	stream.indirect.scatter.add.f32 [tilespmem:s28], [sflag:$0x6], $0x80, s23, s0, $0xb8;
	[tilespmem:$0x1D300] =	vst v63  }
0x9b: {  	_ = 	snop  }
0x9c: {  	[spmem:s2] =	stream.indirect.scatter.add.f32 [tilespmem:s30], [sflag:$0x5], $0x1, s23, s0, $0xb8;
	[tilespmem:$0x1D300] =	vst v63  }
0x9d: {  	_ =	swait.ge [sflag:s6], $0x2000  }
0x9e: {  	[sflag:s6] =	ssyncset.done $0x0  }
0x9f: {  	[sflag:s6] =	ssyncadd.s32 $0xFFFFE000  }
0xa0: {  	_ =	swait.ge [sflag:s7], $0x4000  }
0xa1: {  	[sflag:s7] =	ssyncset.done $0x0  }
0xa2: {  	s4 =	rddreg [dreg:$0x6];
	[sflag:s7] =	ssyncadd.s32 $0xFFFFC000  }
0xa3: {  	[tilespmem:s3], [sflag:$0x1] =	stream.indirect.gather [hbm4b:s14+s0], $0x40, s4, s0, $0xb8;
	[tilespmem:$0x1D300] =	vst v63  }
0xa4: {  	s11 =	simm.s32 $0x500  }
0xa5: {  	[spmem:s1] =	stream.indirect.scatter.add.f32 [tilespmem:s28], [sflag:$0x6], $0x80, s11, s0, $0xb8;
	[tilespmem:$0x1D300] =	vst v63  }
0xa6: {  	_ = 	snop  }
0xa7: {  	[spmem:s2] =	stream.indirect.scatter.add.f32 [tilespmem:s30], [sflag:$0x5], $0x1, s11, s0, $0xb8;
	[tilespmem:$0x1D300] =	vst v63  }
0xa8: {  	_ =	swait.ge [sflag:s10], $0x2000  }
0xa9: {  	[sflag:s10] =	ssyncset.done $0x0  }
0xaa: {  	[sflag:s10] =	ssyncadd.s32 $0xFFFFE000  }
0xab: {  	_ =	swait.ge [sflag:s7], $0x4000  }
0xac: {  	[sflag:s7] =	ssyncset.done $0x0  }
0xad: {  	s21 =	rddreg [dreg:$0x7];
	[sflag:s7] =	ssyncadd.s32 $0xFFFFC000  }
0xae: {  	[tilespmem:s5], [sflag:$0x2] =	stream.indirect.gather [hbm4b:s14+s0], $0x40, s21, s0, $0xb8;
	[tilespmem:$0x1D300] =	vst v63  }
0xaf: {  	s23 =	simm.s32 $0x580  }
0xb0: {  	[spmem:s1] =	stream.indirect.scatter.add.f32 [tilespmem:s28], [sflag:$0x6], $0x80, s23, s0, $0xb8;
	[tilespmem:$0x1D300] =	vst v63  }
0xb1: {  	_ = 	snop  }
0xb2: {  	[spmem:s2] =	stream.indirect.scatter.add.f32 [tilespmem:s30], [sflag:$0x5], $0x1, s23, s0, $0xb8;
	[tilespmem:$0x1D300] =	vst v63  }
0xb3: {  	_ =	swait.ge [sflag:s6], $0x2000  }
0xb4: {  	[sflag:s6] =	ssyncset.done $0x0  }
0xb5: {  	[sflag:s6] =	ssyncadd.s32 $0xFFFFE000  }
0xb6: {  	_ =	swait.ge [sflag:s7], $0x4000  }
0xb7: {  	[sflag:s7] =	ssyncset.done $0x0  }
0xb8: {  	s4 =	rddreg [dreg:$0x8];
	[sflag:s7] =	ssyncadd.s32 $0xFFFFC000  }
0xb9: {  	[tilespmem:s3], [sflag:$0x1] =	stream.indirect.gather [hbm4b:s14+s0], $0x40, s4, s0, $0xb8;
	[tilespmem:$0x1D300] =	vst v63  }
0xba: {  	s8 =	simm.s32 $0x600  }
0xbb: {  	[spmem:s1] =	stream.indirect.scatter.add.f32 [tilespmem:s28], [sflag:$0x6], $0x80, s8, s0, $0xb8;
	[tilespmem:$0x1D300] =	vst v63  }
0xbc: {  	_ = 	snop  }
0xbd: {  	[spmem:s2] =	stream.indirect.scatter.add.f32 [tilespmem:s30], [sflag:$0x5], $0x1, s8, s0, $0xb8;
	[tilespmem:$0x1D300] =	vst v63  }
0xbe: {  	_ =	swait.ge [sflag:s10], $0x2000  }
0xbf: {  	[sflag:s10] =	ssyncset.done $0x0  }
0xc0: {  	[sflag:s10] =	ssyncadd.s32 $0xFFFFE000  }
0xc1: {  	_ =	swait.ge [sflag:s7], $0x4000  }
0xc2: {  	[sflag:s7] =	ssyncset.done $0x0  }
0xc3: {  	s11 =	rddreg [dreg:$0x9];
	[sflag:s7] =	ssyncadd.s32 $0xFFFFC000  }
0xc4: {  	[tilespmem:s5], [sflag:$0x2] =	stream.indirect.gather [hbm4b:s14+s0], $0x40, s11, s0, $0xb8;
	[tilespmem:$0x1D300] =	vst v63  }
0xc5: {  	_ = 	snop  }
0xc6: {  	[spmem:s1] =	stream.indirect.scatter.add.f32 [tilespmem:s28], [sflag:$0x6], $0x80, s20, s0, $0xb8;
	[tilespmem:$0x1D300] =	vst v63  }
0xc7: {  	_ = 	snop  }
0xc8: {  	[spmem:s2] =	stream.indirect.scatter.add.f32 [tilespmem:s30], [sflag:$0x5], $0x1, s20, s0, $0xb8;
	[tilespmem:$0x1D300] =	vst v63  }
0xc9: {  	_ =	swait.ge [sflag:s6], $0x2000  }
0xca: {  	[sflag:s6] =	ssyncset.done $0x0  }
0xcb: {  	[sflag:s6] =	ssyncadd.s32 $0xFFFFE000  }
0xcc: {  	_ =	swait.ge [sflag:s7], $0x4000  }
0xcd: {  	[sflag:s7] =	ssyncset.done $0x0  }
0xce: {  	[sflag:s7] =	ssyncadd.s32 $0xFFFFC000  }
0xcf: {  	_ =	swait.ge [sflag:s25], $0x400  }
0xd0: {  	[sflag:s25] =	ssyncset.done $0x0  }
0xd1: {  	[sflag:s25] =	ssyncadd.s32 $0xFFFFFC00  }
0xd2: {  	_ =	swait.ge [sflag:s25], $0x400  }
0xd3: {  	[sflag:s25] =	ssyncset.done $0x0  }
0xd4: {  	[sflag:s25] =	ssyncadd.s32 $0xFFFFFC00  }
0xd5: {  	[tilespmem:s3], [sflag:$0x1] =	stream.indirect.gather [hbm4b:s14+s0], $0x40, s15, s0, $0xb8;
	[tilespmem:$0x1D300] =	vst v63  }
0xd6: {  	_ = 	snop  }
0xd7: {  	[spmem:s1] =	stream.indirect.scatter.add.f32 [tilespmem:s28], [sflag:$0x6], $0x80, s29, s0, $0xb8;
	[tilespmem:$0x1D300] =	vst v63  }
0xd8: {  	_ = 	snop  }
0xd9: {  	[spmem:s2] =	stream.indirect.scatter.add.f32 [tilespmem:s30], [sflag:$0x5], $0x1, s29, s0, $0xb8;
	[tilespmem:$0x1D300] =	vst v63  }
0xda: {  	_ =	swait.ge [sflag:s10], $0x2000  }
0xdb: {  	[sflag:s10] =	ssyncset.done $0x0  }
0xdc: {  	[sflag:s10] =	ssyncadd.s32 $0xFFFFE000  }
0xdd: {  	_ =	swait.ge [sflag:s7], $0x4000  }
0xde: {  	[sflag:s7] =	ssyncset.done $0x0  }
0xdf: {  	s15 =	rddreg [dreg:$0xa];
	[sflag:s7] =	ssyncadd.s32 $0xFFFFC000  }
0xe0: {  	[tilespmem:s5], [sflag:$0x2] =	stream.indirect.gather [hbm4b:s14+s0], $0x40, s15, s0, $0xb8;
	[tilespmem:$0x1D300] =	vst v63  }
0xe1: {  	s4 =	simm.s32 $0x780  }
0xe2: {  	[spmem:s1] =	stream.indirect.scatter.add.f32 [tilespmem:s28], [sflag:$0x6], $0x80, s4, s0, $0xb8;
	[tilespmem:$0x1D300] =	vst v63  }
0xe3: {  	_ = 	snop  }
0xe4: {  	[spmem:s2] =	stream.indirect.scatter.add.f32 [tilespmem:s30], [sflag:$0x5], $0x1, s4, s0, $0xb8;
	[tilespmem:$0x1D300] =	vst v63  }
0xe5: {  	_ =	swait.ge [sflag:s6], $0x2000  }
0xe6: {  	[sflag:s6] =	ssyncset.done $0x0  }
0xe7: {  	[sflag:s6] =	ssyncadd.s32 $0xFFFFE000  }
0xe8: {  	_ =	swait.ge [sflag:s7], $0x4000  }
0xe9: {  	[sflag:s7] =	ssyncset.done $0x0  }
0xea: {  	[sflag:s7] =	ssyncadd.s32 $0xFFFFC000  }
0xeb: {  	_ =	swait.ge [sflag:s16], $0x80  }
0xec: {  	[sflag:s16] =	ssyncset.done $0x0  }
0xed: {  	[sflag:s16] =	ssyncadd.s32 $0xFFFFFF80  }
0xee: {  	_ =	swait.ge [sflag:s16], $0x80  }
0xef: {  	[sflag:s16] =	ssyncset.done $0x0  }
0xf0: {  	[sflag:s16] =	ssyncadd.s32 $0xFFFFFF80  }
0xf1: {  	_ =	swait.ge [sflag:s16], $0x80  }
0xf2: {  	[sflag:s16] =	ssyncset.done $0x0  }
0xf3: {  	[sflag:s16] =	ssyncadd.s32 $0xFFFFFF80  }
0xf4: {  	_ =	swait.ge [sflag:s16], $0x80  }
0xf5: {  	[sflag:s16] =	ssyncset.done $0x0  }
0xf6: {  	[sflag:s16] =	ssyncadd.s32 $0xFFFFFF80  }
0xf7: {  	_ =	swait.ge [sflag:s16], $0x80  }
0xf8: {  	[sflag:s16] =	ssyncset.done $0x0  }
0xf9: {  	[sflag:s16] =	ssyncadd.s32 $0xFFFFFF80  }
0xfa: {  	_ =	swait.ge [sflag:s16], $0x80  }
0xfb: {  	[sflag:s16] =	ssyncset.done $0x0  }
0xfc: {  	[sflag:s16] =	ssyncadd.s32 $0xFFFFFF80  }
0xfd: {  	_ =	swait.ge [sflag:s16], $0x80  }
0xfe: {  	[sflag:s16] =	ssyncset.done $0x0  }
0xff: {  	p0 =	por $0x0, $0x0;
	[sflag:s16] =	ssyncadd.s32 $0xFFFFFF80  }
0x100: {  	s8 =	sadd.s32 @!p0 $0x0, s12;
	_ =	swait.ge [sflag:s16], $0x80  }
0x101: {  	s21 =	sadd.s32 @!p0 $0x100, s8;
	[sflag:s16] =	ssyncset.done $0x0  }
0x102: {  	s8 =	simm.s32 @!p0 $0x0;
	s11 =	sadd.s32 @!p0 $0x0, s13;
	[sflag:s16] =	ssyncadd.s32 $0xFFFFFF80  }
0x103: {  	[tilespmem:s8], [sflag:$0x3] =	stream.linear.gather @!p0 [hbm4b:s21+s8], $0x400, $0x38;
	[tilespmem:$0x1D300] =	vst v63  }
0x104: {  	s11 =	sadd.s32 @!p0 $0x100, s11;
	s21 =	simm.s32 @!p0 $0x400  }
0x105: {  	[tilespmem:s21], [sflag:$0x3] =	stream.linear.gather @!p0 [hbm4b:s11+s8], $0x400, $0x38;
	[tilespmem:$0x1D300] =	vst v63  }
0x106: {  	s31 =	rddreg [dreg:$0xb]  }
0x107: {  	[tilespmem:s3], [sflag:$0x1] =	stream.indirect.gather [hbm4b:s14+s0], $0x40, s31, s0, $0xb8;
	[tilespmem:$0x1D300] =	vst v63  }
0x108: {  	_ = 	snop  }
0x109: {  	[spmem:s1] =	stream.indirect.scatter.add.f32 [tilespmem:s28], [sflag:$0x6], $0x80, s9, s0, $0xb8;
	[tilespmem:$0x1D300] =	vst v63  }
0x10a: {  	_ = 	snop  }
0x10b: {  	[spmem:s2] =	stream.indirect.scatter.add.f32 [tilespmem:s30], [sflag:$0x5], $0x1, s9, s0, $0xb8;
	[tilespmem:$0x1D300] =	vst v63  }
0x10c: {  	_ =	swait.ge [sflag:s10], $0x2000  }
0x10d: {  	[sflag:s10] =	ssyncset.done $0x0  }
0x10e: {  	[sflag:s10] =	ssyncadd.s32 $0xFFFFE000  }
0x10f: {  	_ =	swait.ge [sflag:s7], $0x4000  }
0x110: {  	[sflag:s7] =	ssyncset.done $0x0  }
0x111: {  	s21 =	rddreg [dreg:$0xc];
	[sflag:s7] =	ssyncadd.s32 $0xFFFFC000  }
0x112: {  	[tilespmem:s5], [sflag:$0x2] =	stream.indirect.gather [hbm4b:s14+s0], $0x40, s21, s0, $0xb8;
	[tilespmem:$0x1D300] =	vst v63  }
0x113: {  	_ = 	snop  }
0x114: {  	[spmem:s1] =	stream.indirect.scatter.add.f32 [tilespmem:s28], [sflag:$0x6], $0x80, s24, s0, $0xb8;
	[tilespmem:$0x1D300] =	vst v63  }
0x115: {  	_ = 	snop  }
0x116: {  	[spmem:s2] =	stream.indirect.scatter.add.f32 [tilespmem:s30], [sflag:$0x5], $0x1, s24, s0, $0xb8;
	[tilespmem:$0x1D300] =	vst v63  }
0x117: {  	_ =	swait.ge [sflag:s6], $0x2000  }
0x118: {  	[sflag:s6] =	ssyncset.done $0x0  }
0x119: {  	[sflag:s6] =	ssyncadd.s32 $0xFFFFE000  }
0x11a: {  	_ =	swait.ge [sflag:s7], $0x4000  }
0x11b: {  	[sflag:s7] =	ssyncset.done $0x0  }
0x11c: {  	s23 =	rddreg [dreg:$0xd];
	[sflag:s7] =	ssyncadd.s32 $0xFFFFC000  }
0x11d: {  	[tilespmem:s3], [sflag:$0x1] =	stream.indirect.gather [hbm4b:s14+s0], $0x40, s23, s0, $0xb8;
	[tilespmem:$0x1D300] =	vst v63  }
0x11e: {  	_ = 	snop  }
0x11f: {  	[spmem:s1] =	stream.indirect.scatter.add.f32 [tilespmem:s28], [sflag:$0x6], $0x80, s26, s0, $0xb8;
	[tilespmem:$0x1D300] =	vst v63  }
0x120: {  	_ = 	snop  }
0x121: {  	[spmem:s2] =	stream.indirect.scatter.add.f32 [tilespmem:s30], [sflag:$0x5], $0x1, s26, s0, $0xb8;
	[tilespmem:$0x1D300] =	vst v63  }
0x122: {  	_ =	swait.ge [sflag:s10], $0x2000  }
0x123: {  	[sflag:s10] =	ssyncset.done $0x0  }
0x124: {  	[sflag:s10] =	ssyncadd.s32 $0xFFFFE000  }
0x125: {  	_ =	swait.ge [sflag:s7], $0x4000  }
0x126: {  	[sflag:s7] =	ssyncset.done $0x0  }
0x127: {  	s15 =	rddreg [dreg:$0xe];
	[sflag:s7] =	ssyncadd.s32 $0xFFFFC000  }
0x128: {  	[tilespmem:s5], [sflag:$0x2] =	stream.indirect.gather [hbm4b:s14+s0], $0x40, s15, s0, $0xb8;
	[tilespmem:$0x1D300] =	vst v63  }
0x129: {  	s15 =	simm.s32 $0xD80  }
0x12a: {  	[spmem:s1] =	stream.indirect.scatter.add.f32 [tilespmem:s28], [sflag:$0x6], $0x80, s15, s0, $0xb8;
	[tilespmem:$0x1D300] =	vst v63  }
0x12b: {  	_ = 	snop  }
0x12c: {  	[spmem:s2] =	stream.indirect.scatter.add.f32 [tilespmem:s30], [sflag:$0x5], $0x1, s15, s0, $0xb8;
	[tilespmem:$0x1D300] =	vst v63  }
0x12d: {  	_ =	swait.ge [sflag:s6], $0x2000  }
0x12e: {  	[sflag:s6] =	ssyncset.done $0x0  }
0x12f: {  	[sflag:s6] =	ssyncadd.s32 $0xFFFFE000  }
0x130: {  	_ =	swait.ge [sflag:s7], $0x4000  }
0x131: {  	[sflag:s7] =	ssyncset.done $0x0  }
0x132: {  	s21 =	rddreg [dreg:$0xf];
	[sflag:s7] =	ssyncadd.s32 $0xFFFFC000  }
0x133: {  	[tilespmem:s3], [sflag:$0x1] =	stream.indirect.gather [hbm4b:s14+s0], $0x40, s21, s0, $0xb8;
	[tilespmem:$0x1D300] =	vst v63  }
0x134: {  	_ = 	snop  }
0x135: {  	[spmem:s1] =	stream.indirect.scatter.add.f32 [tilespmem:s28], [sflag:$0x6], $0x80, s17, s0, $0xb8;
	[tilespmem:$0x1D300] =	vst v63  }
0x136: {  	_ = 	snop  }
0x137: {  	[spmem:s2] =	stream.indirect.scatter.add.f32 [tilespmem:s30], [sflag:$0x5], $0x1, s17, s0, $0xb8;
	[tilespmem:$0x1D300] =	vst v63  }
0x138: {  	_ =	swait.ge [sflag:s10], $0x2000  }
0x139: {  	[sflag:s10] =	ssyncset.done $0x0  }
0x13a: {  	[sflag:s10] =	ssyncadd.s32 $0xFFFFE000  }
0x13b: {  	_ =	swait.ge [sflag:s7], $0x4000  }
0x13c: {  	[sflag:s7] =	ssyncset.done $0x0  }
0x13d: {  	s23 =	rddreg [dreg:$0x10];
	[sflag:s7] =	ssyncadd.s32 $0xFFFFC000  }
0x13e: {  	[tilespmem:s5], [sflag:$0x2] =	stream.indirect.gather [hbm4b:s14+s0], $0x40, s23, s0, $0xb8;
	[tilespmem:$0x1D300] =	vst v63  }
0x13f: {  	_ = 	snop  }
0x140: {  	[spmem:s1] =	stream.indirect.scatter.add.f32 [tilespmem:s28], [sflag:$0x6], $0x80, s18, s0, $0xb8;
	[tilespmem:$0x1D300] =	vst v63  }
0x141: {  	_ = 	snop  }
0x142: {  	[spmem:s2] =	stream.indirect.scatter.add.f32 [tilespmem:s30], [sflag:$0x5], $0x1, s18, s0, $0xb8;
	[tilespmem:$0x1D300] =	vst v63  }
0x143: {  	_ =	swait.ge [sflag:s6], $0x2000  }
0x144: {  	[sflag:s6] =	ssyncset.done $0x0  }
0x145: {  	[sflag:s6] =	ssyncadd.s32 $0xFFFFE000  }
0x146: {  	_ =	swait.ge [sflag:s7], $0x4000  }
0x147: {  	s11 =	simm.s32 @p0 $0x5000;
	[sflag:s7] =	ssyncset.done $0x0  }
0x148: {  	s31 =	simm.s32 @p0 $0xF00;
	s21 =	simm.s32 @p0 $0x80;
	[sflag:s7] =	ssyncadd.s32 $0xFFFFC000  }
0x149: {  	[spmem:s1] =	stream.indirect.scatter.add.f32 @p0 [tilespmem:s11], [sflag:$0x6], $0x80, s31, s21, $0xb8;
	[tilespmem:$0x1D300] =	vst v63  }
0x14a: {  	s11 =	simm.s32 @p0 $0x9000  }
0x14b: {  	[spmem:s2] =	stream.indirect.scatter.add.f32 @p0 [tilespmem:s11], [sflag:$0x5], $0x1, s31, s21, $0xb8;
	[tilespmem:$0x1D300] =	vst v63  }
0x14c: {  	s11 =	simm.s32 @p0 $0x2  }
0x14d: {  	_ =	swait.ge @p0 [sflag:s11], $0x2000  }
0x14e: {  	[sflag:s11] =	ssyncset.done @p0 $0x0  }
0x14f: {  	[sflag:s11] =	ssyncadd.s32 @p0 $0xFFFFE000;
	s11 =	simm.s32 @p0 $0x6  }
0x150: {  	_ =	swait.ge @p0 [sflag:s11], $0x4000  }
0x151: {  	[sflag:s11] =	ssyncset.done @p0 $0x0  }
0x152: {  	[sflag:s11] =	ssyncadd.s32 @p0 $0xFFFFC000;
	s11 =	simm.s32 @!p0 $0x3  }
0x153: {  	_ =	swait.ge @!p0 [sflag:s11], $0x400  }
0x154: {  	[sflag:s11] =	ssyncset.done @!p0 $0x0  }
0x155: {  	[sflag:s11] =	ssyncadd.s32 @!p0 $0xFFFFFC00  }
0x156: {  	_ =	swait.ge @!p0 [sflag:s11], $0x400  }
0x157: {  	[sflag:s11] =	ssyncset.done @!p0 $0x0  }
0x158: {  	s21 =	simm.s32 @!p0 $0x1000;
	[sflag:s11] =	ssyncadd.s32 @!p0 $0xFFFFFC00;
	s11 =	simm.s32 @!p0 $0x80  }
0x159: {  	[tilespmem:s21], [sflag:$0x1] =	stream.indirect.gather @!p0 [hbm4b:s14+s11], $0x40, s8, s11, $0xb8;
	[tilespmem:$0x1D300] =	vst v63  }
0x15a: {  	s8 =	simm.s32 @!p0 $0xF00;
	s21 =	simm.s32 @!p0 $0x5000  }
0x15b: {  	[spmem:s1] =	stream.indirect.scatter.add.f32 @!p0 [tilespmem:s21], [sflag:$0x6], $0x80, s8, s11, $0xb8;
	[tilespmem:$0x1D300] =	vst v63  }
0x15c: {  	s21 =	simm.s32 @!p0 $0x9000  }
0x15d: {  	[spmem:s2] =	stream.indirect.scatter.add.f32 @!p0 [tilespmem:s21], [sflag:$0x5], $0x1, s8, s11, $0xb8;
	[tilespmem:$0x1D300] =	vst v63  }
0x15e: {  	s8 =	simm.s32 @!p0 $0x2  }
0x15f: {  	_ =	swait.ge @!p0 [sflag:s8], $0x2000  }
0x160: {  	[sflag:s8] =	ssyncset.done @!p0 $0x0  }
0x161: {  	[sflag:s8] =	ssyncadd.s32 @!p0 $0xFFFFE000;
	s8 =	simm.s32 @!p0 $0x6  }
0x162: {  	_ =	swait.ge @!p0 [sflag:s8], $0x4000  }
0x163: {  	[sflag:s8] =	ssyncset.done @!p0 $0x0  }
0x164: {  	[sflag:s8] =	ssyncadd.s32 @!p0 $0xFFFFC000;
	s8 =	simm.s32 @!p0 $0x3000  }
0x165: {  	[tilespmem:s8], [sflag:$0x2] =	stream.indirect.gather @!p0 [hbm4b:s14+s11], $0x40, s11, s11, $0xb8;
	[tilespmem:$0x1D300] =	vst v63  }
0x166: {  	_ = 	snop  }
0x167: {  	[spmem:s1] =	stream.indirect.scatter.add.f32 [tilespmem:s28], [sflag:$0x6], $0x80, s19, s0, $0xb8;
	[tilespmem:$0x1D300] =	vst v63  }
0x168: {  	_ = 	snop  }
0x169: {  	[spmem:s2] =	stream.indirect.scatter.add.f32 [tilespmem:s30], [sflag:$0x5], $0x1, s19, s0, $0xb8;
	[tilespmem:$0x1D300] =	vst v63  }
0x16a: {  	_ =	swait.ge [sflag:s16], $0x80  }
0x16b: {  	[sflag:s16] =	ssyncset.done $0x0  }
0x16c: {  	[sflag:s16] =	ssyncadd.s32 $0xFFFFFF80  }
0x16d: {  	_ =	swait.ge [sflag:s16], $0x80  }
0x16e: {  	[sflag:s16] =	ssyncset.done $0x0  }
0x16f: {  	[sflag:s16] =	ssyncadd.s32 $0xFFFFFF80  }
0x170: {  	_ =	swait.ge [sflag:s16], $0x80  }
0x171: {  	[sflag:s16] =	ssyncset.done $0x0  }
0x172: {  	[sflag:s16] =	ssyncadd.s32 $0xFFFFFF80  }
0x173: {  	_ =	swait.ge [sflag:s16], $0x80  }
0x174: {  	[sflag:s16] =	ssyncset.done $0x0  }
0x175: {  	[sflag:s16] =	ssyncadd.s32 $0xFFFFFF80  }
0x176: {  	_ =	swait.ge [sflag:s16], $0x80  }
0x177: {  	[sflag:s16] =	ssyncset.done $0x0  }
0x178: {  	[sflag:s16] =	ssyncadd.s32 $0xFFFFFF80  }
0x179: {  	_ =	swait.ge [sflag:s16], $0x80  }
0x17a: {  	[sflag:s16] =	ssyncset.done $0x0  }
0x17b: {  	[sflag:s16] =	ssyncadd.s32 $0xFFFFFF80  }
0x17c: {  	_ =	swait.ge [sflag:s16], $0x80  }
0x17d: {  	[sflag:s16] =	ssyncset.done $0x0  }
0x17e: {  	[sflag:s16] =	ssyncadd.s32 $0xFFFFFF80  }
0x17f: {  	_ =	swait.ge [sflag:s16], $0x80  }
0x180: {  	s31 =	simm.s32 $0x100;
	[sflag:s16] =	ssyncset.done $0x0  }
.LBB2_4:
0x181: {  	[sflag:s16] =	ssyncadd.s32 $0xFFFFFF80  }
0x182: {  	_ =	swait.ge [sflag:s6], $0x2000  }
0x183: {  	[sflag:s6] =	ssyncset.done $0x0  }
0x184: {  	[sflag:s6] =	ssyncadd.s32 $0xFFFFE000  }
0x185: {  	s8 =	smov.u32 s31;
	_ =	swait.ge [sflag:s7], $0x4000  }
0x186: {  	s23 =	simm.s32 $0x800;
	s11 =	sadd.s32 s8, s12;
	[sflag:s7] =	ssyncset.done $0x0  }
0x187: {  	s21 =	sadd.s32 s8, s13;
	s11 =	sadd.s32 $0x80, s11;
	[sflag:s7] =	ssyncadd.s32 $0xFFFFC000  }
0x188: {  	[tilespmem:s23], [sflag:$0x4] =	stream.linear.gather [hbm4b:s11+s22], $0x400, $0x38;
	[tilespmem:$0x1D300] =	vst v63  }
0x189: {  	s11 =	sadd.s32 $0x80, s21  }
0x18a: {  	[tilespmem:s9], [sflag:$0x4] =	stream.linear.gather [hbm4b:s11+s22], $0x400, $0x38;
	[tilespmem:$0x1D300] =	vst v63  }
0x18b: {  	s21 =	rddreg [dreg:$0x4]  }
0x18c: {  	[tilespmem:s3], [sflag:$0x1] =	stream.indirect.gather [hbm4b:s14+s0], $0x40, s21, s0, $0xb8;
	[tilespmem:$0x1D300] =	vst v63  }
0x18d: {  	s22 =	simm.s32 $0x400  }
0x18e: {  	[spmem:s1] =	stream.indirect.scatter.add.f32 [tilespmem:s28], [sflag:$0x6], $0x80, s22, s0, $0xb8;
	[tilespmem:$0x1D300] =	vst v63  }
0x18f: {  	_ = 	snop  }
0x190: {  	[spmem:s2] =	stream.indirect.scatter.add.f32 [tilespmem:s30], [sflag:$0x5], $0x1, s22, s0, $0xb8;
	[tilespmem:$0x1D300] =	vst v63  }
0x191: {  	_ =	swait.ge [sflag:s10], $0x2000  }
0x192: {  	[sflag:s10] =	ssyncset.done $0x0  }
0x193: {  	[sflag:s10] =	ssyncadd.s32 $0xFFFFE000  }
0x194: {  	_ =	swait.ge [sflag:s7], $0x4000  }
0x195: {  	[sflag:s7] =	ssyncset.done $0x0  }
0x196: {  	s21 =	rddreg [dreg:$0x5];
	[sflag:s7] =	ssyncadd.s32 $0xFFFFC000  }
0x197: {  	[tilespmem:s5], [sflag:$0x2] =	stream.indirect.gather [hbm4b:s14+s0], $0x40, s21, s0, $0xb8;
	[tilespmem:$0x1D300] =	vst v63  }
0x198: {  	s22 =	simm.s32 $0x480  }
0x199: {  	[spmem:s1] =	stream.indirect.scatter.add.f32 [tilespmem:s28], [sflag:$0x6], $0x80, s22, s0, $0xb8;
	[tilespmem:$0x1D300] =	vst v63  }
0x19a: {  	_ = 	snop  }
0x19b: {  	[spmem:s2] =	stream.indirect.scatter.add.f32 [tilespmem:s30], [sflag:$0x5], $0x1, s22, s0, $0xb8;
	[tilespmem:$0x1D300] =	vst v63  }
0x19c: {  	_ =	swait.ge [sflag:s6], $0x2000  }
0x19d: {  	[sflag:s6] =	ssyncset.done $0x0  }
0x19e: {  	[sflag:s6] =	ssyncadd.s32 $0xFFFFE000  }
0x19f: {  	_ =	swait.ge [sflag:s7], $0x4000  }
0x1a0: {  	[sflag:s7] =	ssyncset.done $0x0  }
0x1a1: {  	s21 =	rddreg [dreg:$0x6];
	[sflag:s7] =	ssyncadd.s32 $0xFFFFC000  }
0x1a2: {  	[tilespmem:s3], [sflag:$0x1] =	stream.indirect.gather [hbm4b:s14+s0], $0x40, s21, s0, $0xb8;
	[tilespmem:$0x1D300] =	vst v63  }
0x1a3: {  	s22 =	simm.s32 $0x500  }
0x1a4: {  	[spmem:s1] =	stream.indirect.scatter.add.f32 [tilespmem:s28], [sflag:$0x6], $0x80, s22, s0, $0xb8;
	[tilespmem:$0x1D300] =	vst v63  }
0x1a5: {  	_ = 	snop  }
0x1a6: {  	[spmem:s2] =	stream.indirect.scatter.add.f32 [tilespmem:s30], [sflag:$0x5], $0x1, s22, s0, $0xb8;
	[tilespmem:$0x1D300] =	vst v63  }
0x1a7: {  	_ =	swait.ge [sflag:s10], $0x2000  }
0x1a8: {  	[sflag:s10] =	ssyncset.done $0x0  }
0x1a9: {  	[sflag:s10] =	ssyncadd.s32 $0xFFFFE000  }
0x1aa: {  	_ =	swait.ge [sflag:s7], $0x4000  }
0x1ab: {  	[sflag:s7] =	ssyncset.done $0x0  }
0x1ac: {  	s21 =	rddreg [dreg:$0x7];
	[sflag:s7] =	ssyncadd.s32 $0xFFFFC000  }
0x1ad: {  	[tilespmem:s5], [sflag:$0x2] =	stream.indirect.gather [hbm4b:s14+s0], $0x40, s21, s0, $0xb8;
	[tilespmem:$0x1D300] =	vst v63  }
0x1ae: {  	s22 =	simm.s32 $0x580  }
0x1af: {  	[spmem:s1] =	stream.indirect.scatter.add.f32 [tilespmem:s28], [sflag:$0x6], $0x80, s22, s0, $0xb8;
	[tilespmem:$0x1D300] =	vst v63  }
0x1b0: {  	_ = 	snop  }
0x1b1: {  	[spmem:s2] =	stream.indirect.scatter.add.f32 [tilespmem:s30], [sflag:$0x5], $0x1, s22, s0, $0xb8;
	[tilespmem:$0x1D300] =	vst v63  }
0x1b2: {  	_ =	swait.ge [sflag:s6], $0x2000  }
0x1b3: {  	[sflag:s6] =	ssyncset.done $0x0  }
0x1b4: {  	[sflag:s6] =	ssyncadd.s32 $0xFFFFE000  }
0x1b5: {  	_ =	swait.ge [sflag:s7], $0x4000  }
0x1b6: {  	[sflag:s7] =	ssyncset.done $0x0  }
0x1b7: {  	s21 =	rddreg [dreg:$0x8];
	[sflag:s7] =	ssyncadd.s32 $0xFFFFC000  }
0x1b8: {  	[tilespmem:s3], [sflag:$0x1] =	stream.indirect.gather [hbm4b:s14+s0], $0x40, s21, s0, $0xb8;
	[tilespmem:$0x1D300] =	vst v63  }
0x1b9: {  	s22 =	simm.s32 $0x600  }
0x1ba: {  	[spmem:s1] =	stream.indirect.scatter.add.f32 [tilespmem:s28], [sflag:$0x6], $0x80, s22, s0, $0xb8;
	[tilespmem:$0x1D300] =	vst v63  }
0x1bb: {  	_ = 	snop  }
0x1bc: {  	[spmem:s2] =	stream.indirect.scatter.add.f32 [tilespmem:s30], [sflag:$0x5], $0x1, s22, s0, $0xb8;
	[tilespmem:$0x1D300] =	vst v63  }
0x1bd: {  	_ =	swait.ge [sflag:s10], $0x2000  }
0x1be: {  	[sflag:s10] =	ssyncset.done $0x0  }
0x1bf: {  	[sflag:s10] =	ssyncadd.s32 $0xFFFFE000  }
0x1c0: {  	_ =	swait.ge [sflag:s7], $0x4000  }
0x1c1: {  	[sflag:s7] =	ssyncset.done $0x0  }
0x1c2: {  	s21 =	rddreg [dreg:$0x9];
	[sflag:s7] =	ssyncadd.s32 $0xFFFFC000  }
0x1c3: {  	[tilespmem:s5], [sflag:$0x2] =	stream.indirect.gather [hbm4b:s14+s0], $0x40, s21, s0, $0xb8;
	[tilespmem:$0x1D300] =	vst v63  }
0x1c4: {  	_ = 	snop  }
0x1c5: {  	[spmem:s1] =	stream.indirect.scatter.add.f32 [tilespmem:s28], [sflag:$0x6], $0x80, s20, s0, $0xb8;
	[tilespmem:$0x1D300] =	vst v63  }
0x1c6: {  	_ = 	snop  }
0x1c7: {  	[spmem:s2] =	stream.indirect.scatter.add.f32 [tilespmem:s30], [sflag:$0x5], $0x1, s20, s0, $0xb8;
	[tilespmem:$0x1D300] =	vst v63  }
0x1c8: {  	_ =	swait.ge [sflag:s6], $0x2000  }
0x1c9: {  	[sflag:s6] =	ssyncset.done $0x0  }
0x1ca: {  	[sflag:s6] =	ssyncadd.s32 $0xFFFFE000  }
0x1cb: {  	_ =	swait.ge [sflag:s7], $0x4000  }
0x1cc: {  	[sflag:s7] =	ssyncset.done $0x0  }
0x1cd: {  	[sflag:s7] =	ssyncadd.s32 $0xFFFFC000  }
0x1ce: {  	_ =	swait.ge [sflag:s25], $0x400  }
0x1cf: {  	[sflag:s25] =	ssyncset.done $0x0  }
0x1d0: {  	[sflag:s25] =	ssyncadd.s32 $0xFFFFFC00  }
0x1d1: {  	_ =	swait.ge [sflag:s25], $0x400  }
0x1d2: {  	[sflag:s25] =	ssyncset.done $0x0  }
0x1d3: {  	[sflag:s25] =	ssyncadd.s32 $0xFFFFFC00  }
0x1d4: {  	[tilespmem:s3], [sflag:$0x1] =	stream.indirect.gather [hbm4b:s14+s0], $0x40, s23, s0, $0xb8;
	[tilespmem:$0x1D300] =	vst v63  }
0x1d5: {  	_ = 	snop  }
0x1d6: {  	[spmem:s1] =	stream.indirect.scatter.add.f32 [tilespmem:s28], [sflag:$0x6], $0x80, s29, s0, $0xb8;
	[tilespmem:$0x1D300] =	vst v63  }
0x1d7: {  	_ = 	snop  }
0x1d8: {  	[spmem:s2] =	stream.indirect.scatter.add.f32 [tilespmem:s30], [sflag:$0x5], $0x1, s29, s0, $0xb8;
	[tilespmem:$0x1D300] =	vst v63  }
0x1d9: {  	_ =	swait.ge [sflag:s10], $0x2000  }
0x1da: {  	[sflag:s10] =	ssyncset.done $0x0  }
0x1db: {  	[sflag:s10] =	ssyncadd.s32 $0xFFFFE000  }
0x1dc: {  	_ =	swait.ge [sflag:s7], $0x4000  }
0x1dd: {  	[sflag:s7] =	ssyncset.done $0x0  }
0x1de: {  	s22 =	rddreg [dreg:$0xa];
	[sflag:s7] =	ssyncadd.s32 $0xFFFFC000  }
0x1df: {  	[tilespmem:s5], [sflag:$0x2] =	stream.indirect.gather [hbm4b:s14+s0], $0x40, s22, s0, $0xb8;
	[tilespmem:$0x1D300] =	vst v63  }
0x1e0: {  	_ = 	snop  }
0x1e1: {  	[spmem:s1] =	stream.indirect.scatter.add.f32 [tilespmem:s28], [sflag:$0x6], $0x80, s4, s0, $0xb8;
	[tilespmem:$0x1D300] =	vst v63  }
0x1e2: {  	_ = 	snop  }
0x1e3: {  	[spmem:s2] =	stream.indirect.scatter.add.f32 [tilespmem:s30], [sflag:$0x5], $0x1, s4, s0, $0xb8;
	[tilespmem:$0x1D300] =	vst v63  }
0x1e4: {  	_ =	swait.ge [sflag:s6], $0x2000  }
0x1e5: {  	[sflag:s6] =	ssyncset.done $0x0  }
0x1e6: {  	[sflag:s6] =	ssyncadd.s32 $0xFFFFE000  }
0x1e7: {  	_ =	swait.ge [sflag:s7], $0x4000  }
0x1e8: {  	[sflag:s7] =	ssyncset.done $0x0  }
0x1e9: {  	[sflag:s7] =	ssyncadd.s32 $0xFFFFC000  }
0x1ea: {  	_ =	swait.ge [sflag:s16], $0x80  }
0x1eb: {  	[sflag:s16] =	ssyncset.done $0x0  }
0x1ec: {  	[sflag:s16] =	ssyncadd.s32 $0xFFFFFF80  }
0x1ed: {  	_ =	swait.ge [sflag:s16], $0x80  }
0x1ee: {  	[sflag:s16] =	ssyncset.done $0x0  }
0x1ef: {  	[sflag:s16] =	ssyncadd.s32 $0xFFFFFF80  }
0x1f0: {  	_ =	swait.ge [sflag:s16], $0x80  }
0x1f1: {  	[sflag:s16] =	ssyncset.done $0x0  }
0x1f2: {  	[sflag:s16] =	ssyncadd.s32 $0xFFFFFF80  }
0x1f3: {  	_ =	swait.ge [sflag:s16], $0x80  }
0x1f4: {  	[sflag:s16] =	ssyncset.done $0x0  }
0x1f5: {  	[sflag:s16] =	ssyncadd.s32 $0xFFFFFF80  }
0x1f6: {  	_ =	swait.ge [sflag:s16], $0x80  }
0x1f7: {  	[sflag:s16] =	ssyncset.done $0x0  }
0x1f8: {  	[sflag:s16] =	ssyncadd.s32 $0xFFFFFF80  }
0x1f9: {  	_ =	swait.ge [sflag:s16], $0x80  }
0x1fa: {  	[sflag:s16] =	ssyncset.done $0x0  }
0x1fb: {  	[sflag:s16] =	ssyncadd.s32 $0xFFFFFF80  }
0x1fc: {  	_ =	swait.ge [sflag:s16], $0x80  }
0x1fd: {  	[sflag:s16] =	ssyncset.done $0x0  }
0x1fe: {  	p1 =	seq.s32 s8, $0x400;
	[sflag:s16] =	ssyncadd.s32 $0xFFFFFF80  }
0x1ff: {  	s11 =	sadd.s32 @!p1 s8, s12;
	_ =	swait.ge [sflag:s16], $0x80  }
0x200: {  	s11 =	sadd.s32 @!p1 $0x100, s11;
	[sflag:s16] =	ssyncset.done $0x0  }
0x201: {  	s21 =	sadd.s32 @!p1 s8, s13;
	s8 =	simm.s32 @!p1 $0x0;
	[sflag:s16] =	ssyncadd.s32 $0xFFFFFF80  }
0x202: {  	[tilespmem:s8], [sflag:$0x3] =	stream.linear.gather @!p1 [hbm4b:s11+s8], $0x400, $0x38;
	[tilespmem:$0x1D300] =	vst v63  }
0x203: {  	s11 =	sadd.s32 @!p1 $0x100, s21;
	s21 =	simm.s32 @!p1 $0x400  }
0x204: {  	[tilespmem:s21], [sflag:$0x3] =	stream.linear.gather @!p1 [hbm4b:s11+s8], $0x400, $0x38;
	[tilespmem:$0x1D300] =	vst v63  }
0x205: {  	s23 =	rddreg [dreg:$0xb]  }
0x206: {  	[tilespmem:s3], [sflag:$0x1] =	stream.indirect.gather [hbm4b:s14+s0], $0x40, s23, s0, $0xb8;
	[tilespmem:$0x1D300] =	vst v63  }
0x207: {  	_ = 	snop  }
0x208: {  	[spmem:s1] =	stream.indirect.scatter.add.f32 [tilespmem:s28], [sflag:$0x6], $0x80, s9, s0, $0xb8;
	[tilespmem:$0x1D300] =	vst v63  }
0x209: {  	_ = 	snop  }
0x20a: {  	[spmem:s2] =	stream.indirect.scatter.add.f32 [tilespmem:s30], [sflag:$0x5], $0x1, s9, s0, $0xb8;
	[tilespmem:$0x1D300] =	vst v63  }
0x20b: {  	_ =	swait.ge [sflag:s10], $0x2000  }
0x20c: {  	[sflag:s10] =	ssyncset.done $0x0  }
0x20d: {  	[sflag:s10] =	ssyncadd.s32 $0xFFFFE000  }
0x20e: {  	_ =	swait.ge [sflag:s7], $0x4000  }
0x20f: {  	[sflag:s7] =	ssyncset.done $0x0  }
0x210: {  	s22 =	rddreg [dreg:$0xc];
	[sflag:s7] =	ssyncadd.s32 $0xFFFFC000  }
0x211: {  	[tilespmem:s5], [sflag:$0x2] =	stream.indirect.gather [hbm4b:s14+s0], $0x40, s22, s0, $0xb8;
	[tilespmem:$0x1D300] =	vst v63  }
0x212: {  	_ = 	snop  }
0x213: {  	[spmem:s1] =	stream.indirect.scatter.add.f32 [tilespmem:s28], [sflag:$0x6], $0x80, s24, s0, $0xb8;
	[tilespmem:$0x1D300] =	vst v63  }
0x214: {  	_ = 	snop  }
0x215: {  	[spmem:s2] =	stream.indirect.scatter.add.f32 [tilespmem:s30], [sflag:$0x5], $0x1, s24, s0, $0xb8;
	[tilespmem:$0x1D300] =	vst v63  }
0x216: {  	_ =	swait.ge [sflag:s6], $0x2000  }
0x217: {  	[sflag:s6] =	ssyncset.done $0x0  }
0x218: {  	[sflag:s6] =	ssyncadd.s32 $0xFFFFE000  }
0x219: {  	_ =	swait.ge [sflag:s7], $0x4000  }
0x21a: {  	[sflag:s7] =	ssyncset.done $0x0  }
0x21b: {  	s23 =	rddreg [dreg:$0xd];
	[sflag:s7] =	ssyncadd.s32 $0xFFFFC000  }
0x21c: {  	[tilespmem:s3], [sflag:$0x1] =	stream.indirect.gather [hbm4b:s14+s0], $0x40, s23, s0, $0xb8;
	[tilespmem:$0x1D300] =	vst v63  }
0x21d: {  	_ = 	snop  }
0x21e: {  	[spmem:s1] =	stream.indirect.scatter.add.f32 [tilespmem:s28], [sflag:$0x6], $0x80, s26, s0, $0xb8;
	[tilespmem:$0x1D300] =	vst v63  }
0x21f: {  	_ = 	snop  }
0x220: {  	[spmem:s2] =	stream.indirect.scatter.add.f32 [tilespmem:s30], [sflag:$0x5], $0x1, s26, s0, $0xb8;
	[tilespmem:$0x1D300] =	vst v63  }
0x221: {  	_ =	swait.ge [sflag:s10], $0x2000  }
0x222: {  	[sflag:s10] =	ssyncset.done $0x0  }
0x223: {  	[sflag:s10] =	ssyncadd.s32 $0xFFFFE000  }
0x224: {  	_ =	swait.ge [sflag:s7], $0x4000  }
0x225: {  	[sflag:s7] =	ssyncset.done $0x0  }
0x226: {  	s21 =	rddreg [dreg:$0xe];
	[sflag:s7] =	ssyncadd.s32 $0xFFFFC000  }
0x227: {  	[tilespmem:s5], [sflag:$0x2] =	stream.indirect.gather [hbm4b:s14+s0], $0x40, s21, s0, $0xb8;
	[tilespmem:$0x1D300] =	vst v63  }
0x228: {  	_ = 	snop  }
0x229: {  	[spmem:s1] =	stream.indirect.scatter.add.f32 [tilespmem:s28], [sflag:$0x6], $0x80, s15, s0, $0xb8;
	[tilespmem:$0x1D300] =	vst v63  }
0x22a: {  	_ = 	snop  }
0x22b: {  	[spmem:s2] =	stream.indirect.scatter.add.f32 [tilespmem:s30], [sflag:$0x5], $0x1, s15, s0, $0xb8;
	[tilespmem:$0x1D300] =	vst v63  }
0x22c: {  	_ =	swait.ge [sflag:s6], $0x2000  }
0x22d: {  	[sflag:s6] =	ssyncset.done $0x0  }
0x22e: {  	[sflag:s6] =	ssyncadd.s32 $0xFFFFE000  }
0x22f: {  	_ =	swait.ge [sflag:s7], $0x4000  }
0x230: {  	[sflag:s7] =	ssyncset.done $0x0  }
0x231: {  	s22 =	rddreg [dreg:$0xf];
	[sflag:s7] =	ssyncadd.s32 $0xFFFFC000  }
0x232: {  	[tilespmem:s3], [sflag:$0x1] =	stream.indirect.gather [hbm4b:s14+s0], $0x40, s22, s0, $0xb8;
	[tilespmem:$0x1D300] =	vst v63  }
0x233: {  	_ = 	snop  }
0x234: {  	[spmem:s1] =	stream.indirect.scatter.add.f32 [tilespmem:s28], [sflag:$0x6], $0x80, s17, s0, $0xb8;
	[tilespmem:$0x1D300] =	vst v63  }
0x235: {  	_ = 	snop  }
0x236: {  	[spmem:s2] =	stream.indirect.scatter.add.f32 [tilespmem:s30], [sflag:$0x5], $0x1, s17, s0, $0xb8;
	[tilespmem:$0x1D300] =	vst v63  }
0x237: {  	_ =	swait.ge [sflag:s10], $0x2000  }
0x238: {  	[sflag:s10] =	ssyncset.done $0x0  }
0x239: {  	[sflag:s10] =	ssyncadd.s32 $0xFFFFE000  }
0x23a: {  	_ =	swait.ge [sflag:s7], $0x4000  }
0x23b: {  	[sflag:s7] =	ssyncset.done $0x0  }
0x23c: {  	s23 =	rddreg [dreg:$0x10];
	[sflag:s7] =	ssyncadd.s32 $0xFFFFC000  }
0x23d: {  	[tilespmem:s5], [sflag:$0x2] =	stream.indirect.gather [hbm4b:s14+s0], $0x40, s23, s0, $0xb8;
	[tilespmem:$0x1D300] =	vst v63  }
0x23e: {  	_ = 	snop  }
0x23f: {  	[spmem:s1] =	stream.indirect.scatter.add.f32 [tilespmem:s28], [sflag:$0x6], $0x80, s18, s0, $0xb8;
	[tilespmem:$0x1D300] =	vst v63  }
0x240: {  	_ = 	snop  }
0x241: {  	[spmem:s2] =	stream.indirect.scatter.add.f32 [tilespmem:s30], [sflag:$0x5], $0x1, s18, s0, $0xb8;
	[tilespmem:$0x1D300] =	vst v63  }
0x242: {  	_ =	swait.ge [sflag:s6], $0x2000  }
0x243: {  	[sflag:s6] =	ssyncset.done $0x0  }
0x244: {  	[sflag:s6] =	ssyncadd.s32 $0xFFFFE000  }
0x245: {  	_ =	swait.ge [sflag:s7], $0x4000  }
0x246: {  	s11 =	simm.s32 @p1 $0x5000;
	[sflag:s7] =	ssyncset.done $0x0  }
0x247: {  	s21 =	simm.s32 @p1 $0x80;
	s22 =	simm.s32 @p1 $0xF00;
	[sflag:s7] =	ssyncadd.s32 $0xFFFFC000  }
0x248: {  	[spmem:s1] =	stream.indirect.scatter.add.f32 @p1 [tilespmem:s11], [sflag:$0x6], $0x80, s22, s21, $0xb8;
	[tilespmem:$0x1D300] =	vst v63  }
0x249: {  	s23 =	simm.s32 @p1 $0x2;
	s11 =	simm.s32 @p1 $0x9000  }
0x24a: {  	[spmem:s2] =	stream.indirect.scatter.add.f32 @p1 [tilespmem:s11], [sflag:$0x5], $0x1, s22, s21, $0xb8;
	[tilespmem:$0x1D300] =	vst v63  }
0x24b: {  	_ =	swait.ge @p1 [sflag:s23], $0x2000  }
0x24c: {  	[sflag:s23] =	ssyncset.done @p1 $0x0  }
0x24d: {  	s11 =	simm.s32 @p1 $0x6;
	[sflag:s23] =	ssyncadd.s32 @p1 $0xFFFFE000  }
0x24e: {  	_ =	swait.ge @p1 [sflag:s11], $0x4000  }
0x24f: {  	[sflag:s11] =	ssyncset.done @p1 $0x0  }
0x250: {  	[sflag:s11] =	ssyncadd.s32 @p1 $0xFFFFC000;
	s11 =	simm.s32 @!p1 $0x3  }
0x251: {  	_ =	swait.ge @!p1 [sflag:s11], $0x400  }
0x252: {  	[sflag:s11] =	ssyncset.done @!p1 $0x0  }
0x253: {  	[sflag:s11] =	ssyncadd.s32 @!p1 $0xFFFFFC00  }
0x254: {  	_ =	swait.ge @!p1 [sflag:s11], $0x400  }
0x255: {  	[sflag:s11] =	ssyncset.done @!p1 $0x0  }
0x256: {  	s21 =	simm.s32 @!p1 $0x1000;
	[sflag:s11] =	ssyncadd.s32 @!p1 $0xFFFFFC00;
	s11 =	simm.s32 @!p1 $0x80  }
0x257: {  	[tilespmem:s21], [sflag:$0x1] =	stream.indirect.gather @!p1 [hbm4b:s14+s11], $0x40, s8, s11, $0xb8;
	[tilespmem:$0x1D300] =	vst v63  }
0x258: {  	s8 =	simm.s32 @!p1 $0xF00;
	s21 =	simm.s32 @!p1 $0x5000  }
0x259: {  	[spmem:s1] =	stream.indirect.scatter.add.f32 @!p1 [tilespmem:s21], [sflag:$0x6], $0x80, s8, s11, $0xb8;
	[tilespmem:$0x1D300] =	vst v63  }
0x25a: {  	s22 =	simm.s32 @!p1 $0x2;
	s21 =	simm.s32 @!p1 $0x9000  }
0x25b: {  	[spmem:s2] =	stream.indirect.scatter.add.f32 @!p1 [tilespmem:s21], [sflag:$0x5], $0x1, s8, s11, $0xb8;
	[tilespmem:$0x1D300] =	vst v63  }
0x25c: {  	_ =	swait.ge @!p1 [sflag:s22], $0x2000  }
0x25d: {  	[sflag:s22] =	ssyncset.done @!p1 $0x0  }
0x25e: {  	s8 =	simm.s32 @!p1 $0x6;
	[sflag:s22] =	ssyncadd.s32 @!p1 $0xFFFFE000  }
0x25f: {  	_ =	swait.ge @!p1 [sflag:s8], $0x4000  }
0x260: {  	[sflag:s8] =	ssyncset.done @!p1 $0x0  }
0x261: {  	[sflag:s8] =	ssyncadd.s32 @!p1 $0xFFFFC000;
	s8 =	simm.s32 @!p1 $0x3000  }
0x262: {  	[tilespmem:s8], [sflag:$0x2] =	stream.indirect.gather @!p1 [hbm4b:s14+s11], $0x40, s11, s11, $0xb8;
	[tilespmem:$0x1D300] =	vst v63  }
0x263: {  	_ = 	snop  }
0x264: {  	[spmem:s1] =	stream.indirect.scatter.add.f32 [tilespmem:s28], [sflag:$0x6], $0x80, s19, s0, $0xb8;
	[tilespmem:$0x1D300] =	vst v63  }
0x265: {  	_ = 	snop  }
0x266: {  	[spmem:s2] =	stream.indirect.scatter.add.f32 [tilespmem:s30], [sflag:$0x5], $0x1, s19, s0, $0xb8;
	[tilespmem:$0x1D300] =	vst v63  }
0x267: {  	_ =	swait.ge [sflag:s16], $0x80  }
0x268: {  	[sflag:s16] =	ssyncset.done $0x0  }
0x269: {  	[sflag:s16] =	ssyncadd.s32 $0xFFFFFF80  }
0x26a: {  	_ =	swait.ge [sflag:s16], $0x80  }
0x26b: {  	[sflag:s16] =	ssyncset.done $0x0  }
0x26c: {  	[sflag:s16] =	ssyncadd.s32 $0xFFFFFF80  }
0x26d: {  	_ =	swait.ge [sflag:s16], $0x80  }
0x26e: {  	[sflag:s16] =	ssyncset.done $0x0  }
0x26f: {  	[sflag:s16] =	ssyncadd.s32 $0xFFFFFF80  }
0x270: {  	_ =	swait.ge [sflag:s16], $0x80  }
0x271: {  	[sflag:s16] =	ssyncset.done $0x0  }
0x272: {  	[sflag:s16] =	ssyncadd.s32 $0xFFFFFF80  }
0x273: {  	_ =	swait.ge [sflag:s16], $0x80  }
0x274: {  	[sflag:s16] =	ssyncset.done $0x0  }
0x275: {  	[sflag:s16] =	ssyncadd.s32 $0xFFFFFF80  }
0x276: {  	_ =	swait.ge [sflag:s16], $0x80  }
0x277: {  	s31 =	sadd.s32 $0x100, s31;
	[sflag:s16] =	ssyncset.done $0x0  }
0x278: {  	p0 =	sne.s32 s31, $0x500;
	[sflag:s16] =	ssyncadd.s32 $0xFFFFFF80  }
.Ltmp1:
0x279: {  	_ =	swait.ge [sflag:s16], $0x80;
	(pc) =	sbr.rel @p0 .LBB2_4-.Ltmp1, $4  }
0x27a: {  	[sflag:s16] =	ssyncset.done $0x0  }
0x27b: {  	[sflag:s16] =	ssyncadd.s32 $0xFFFFFF80  }
0x27c: {  	_ =	swait.ge [sflag:s16], $0x80  }
0x27d: {  	s22 =	simm.s32 $0x0;
	[sflag:s16] =	ssyncset.done $0x0  }
0x27e: {  	[sflag:s16] =	ssyncadd.s32 $0xFFFFFF80  }
0x27f: {  	_ =	swait.ge [sflag:s7], $0x4000  }
0x280: {  	[sflag:s7] =	ssyncset.done $0x0  }
0x281: {  	[sflag:s7] =	ssyncadd.s32 $0xFFFFC000  }
0x282: {  	s8 =	stileid.u32;
	[bflag:$0x0] =	sbarrier.arrive $0xFFFF  }
0x283: {  	s31 =	simm.s32 $0x7;
	s8 =	sshll.u32 s8, $0x6;
	s23 =	rddreg [dreg:$0x18]  }
0x284: {  	s8 =	sor.u32 $0x1C07, s8;
	s21 =	rddreg [dreg:$0x11];
	s11 =	sshrl.u32 s23, $0x3  }
0x285: {  	[hbm:s21], [sflag:s8] =	dma.local [spmem:s11], $0x800  }
0x286: {  	_ =	swait.ge [sflag:s31], $0x800  }
0x287: {  	[sflag:s31] =	ssyncset.done $0x0;
	s4 =	rddreg [dreg:$0x19]  }
0x288: {  	s15 =	rddreg [dreg:$0x12];
	[sflag:s31] =	ssyncadd.s32 $0xFFFFF800;
	s11 =	sshrl.u32 s4, $0x3  }
0x289: {  	[hbm:s15], [sflag:s8] =	dma.local [spmem:s11], $0x800  }
0x28a: {  	_ =	swait.ge [sflag:s31], $0x800  }
0x28b: {  	[sflag:s31] =	ssyncset.done $0x0;
	s4 =	rddreg [dreg:$0x1a]  }
0x28c: {  	s15 =	rddreg [dreg:$0x13];
	[sflag:s31] =	ssyncadd.s32 $0xFFFFF800;
	s11 =	sshrl.u32 s4, $0x3  }
0x28d: {  	[hbm:s15], [sflag:s8] =	dma.local [spmem:s11], $0x800  }
0x28e: {  	_ =	swait.ge [sflag:s31], $0x800  }
0x28f: {  	[sflag:s31] =	ssyncset.done $0x0;
	s4 =	rddreg [dreg:$0x1b]  }
0x290: {  	s15 =	rddreg [dreg:$0x14];
	[sflag:s31] =	ssyncadd.s32 $0xFFFFF800;
	s11 =	sshrl.u32 s4, $0x3  }
0x291: {  	[hbm:s15], [sflag:s8] =	dma.local [spmem:s11], $0x800  }
0x292: {  	_ =	swait.ge [sflag:s31], $0x800  }
0x293: {  	[sflag:s31] =	ssyncset.done $0x0;
	s4 =	rddreg [dreg:$0x1c]  }
0x294: {  	s15 =	rddreg [dreg:$0x15];
	[sflag:s31] =	ssyncadd.s32 $0xFFFFF800;
	s11 =	sshrl.u32 s4, $0x3  }
0x295: {  	[hbm:s15], [sflag:s8] =	dma.local [spmem:s11], $0x800  }
0x296: {  	_ =	swait.ge [sflag:s31], $0x800  }
0x297: {  	s15 =	sld [smem:$0x7FC]  }
0x298: {  	[sflag:s31] =	ssyncset.done $0x0;
	s4 =	rddreg [dreg:$0x1d]  }
0x299: {  	[sflag:s31] =	ssyncadd.s32 $0xFFFFF800;
	s11 =	sshrl.u32 s4, $0x3  }
0x29a: {  	[hbm:s15], [sflag:s8] =	dma.local [spmem:s11], $0x50  }
0x29b: {  	_ =	swait.ge [sflag:s31], $0x50  }
0x29c: {  	s4 =	sld [smem:$0x7F9]  }
0x29d: {  	s21 =	sld [smem:$0x7FD];
	_ =	sdelay $0x1  }
0x29e: {  	s4 =	sadd.s32 $0x1, s4  }
0x29f: {  	p0 =	sne.s32 s4, s21  }
.Ltmp2:
0x2a0: {  	_ = 	snop;
	(pc) =	sbr.rel @p0 .LBB2_1-.Ltmp2, $3  }
0x2a1: {  	_ =	sdelay $0x1  }
0x2a2: {  	[sflag:s31] =	ssyncset.done $0x0  }
0x2a3: {  	[sflag:s31] =	ssyncadd.s32 $0xFFFFFFB0  }
0x2a4: {  	_ =	sfence.sel $0x180000  }
0x2a5: {  	[bflag:$0x0] =	sbarrier.arrive $0xFFFF  }
0x2a6: {  	_ =	strace $0x90000047  }
0x2a7: {  	s0 =	stileid.u32;
	[bflag:$0x2] =	sbarrier.arrive $0xFFFF  }
0x2a8: {  	p0 =	sne.s32 s0, $0x0;
	s0 =	rddreg [dreg:$0x3]  }
0x2a9: {  	s0 =	sadd.s32 @!p0 $0x100000, s0  }
0x2aa: {  	[sflag:s0] =	ssyncadd.tile.s32 @!p0 $0x1;
	_ =	shalt  }
.Lfunc_end2:
_tile_overlayer_lowered:
.L_overlay_start_2:
0x2ab: {  	(tag) =	ssettag $0x2  }
0x2ac: {  	s0 =	rddreg [dreg:$0x0];
	s2 =	stileid.u32  }
0x2ad: {  	s1 =	rddreg [dreg:$0x1];
	p0 =	sne.s32 s2, $0x0  }
0x2ae: {  	s3 =	rddreg [dreg:$0x2];
	[bflag:$0x3] =	sbarrier.arrive $0xFFFF;
	s2 =	simm.s32 @!p0 $0x1C07  }
0x2af: {  	[timem:s3], [sflag:s2] =	dma.local @!p0 [hbm:s0], s1  }
0x2b0: {  	s0 =	simm.s32 @!p0 $0x7  }
0x2b1: {  	_ =	swait.ge @!p0 [sflag:s0], s1  }
0x2b2: {  	s1 =	ssub.s32 @!p0 $0x0, s1;
	[sflag:s0] =	ssyncset.done @!p0 $0x0  }
0x2b3: {  	[sflag:s0] =	ssyncadd.s32 @!p0 s1  }
0x2b4: {  	[bflag:$0x3] =	sbarrier.arrive $0xFFFF  }
0x2b5: {  	_ =	shalt  }

</sc_bundles>
